<compile_context>
chip_gen: v7x
topology: tpu7x:2x2x1
jax: 0.10.2.dev20260603
libtpu: 0.0.44.dev20260713+nightly
codegen_flags: <defaults>
</compile_context>

<pallas_src>
import functools

import jax
import jax.numpy as jnp
from jax import lax
from jax.experimental import pallas as pl
from jax.experimental.pallas import tpu as pltpu
from jax.experimental.pallas import tpu_sc as plsc

VOCAB = 100000
HIDDEN = 1024
TYPE_VOCAB = 2
MAX_POS = 8192
BATCH = 4
SEQ = 4096
LN_EPS = 1e-12

NTOK = BATCH * SEQ
NC = 2
NS = 16
NW = NC * NS

NSEG = 4
SEG_TOK = NTOK // NSEG
SEG_SEQ = SEQ // NSEG
ROWS_PER_W = SEG_TOK // NW
CHUNK = 16
N_CHUNKS = ROWS_PER_W // CHUNK
NBUF = 4

TOK_BLK = 1024
BLKS_PER_SEQ = SEQ // TOK_BLK
SEG_BLKS = SEG_SEQ // TOK_BLK


def _sc_gather(table, idx):
    mesh = plsc.VectorSubcoreMesh(core_axis_name="c", subcore_axis_name="s")

    @functools.partial(
        pl.kernel,
        mesh=mesh,
        out_type=jax.ShapeDtypeStruct((SEG_TOK, HIDDEN), jnp.float32),
        scratch_types=(
            [pltpu.VMEM((N_CHUNKS, CHUNK), jnp.int32)]
            + [pltpu.VMEM((CHUNK, HIDDEN), jnp.float32)] * NBUF
            + [pltpu.SemaphoreType.DMA] * (2 * NBUF)
        ),
    )
    def k(table_hbm, idx_hbm, out_hbm, idx_v, *bufs_and_sems):
        rows = bufs_and_sems[:NBUF]
        gsem = bufs_and_sems[NBUF:2 * NBUF]
        osem = bufs_and_sems[2 * NBUF:3 * NBUF]
        wid = lax.axis_index("s") * NC + lax.axis_index("c")
        base = wid * ROWS_PER_W
        pltpu.sync_copy(idx_hbm.at[wid], idx_v)

        def out_slice(j):
            return out_hbm.at[pl.ds(base + j * CHUNK, CHUNK)]

        def start_gather(j):
            pltpu.async_copy(table_hbm.at[idx_v.at[j]], rows[j % NBUF],
                             gsem[j % NBUF])

        for j in range(min(2, N_CHUNKS)):
            start_gather(j)
        for j in range(N_CHUNKS):
            b = j % NBUF
            if j + 2 < N_CHUNKS:
                nb = (j + 2) % NBUF
                if j >= 2:
                    pltpu.make_async_copy(rows[nb], out_slice(j - 2),
                                          osem[nb]).wait()
                start_gather(j + 2)
            pltpu.make_async_copy(table_hbm.at[idx_v.at[j]], rows[b],
                                  gsem[b]).wait()
            pltpu.async_copy(rows[b], out_slice(j), osem[b])
        for j in range(max(0, N_CHUNKS - NBUF), N_CHUNKS):
            pltpu.make_async_copy(rows[j % NBUF], out_slice(j),
                                  osem[j % NBUF]).wait()

    return k(table, idx)


def _ln_math(g_ref, tt_ref, ttab_ref, pos_ref, gamma_ref, beta_ref, out_ref):
    x = g_ref[...]
    tt = tt_ref[0, 0, :]
    row0 = ttab_ref[0, :]
    row1 = ttab_ref[1, :]
    ttf = tt.astype(jnp.float32)[:, None]
    x = x + row0[None, :] + ttf * (row1 - row0)[None, :]
    x = x + pos_ref[...]
    mean = jnp.mean(x, axis=1, keepdims=True)
    xc = x - mean
    var = jnp.mean(xc * xc, axis=1, keepdims=True)
    normed = xc * lax.rsqrt(var + LN_EPS)
    out_ref[...] = normed * gamma_ref[0, :][None, :] + beta_ref[0, :][None, :]


def _ln_body_first(g_ref, tt_ref, ttab_ref, pos_ref, gamma_ref, beta_ref,
                   out_ref):
    _ln_math(g_ref, tt_ref, ttab_ref, pos_ref, gamma_ref, beta_ref, out_ref)


def _ln_body_chained(o_prev_ref, g_ref, tt_ref, ttab_ref, pos_ref, gamma_ref,
                     beta_ref, out_ref):
    del o_prev_ref
    _ln_math(g_ref, tt_ref, ttab_ref, pos_ref, gamma_ref, beta_ref, out_ref)


def _tc_add_ln_seg(seg, o_prev, gathered, tt_seg, token_type_embeddings,
                   position_embeddings, gamma2d, beta2d):
    tt3 = tt_seg.reshape(SEG_TOK // TOK_BLK, 1, TOK_BLK)
    data_specs = [
        pl.BlockSpec((TOK_BLK, HIDDEN), lambda i, j: (j * SEG_BLKS + i, 0)),
        pl.BlockSpec((1, 1, TOK_BLK), lambda i, j: (j * SEG_BLKS + i, 0, 0)),
        pl.BlockSpec((TYPE_VOCAB, HIDDEN), lambda i, j: (0, 0)),
        pl.BlockSpec((TOK_BLK, HIDDEN), lambda i, j: (seg * SEG_BLKS + i, 0)),
        pl.BlockSpec((1, HIDDEN), lambda i, j: (0, 0)),
        pl.BlockSpec((1, HIDDEN), lambda i, j: (0, 0)),
    ]
    out_spec = pl.BlockSpec(
        (TOK_BLK, HIDDEN),
        lambda i, j: (j * BLKS_PER_SEQ + seg * SEG_BLKS + i, 0))
    out_shape = jax.ShapeDtypeStruct((NTOK, HIDDEN), jnp.float32)
    args = (gathered, tt3, token_type_embeddings, position_embeddings,
            gamma2d, beta2d)
    if o_prev is None:
        return pl.pallas_call(
            _ln_body_first,
            grid=(SEG_BLKS, BATCH),
            in_specs=data_specs,
            out_specs=out_spec,
            out_shape=out_shape,
        )(*args)
    return pl.pallas_call(
        _ln_body_chained,
        grid=(SEG_BLKS, BATCH),
        in_specs=[pl.BlockSpec(memory_space=pltpu.MemorySpace.HBM)] + data_specs,
        out_specs=out_spec,
        out_shape=out_shape,
        input_output_aliases={0: 0},
    )(o_prev, *args)


@jax.jit
def kernel(input_ids, token_type_ids, word_embeddings, position_embeddings,
           token_type_embeddings, ln_gamma, ln_beta):
    ids = input_ids.astype(jnp.int32)
    tts = token_type_ids.astype(jnp.int32)
    gamma2d = ln_gamma.reshape(1, HIDDEN)
    beta2d = ln_beta.reshape(1, HIDDEN)

    out = None
    for seg in range(NSEG):
        s0 = seg * SEG_SEQ
        idx_seg = ids[:, s0:s0 + SEG_SEQ].reshape(NW, N_CHUNKS, CHUNK)
        tt_seg = tts[:, s0:s0 + SEG_SEQ].reshape(-1)
        gathered = _sc_gather(word_embeddings, idx_seg)
        out = _tc_add_ln_seg(seg, out, gathered, tt_seg,
                             token_type_embeddings, position_embeddings,
                             gamma2d, beta2d)
    return out.reshape(BATCH, SEQ, HIDDEN)

# --- scband reference (transcript-rebuilt; emitter-appended) ---
"""Pipeline reference for scband-bert-embeddings-71476845740432 (READ-ONLY COPY).

The authoritative reference and input builder live on the scoring server;
editing this copy changes nothing except your own understanding.
"""

import jax, jax.numpy as jnp
import numpy as np

VOCAB = 100000
HIDDEN = 1024
TYPE_VOCAB = 2
MAX_POS = 8192
BATCH = 4
SEQ = 4096
LN_EPS = 1e-12


def setup_inputs(seed: int = 0) -> dict:
    key = jax.random.key(seed)
    k1, k2, k3, k4, k5 = jax.random.split(key, 5)
    input_ids = jax.random.randint(k1, (BATCH, SEQ), 0, VOCAB, dtype=jnp.int64 if jax.config.jax_enable_x64 else jnp.int32)
    token_type_ids = jax.random.randint(k2, (BATCH, SEQ), 0, TYPE_VOCAB, dtype=jnp.int64 if jax.config.jax_enable_x64 else jnp.int32)
    word_embeddings = jax.random.normal(k3, (VOCAB, HIDDEN), dtype=jnp.float32) * 0.02
    position_embeddings = jax.random.normal(k4, (MAX_POS, HIDDEN), dtype=jnp.float32) * 0.02
    token_type_embeddings = jax.random.normal(k5, (TYPE_VOCAB, HIDDEN), dtype=jnp.float32) * 0.02
    ln_gamma = jnp.ones((HIDDEN,), dtype=jnp.float32)
    ln_beta = jnp.zeros((HIDDEN,), dtype=jnp.float32)
    return {
        "input_ids": input_ids,
        "token_type_ids": token_type_ids,
        "word_embeddings": word_embeddings,
        "position_embeddings": position_embeddings,
        "token_type_embeddings": token_type_embeddings,
        "ln_gamma": ln_gamma,
        "ln_beta": ln_beta,
    }


def reference(input_ids, token_type_ids, word_embeddings, position_embeddings, token_type_embeddings, ln_gamma, ln_beta):
    # word embedding gather
    input_embeddings = jnp.take(word_embeddings, input_ids, axis=0)  # [B, S, H]
    batch_size, seq_length, width = input_embeddings.shape
    # token type via one-hot matmul (faithful to original)
    flat_token_type_ids = token_type_ids.reshape(-1)
    one_hot_ids = jax.nn.one_hot(flat_token_type_ids, TYPE_VOCAB, dtype=jnp.float32)
    tt_emb = jnp.matmul(one_hot_ids, token_type_embeddings)
    tt_emb = tt_emb.reshape(batch_size, seq_length, width)
    input_embeddings = input_embeddings + tt_emb
    # position embeddings
    pos_emb = jnp.take(position_embeddings, jnp.arange(0, seq_length), axis=0)
    pos_emb = pos_emb[None, :, :]
    input_embeddings = input_embeddings + pos_emb
    # LayerNorm over last axis
    mean = jnp.mean(input_embeddings, axis=-1, keepdims=True)
    var = jnp.mean(jnp.square(input_embeddings - mean), axis=-1, keepdims=True)
    normed = (input_embeddings - mean) / jnp.sqrt(var + LN_EPS)
    output = normed * ln_gamma + ln_beta
    # dropout: eval mode (training=False) -> identity
    return output

if __name__ == "__main__":
    import jax
    _d = setup_inputs()
    print(jax.jit(kernel)(*tuple(_d.values())))

</pallas_src>

<mosaic_0001>
#map = affine_map<(d0, d1) -> (0, 0)>
#map1 = affine_map<(d0, d1) -> (0, 0, 0)>
module attributes {stable_mosaic.version = 14 : i64} {
  func.func @k(%arg0: i32, %arg1: i32, %arg2: memref<100000x1024xf32, #tpu.memory_space<hbm>>, %arg3: memref<32x8x16xi32, #tpu.memory_space<hbm>>, %arg4: memref<4096x1024xf32, #tpu.memory_space<hbm>>, %arg5: memref<8x16xi32, #tpu.memory_space<vmem>>, %arg6: memref<16x1024xf32, #tpu.memory_space<vmem>>, %arg7: memref<16x1024xf32, #tpu.memory_space<vmem>>, %arg8: memref<16x1024xf32, #tpu.memory_space<vmem>>, %arg9: memref<16x1024xf32, #tpu.memory_space<vmem>>, %arg10: memref<!tpu.dma_semaphore, #tpu.memory_space<semaphore_mem>>, %arg11: memref<!tpu.dma_semaphore, #tpu.memory_space<semaphore_mem>>, %arg12: memref<!tpu.dma_semaphore, #tpu.memory_space<semaphore_mem>>, %arg13: memref<!tpu.dma_semaphore, #tpu.memory_space<semaphore_mem>>, %arg14: memref<!tpu.dma_semaphore, #tpu.memory_space<semaphore_mem>>, %arg15: memref<!tpu.dma_semaphore, #tpu.memory_space<semaphore_mem>>, %arg16: memref<!tpu.dma_semaphore, #tpu.memory_space<semaphore_mem>>, %arg17: memref<!tpu.dma_semaphore, #tpu.memory_space<semaphore_mem>>) attributes {dimension_semantics = [#tpu.dimension_semantics<core_parallel>, #tpu.dimension_semantics<subcore_parallel>], iteration_bounds = array<i64: 2, 16>, scalar_prefetch = 0 : i64, scratch_operands = 13 : i64, tpu.core_type = #tpu.core_type<sc_vector_subcore>, window_params = [{transform_indices = #map}, {transform_indices = #map1}, {transform_indices = #map}]} {
    %mul3A = arith.constant 2 : i32
    %mul3A_0 = arith.muli %arg1, %mul3A : i32
    %add3A = arith.addi %mul3A_0, %arg0 : i32
    %mul3A_1 = arith.constant 128 : i32
    %mul3A_2 = arith.muli %add3A, %mul3A_1 : i32
    "tpu.region"() ({
      %run_scoped3A = tpu.sem_alloc : memref<!tpu.dma_semaphore, #tpu.memory_space<semaphore_mem>>
      %dma_start3A_209 = arith.constant 0 : i32
      %dma_start3A_210 = arith.constant 0 : i32
      %dma_start3A_211 = tpu.memref_slice %arg3[%add3A, %dma_start3A_209, %dma_start3A_210] : memref<32x8x16xi32, #tpu.memory_space<hbm>> -> memref<1x8x16xi32, #tpu.memory_space<hbm>>
      %dma_start3A_212 = tpu.memref_squeeze %dma_start3A_211 : memref<1x8x16xi32, #tpu.memory_space<hbm>> -> memref<8x16xi32, #tpu.memory_space<hbm>>
      %dma_start3A_213 = arith.constant 0 : i32
      %dma_start3A_214 = arith.constant 0 : i32
      %dma_start3A_215 = tpu.memref_slice %arg3[%add3A, %dma_start3A_213, %dma_start3A_214] : memref<32x8x16xi32, #tpu.memory_space<hbm>> -> memref<1x8x16xi32, #tpu.memory_space<hbm>>
      %dma_start3A_216 = tpu.memref_squeeze %dma_start3A_215 : memref<1x8x16xi32, #tpu.memory_space<hbm>> -> memref<8x16xi32, #tpu.memory_space<hbm>>
      tpu.enqueue_dma source(%dma_start3A_216 : memref<8x16xi32, #tpu.memory_space<hbm>>) target(%arg5 : memref<8x16xi32, #tpu.memory_space<vmem>>) target_semaphore(%run_scoped3A : memref<!tpu.dma_semaphore, #tpu.memory_space<semaphore_mem>>)
      %dma_wait3A_217 = arith.constant 0 : i32
      %dma_wait3A_218 = arith.constant 0 : i32
      %dma_wait3A_219 = tpu.memref_slice %arg3[%add3A, %dma_wait3A_217, %dma_wait3A_218] : memref<32x8x16xi32, #tpu.memory_space<hbm>> -> memref<1x8x16xi32, #tpu.memory_space<hbm>>
      %dma_wait3A_220 = tpu.memref_squeeze %dma_wait3A_219 : memref<1x8x16xi32, #tpu.memory_space<hbm>> -> memref<8x16xi32, #tpu.memory_space<hbm>>
      %dma_wait3A_221 = arith.constant 0 : i32
      %dma_wait3A_222 = arith.constant 0 : i32
      %dma_wait3A_223 = tpu.memref_slice %arg3[%add3A, %dma_wait3A_221, %dma_wait3A_222] : memref<32x8x16xi32, #tpu.memory_space<hbm>> -> memref<1x8x16xi32, #tpu.memory_space<hbm>>
      %dma_wait3A_224 = tpu.memref_squeeze %dma_wait3A_223 : memref<1x8x16xi32, #tpu.memory_space<hbm>> -> memref<8x16xi32, #tpu.memory_space<hbm>>
      tpu.wait_dma2 semaphore(%run_scoped3A : memref<!tpu.dma_semaphore, #tpu.memory_space<semaphore_mem>>) src(%dma_wait3A_224 : memref<8x16xi32, #tpu.memory_space<hbm>>) dst(%arg5 : memref<8x16xi32, #tpu.memory_space<vmem>>)
      tpu.yield
    }) : () -> ()
    %dma_start3A = arith.constant 0 : i32
    %dma_start3A_3 = arith.constant 0 : i32
    %dma_start3A_4 = tpu.memref_slice %arg5[%dma_start3A, %dma_start3A_3] : memref<8x16xi32, #tpu.memory_space<vmem>> -> memref<1x16xi32, #tpu.memory_space<vmem>>
    %dma_start3A_5 = tpu.memref_squeeze %dma_start3A_4 : memref<1x16xi32, #tpu.memory_space<vmem>> -> memref<16xi32, #tpu.memory_space<vmem>>
    %dma_start3A_6 = arith.constant 0 : i32
    %dma_start3A_7 = arith.constant 0 : i32
    %dma_start3A_8 = tpu.memref_slice %arg2[%dma_start3A_6, %dma_start3A_7] : memref<100000x1024xf32, #tpu.memory_space<hbm>> -> memref<100000x1024xf32, #tpu.memory_space<hbm>>
    tpu.enqueue_indirect_dma source(%dma_start3A_8 : memref<100000x1024xf32, #tpu.memory_space<hbm>>) target(%arg6 : memref<16x1024xf32, #tpu.memory_space<vmem>>) offsets(%dma_start3A_5 : memref<16xi32, #tpu.memory_space<vmem>>) semaphore(%arg10 : memref<!tpu.dma_semaphore, #tpu.memory_space<semaphore_mem>>)
    %dma_start3A_9 = arith.constant 1 : i32
    %dma_start3A_10 = arith.constant 0 : i32
    %dma_start3A_11 = tpu.memref_slice %arg5[%dma_start3A_9, %dma_start3A_10] : memref<8x16xi32, #tpu.memory_space<vmem>> -> memref<1x16xi32, #tpu.memory_space<vmem>>
    %dma_start3A_12 = tpu.memref_squeeze %dma_start3A_11 : memref<1x16xi32, #tpu.memory_space<vmem>> -> memref<16xi32, #tpu.memory_space<vmem>>
    %dma_start3A_13 = arith.constant 0 : i32
    %dma_start3A_14 = arith.constant 0 : i32
    %dma_start3A_15 = tpu.memref_slice %arg2[%dma_start3A_13, %dma_start3A_14] : memref<100000x1024xf32, #tpu.memory_space<hbm>> -> memref<100000x1024xf32, #tpu.memory_space<hbm>>
    tpu.enqueue_indirect_dma source(%dma_start3A_15 : memref<100000x1024xf32, #tpu.memory_space<hbm>>) target(%arg7 : memref<16x1024xf32, #tpu.memory_space<vmem>>) offsets(%dma_start3A_12 : memref<16xi32, #tpu.memory_space<vmem>>) semaphore(%arg11 : memref<!tpu.dma_semaphore, #tpu.memory_space<semaphore_mem>>)
    %dma_start3A_16 = arith.constant 2 : i32
    %dma_start3A_17 = arith.constant 0 : i32
    %dma_start3A_18 = tpu.memref_slice %arg5[%dma_start3A_16, %dma_start3A_17] : memref<8x16xi32, #tpu.memory_space<vmem>> -> memref<1x16xi32, #tpu.memory_space<vmem>>
    %dma_start3A_19 = tpu.memref_squeeze %dma_start3A_18 : memref<1x16xi32, #tpu.memory_space<vmem>> -> memref<16xi32, #tpu.memory_space<vmem>>
    %dma_start3A_20 = arith.constant 0 : i32
    %dma_start3A_21 = arith.constant 0 : i32
    %dma_start3A_22 = tpu.memref_slice %arg2[%dma_start3A_20, %dma_start3A_21] : memref<100000x1024xf32, #tpu.memory_space<hbm>> -> memref<100000x1024xf32, #tpu.memory_space<hbm>>
    tpu.enqueue_indirect_dma source(%dma_start3A_22 : memref<100000x1024xf32, #tpu.memory_space<hbm>>) target(%arg8 : memref<16x1024xf32, #tpu.memory_space<vmem>>) offsets(%dma_start3A_19 : memref<16xi32, #tpu.memory_space<vmem>>) semaphore(%arg12 : memref<!tpu.dma_semaphore, #tpu.memory_space<semaphore_mem>>)
    %dma_wait3A = arith.constant 0 : i32
    %dma_wait3A_23 = arith.constant 0 : i32
    %dma_wait3A_24 = tpu.memref_slice %arg5[%dma_wait3A, %dma_wait3A_23] : memref<8x16xi32, #tpu.memory_space<vmem>> -> memref<1x16xi32, #tpu.memory_space<vmem>>
    %dma_wait3A_25 = tpu.memref_squeeze %dma_wait3A_24 : memref<1x16xi32, #tpu.memory_space<vmem>> -> memref<16xi32, #tpu.memory_space<vmem>>
    %dma_wait3A_26 = arith.constant 0 : i32
    %dma_wait3A_27 = arith.constant 0 : i32
    %dma_wait3A_28 = tpu.memref_slice %arg2[%dma_wait3A_26, %dma_wait3A_27] : memref<100000x1024xf32, #tpu.memory_space<hbm>> -> memref<100000x1024xf32, #tpu.memory_space<hbm>>
    tpu.wait_indirect_dma semaphore(%arg10 : memref<!tpu.dma_semaphore, #tpu.memory_space<semaphore_mem>>) src(%dma_wait3A_28 : memref<100000x1024xf32, #tpu.memory_space<hbm>>) dst(%arg6 : memref<16x1024xf32, #tpu.memory_space<vmem>>)
    %add3A_29 = arith.constant 0 : i32
    %add3A_30 = arith.addi %mul3A_2, %add3A_29 : i32
    %dma_start3A_31 = arith.constant 0 : i32
    %dma_start3A_32 = tpu.memref_slice %arg4[%add3A_30, %dma_start3A_31] : memref<4096x1024xf32, #tpu.memory_space<hbm>> -> memref<16x1024xf32, #tpu.memory_space<hbm>>
    %dma_start3A_33 = arith.constant 0 : i32
    %dma_start3A_34 = tpu.memref_slice %arg4[%add3A_30, %dma_start3A_33] : memref<4096x1024xf32, #tpu.memory_space<hbm>> -> memref<16x1024xf32, #tpu.memory_space<hbm>>
    tpu.enqueue_dma source(%arg6 : memref<16x1024xf32, #tpu.memory_space<vmem>>) target(%dma_start3A_34 : memref<16x1024xf32, #tpu.memory_space<hbm>>) target_semaphore(%arg14 : memref<!tpu.dma_semaphore, #tpu.memory_space<semaphore_mem>>)
    %dma_start3A_35 = arith.constant 3 : i32
    %dma_start3A_36 = arith.constant 0 : i32
    %dma_start3A_37 = tpu.memref_slice %arg5[%dma_start3A_35, %dma_start3A_36] : memref<8x16xi32, #tpu.memory_space<vmem>> -> memref<1x16xi32, #tpu.memory_space<vmem>>
    %dma_start3A_38 = tpu.memref_squeeze %dma_start3A_37 : memref<1x16xi32, #tpu.memory_space<vmem>> -> memref<16xi32, #tpu.memory_space<vmem>>
    %dma_start3A_39 = arith.constant 0 : i32
    %dma_start3A_40 = arith.constant 0 : i32
    %dma_start3A_41 = tpu.memref_slice %arg2[%dma_start3A_39, %dma_start3A_40] : memref<100000x1024xf32, #tpu.memory_space<hbm>> -> memref<100000x1024xf32, #tpu.memory_space<hbm>>
    tpu.enqueue_indirect_dma source(%dma_start3A_41 : memref<100000x1024xf32, #tpu.memory_space<hbm>>) target(%arg9 : memref<16x1024xf32, #tpu.memory_space<vmem>>) offsets(%dma_start3A_38 : memref<16xi32, #tpu.memory_space<vmem>>) semaphore(%arg13 : memref<!tpu.dma_semaphore, #tpu.memory_space<semaphore_mem>>)
    %dma_wait3A_42 = arith.constant 1 : i32
    %dma_wait3A_43 = arith.constant 0 : i32
    %dma_wait3A_44 = tpu.memref_slice %arg5[%dma_wait3A_42, %dma_wait3A_43] : memref<8x16xi32, #tpu.memory_space<vmem>> -> memref<1x16xi32, #tpu.memory_space<vmem>>
    %dma_wait3A_45 = tpu.memref_squeeze %dma_wait3A_44 : memref<1x16xi32, #tpu.memory_space<vmem>> -> memref<16xi32, #tpu.memory_space<vmem>>
    %dma_wait3A_46 = arith.constant 0 : i32
    %dma_wait3A_47 = arith.constant 0 : i32
    %dma_wait3A_48 = tpu.memref_slice %arg2[%dma_wait3A_46, %dma_wait3A_47] : memref<100000x1024xf32, #tpu.memory_space<hbm>> -> memref<100000x1024xf32, #tpu.memory_space<hbm>>
    tpu.wait_indirect_dma semaphore(%arg11 : memref<!tpu.dma_semaphore, #tpu.memory_space<semaphore_mem>>) src(%dma_wait3A_48 : memref<100000x1024xf32, #tpu.memory_space<hbm>>) dst(%arg7 : memref<16x1024xf32, #tpu.memory_space<vmem>>)
    %add3A_49 = arith.constant 16 : i32
    %add3A_50 = arith.addi %mul3A_2, %add3A_49 : i32
    %dma_start3A_51 = arith.constant 0 : i32
    %dma_start3A_52 = tpu.memref_slice %arg4[%add3A_50, %dma_start3A_51] : memref<4096x1024xf32, #tpu.memory_space<hbm>> -> memref<16x1024xf32, #tpu.memory_space<hbm>>
    %dma_start3A_53 = arith.constant 0 : i32
    %dma_start3A_54 = tpu.memref_slice %arg4[%add3A_50, %dma_start3A_53] : memref<4096x1024xf32, #tpu.memory_space<hbm>> -> memref<16x1024xf32, #tpu.memory_space<hbm>>
    tpu.enqueue_dma source(%arg7 : memref<16x1024xf32, #tpu.memory_space<vmem>>) target(%dma_start3A_54 : memref<16x1024xf32, #tpu.memory_space<hbm>>) target_semaphore(%arg15 : memref<!tpu.dma_semaphore, #tpu.memory_space<semaphore_mem>>)
    %add3A_55 = arith.constant 0 : i32
    %add3A_56 = arith.addi %mul3A_2, %add3A_55 : i32
    %dma_wait3A_57 = arith.constant 0 : i32
    %dma_wait3A_58 = tpu.memref_slice %arg4[%add3A_56, %dma_wait3A_57] : memref<4096x1024xf32, #tpu.memory_space<hbm>> -> memref<16x1024xf32, #tpu.memory_space<hbm>>
    %dma_wait3A_59 = arith.constant 0 : i32
    %dma_wait3A_60 = tpu.memref_slice %arg4[%add3A_56, %dma_wait3A_59] : memref<4096x1024xf32, #tpu.memory_space<hbm>> -> memref<16x1024xf32, #tpu.memory_space<hbm>>
    tpu.wait_dma2 semaphore(%arg14 : memref<!tpu.dma_semaphore, #tpu.memory_space<semaphore_mem>>) src(%arg6 : memref<16x1024xf32, #tpu.memory_space<vmem>>) dst(%dma_wait3A_60 : memref<16x1024xf32, #tpu.memory_space<hbm>>)
    %dma_start3A_61 = arith.constant 4 : i32
    %dma_start3A_62 = arith.constant 0 : i32
    %dma_start3A_63 = tpu.memref_slice %arg5[%dma_start3A_61, %dma_start3A_62] : memref<8x16xi32, #tpu.memory_space<vmem>> -> memref<1x16xi32, #tpu.memory_space<vmem>>
    %dma_start3A_64 = tpu.memref_squeeze %dma_start3A_63 : memref<1x16xi32, #tpu.memory_space<vmem>> -> memref<16xi32, #tpu.memory_space<vmem>>
    %dma_start3A_65 = arith.constant 0 : i32
    %dma_start3A_66 = arith.constant 0 : i32
    %dma_start3A_67 = tpu.memref_slice %arg2[%dma_start3A_65, %dma_start3A_66] : memref<100000x1024xf32, #tpu.memory_space<hbm>> -> memref<100000x1024xf32, #tpu.memory_space<hbm>>
    tpu.enqueue_indirect_dma source(%dma_start3A_67 : memref<100000x1024xf32, #tpu.memory_space<hbm>>) target(%arg6 : memref<16x1024xf32, #tpu.memory_space<vmem>>) offsets(%dma_start3A_64 : memref<16xi32, #tpu.memory_space<vmem>>) semaphore(%arg10 : memref<!tpu.dma_semaphore, #tpu.memory_space<semaphore_mem>>)
    %dma_wait3A_68 = arith.constant 2 : i32
    %dma_wait3A_69 = arith.constant 0 : i32
    %dma_wait3A_70 = tpu.memref_slice %arg5[%dma_wait3A_68, %dma_wait3A_69] : memref<8x16xi32, #tpu.memory_space<vmem>> -> memref<1x16xi32, #tpu.memory_space<vmem>>
    %dma_wait3A_71 = tpu.memref_squeeze %dma_wait3A_70 : memref<1x16xi32, #tpu.memory_space<vmem>> -> memref<16xi32, #tpu.memory_space<vmem>>
    %dma_wait3A_72 = arith.constant 0 : i32
    %dma_wait3A_73 = arith.constant 0 : i32
    %dma_wait3A_74 = tpu.memref_slice %arg2[%dma_wait3A_72, %dma_wait3A_73] : memref<100000x1024xf32, #tpu.memory_space<hbm>> -> memref<100000x1024xf32, #tpu.memory_space<hbm>>
    tpu.wait_indirect_dma semaphore(%arg12 : memref<!tpu.dma_semaphore, #tpu.memory_space<semaphore_mem>>) src(%dma_wait3A_74 : memref<100000x1024xf32, #tpu.memory_space<hbm>>) dst(%arg8 : memref<16x1024xf32, #tpu.memory_space<vmem>>)
    %add3A_75 = arith.constant 32 : i32
    %add3A_76 = arith.addi %mul3A_2, %add3A_75 : i32
    %dma_start3A_77 = arith.constant 0 : i32
    %dma_start3A_78 = tpu.memref_slice %arg4[%add3A_76, %dma_start3A_77] : memref<4096x1024xf32, #tpu.memory_space<hbm>> -> memref<16x1024xf32, #tpu.memory_space<hbm>>
    %dma_start3A_79 = arith.constant 0 : i32
    %dma_start3A_80 = tpu.memref_slice %arg4[%add3A_76, %dma_start3A_79] : memref<4096x1024xf32, #tpu.memory_space<hbm>> -> memref<16x1024xf32, #tpu.memory_space<hbm>>
    tpu.enqueue_dma source(%arg8 : memref<16x1024xf32, #tpu.memory_space<vmem>>) target(%dma_start3A_80 : memref<16x1024xf32, #tpu.memory_space<hbm>>) target_semaphore(%arg16 : memref<!tpu.dma_semaphore, #tpu.memory_space<semaphore_mem>>)
    %add3A_81 = arith.constant 16 : i32
    %add3A_82 = arith.addi %mul3A_2, %add3A_81 : i32
    %dma_wait3A_83 = arith.constant 0 : i32
    %dma_wait3A_84 = tpu.memref_slice %arg4[%add3A_82, %dma_wait3A_83] : memref<4096x1024xf32, #tpu.memory_space<hbm>> -> memref<16x1024xf32, #tpu.memory_space<hbm>>
    %dma_wait3A_85 = arith.constant 0 : i32
    %dma_wait3A_86 = tpu.memref_slice %arg4[%add3A_82, %dma_wait3A_85] : memref<4096x1024xf32, #tpu.memory_space<hbm>> -> memref<16x1024xf32, #tpu.memory_space<hbm>>
    tpu.wait_dma2 semaphore(%arg15 : memref<!tpu.dma_semaphore, #tpu.memory_space<semaphore_mem>>) src(%arg7 : memref<16x1024xf32, #tpu.memory_space<vmem>>) dst(%dma_wait3A_86 : memref<16x1024xf32, #tpu.memory_space<hbm>>)
    %dma_start3A_87 = arith.constant 5 : i32
    %dma_start3A_88 = arith.constant 0 : i32
    %dma_start3A_89 = tpu.memref_slice %arg5[%dma_start3A_87, %dma_start3A_88] : memref<8x16xi32, #tpu.memory_space<vmem>> -> memref<1x16xi32, #tpu.memory_space<vmem>>
    %dma_start3A_90 = tpu.memref_squeeze %dma_start3A_89 : memref<1x16xi32, #tpu.memory_space<vmem>> -> memref<16xi32, #tpu.memory_space<vmem>>
    %dma_start3A_91 = arith.constant 0 : i32
    %dma_start3A_92 = arith.constant 0 : i32
    %dma_start3A_93 = tpu.memref_slice %arg2[%dma_start3A_91, %dma_start3A_92] : memref<100000x1024xf32, #tpu.memory_space<hbm>> -> memref<100000x1024xf32, #tpu.memory_space<hbm>>
    tpu.enqueue_indirect_dma source(%dma_start3A_93 : memref<100000x1024xf32, #tpu.memory_space<hbm>>) target(%arg7 : memref<16x1024xf32, #tpu.memory_space<vmem>>) offsets(%dma_start3A_90 : memref<16xi32, #tpu.memory_space<vmem>>) semaphore(%arg11 : memref<!tpu.dma_semaphore, #tpu.memory_space<semaphore_mem>>)
    %dma_wait3A_94 = arith.constant 3 : i32
    %dma_wait3A_95 = arith.constant 0 : i32
    %dma_wait3A_96 = tpu.memref_slice %arg5[%dma_wait3A_94, %dma_wait3A_95] : memref<8x16xi32, #tpu.memory_space<vmem>> -> memref<1x16xi32, #tpu.memory_space<vmem>>
    %dma_wait3A_97 = tpu.memref_squeeze %dma_wait3A_96 : memref<1x16xi32, #tpu.memory_space<vmem>> -> memref<16xi32, #tpu.memory_space<vmem>>
    %dma_wait3A_98 = arith.constant 0 : i32
    %dma_wait3A_99 = arith.constant 0 : i32
    %dma_wait3A_100 = tpu.memref_slice %arg2[%dma_wait3A_98, %dma_wait3A_99] : memref<100000x1024xf32, #tpu.memory_space<hbm>> -> memref<100000x1024xf32, #tpu.memory_space<hbm>>
    tpu.wait_indirect_dma semaphore(%arg13 : memref<!tpu.dma_semaphore, #tpu.memory_space<semaphore_mem>>) src(%dma_wait3A_100 : memref<100000x1024xf32, #tpu.memory_space<hbm>>) dst(%arg9 : memref<16x1024xf32, #tpu.memory_space<vmem>>)
    %add3A_101 = arith.constant 48 : i32
    %add3A_102 = arith.addi %mul3A_2, %add3A_101 : i32
    %dma_start3A_103 = arith.constant 0 : i32
    %dma_start3A_104 = tpu.memref_slice %arg4[%add3A_102, %dma_start3A_103] : memref<4096x1024xf32, #tpu.memory_space<hbm>> -> memref<16x1024xf32, #tpu.memory_space<hbm>>
    %dma_start3A_105 = arith.constant 0 : i32
    %dma_start3A_106 = tpu.memref_slice %arg4[%add3A_102, %dma_start3A_105] : memref<4096x1024xf32, #tpu.memory_space<hbm>> -> memref<16x1024xf32, #tpu.memory_space<hbm>>
    tpu.enqueue_dma source(%arg9 : memref<16x1024xf32, #tpu.memory_space<vmem>>) target(%dma_start3A_106 : memref<16x1024xf32, #tpu.memory_space<hbm>>) target_semaphore(%arg17 : memref<!tpu.dma_semaphore, #tpu.memory_space<semaphore_mem>>)
    %add3A_107 = arith.constant 32 : i32
    %add3A_108 = arith.addi %mul3A_2, %add3A_107 : i32
    %dma_wait3A_109 = arith.constant 0 : i32
    %dma_wait3A_110 = tpu.memref_slice %arg4[%add3A_108, %dma_wait3A_109] : memref<4096x1024xf32, #tpu.memory_space<hbm>> -> memref<16x1024xf32, #tpu.memory_space<hbm>>
    %dma_wait3A_111 = arith.constant 0 : i32
    %dma_wait3A_112 = tpu.memref_slice %arg4[%add3A_108, %dma_wait3A_111] : memref<4096x1024xf32, #tpu.memory_space<hbm>> -> memref<16x1024xf32, #tpu.memory_space<hbm>>
    tpu.wait_dma2 semaphore(%arg16 : memref<!tpu.dma_semaphore, #tpu.memory_space<semaphore_mem>>) src(%arg8 : memref<16x1024xf32, #tpu.memory_space<vmem>>) dst(%dma_wait3A_112 : memref<16x1024xf32, #tpu.memory_space<hbm>>)
    %dma_start3A_113 = arith.constant 6 : i32
    %dma_start3A_114 = arith.constant 0 : i32
    %dma_start3A_115 = tpu.memref_slice %arg5[%dma_start3A_113, %dma_start3A_114] : memref<8x16xi32, #tpu.memory_space<vmem>> -> memref<1x16xi32, #tpu.memory_space<vmem>>
    %dma_start3A_116 = tpu.memref_squeeze %dma_start3A_115 : memref<1x16xi32, #tpu.memory_space<vmem>> -> memref<16xi32, #tpu.memory_space<vmem>>
    %dma_start3A_117 = arith.constant 0 : i32
    %dma_start3A_118 = arith.constant 0 : i32
    %dma_start3A_119 = tpu.memref_slice %arg2[%dma_start3A_117, %dma_start3A_118] : memref<100000x1024xf32, #tpu.memory_space<hbm>> -> memref<100000x1024xf32, #tpu.memory_space<hbm>>
    tpu.enqueue_indirect_dma source(%dma_start3A_119 : memref<100000x1024xf32, #tpu.memory_space<hbm>>) target(%arg8 : memref<16x1024xf32, #tpu.memory_space<vmem>>) offsets(%dma_start3A_116 : memref<16xi32, #tpu.memory_space<vmem>>) semaphore(%arg12 : memref<!tpu.dma_semaphore, #tpu.memory_space<semaphore_mem>>)
    %dma_wait3A_120 = arith.constant 4 : i32
    %dma_wait3A_121 = arith.constant 0 : i32
    %dma_wait3A_122 = tpu.memref_slice %arg5[%dma_wait3A_120, %dma_wait3A_121] : memref<8x16xi32, #tpu.memory_space<vmem>> -> memref<1x16xi32, #tpu.memory_space<vmem>>
    %dma_wait3A_123 = tpu.memref_squeeze %dma_wait3A_122 : memref<1x16xi32, #tpu.memory_space<vmem>> -> memref<16xi32, #tpu.memory_space<vmem>>
    %dma_wait3A_124 = arith.constant 0 : i32
    %dma_wait3A_125 = arith.constant 0 : i32
    %dma_wait3A_126 = tpu.memref_slice %arg2[%dma_wait3A_124, %dma_wait3A_125] : memref<100000x1024xf32, #tpu.memory_space<hbm>> -> memref<100000x1024xf32, #tpu.memory_space<hbm>>
    tpu.wait_indirect_dma semaphore(%arg10 : memref<!tpu.dma_semaphore, #tpu.memory_space<semaphore_mem>>) src(%dma_wait3A_126 : memref<100000x1024xf32, #tpu.memory_space<hbm>>) dst(%arg6 : memref<16x1024xf32, #tpu.memory_space<vmem>>)
    %add3A_127 = arith.constant 64 : i32
    %add3A_128 = arith.addi %mul3A_2, %add3A_127 : i32
    %dma_start3A_129 = arith.constant 0 : i32
    %dma_start3A_130 = tpu.memref_slice %arg4[%add3A_128, %dma_start3A_129] : memref<4096x1024xf32, #tpu.memory_space<hbm>> -> memref<16x1024xf32, #tpu.memory_space<hbm>>
    %dma_start3A_131 = arith.constant 0 : i32
    %dma_start3A_132 = tpu.memref_slice %arg4[%add3A_128, %dma_start3A_131] : memref<4096x1024xf32, #tpu.memory_space<hbm>> -> memref<16x1024xf32, #tpu.memory_space<hbm>>
    tpu.enqueue_dma source(%arg6 : memref<16x1024xf32, #tpu.memory_space<vmem>>) target(%dma_start3A_132 : memref<16x1024xf32, #tpu.memory_space<hbm>>) target_semaphore(%arg14 : memref<!tpu.dma_semaphore, #tpu.memory_space<semaphore_mem>>)
    %add3A_133 = arith.constant 48 : i32
    %add3A_134 = arith.addi %mul3A_2, %add3A_133 : i32
    %dma_wait3A_135 = arith.constant 0 : i32
    %dma_wait3A_136 = tpu.memref_slice %arg4[%add3A_134, %dma_wait3A_135] : memref<4096x1024xf32, #tpu.memory_space<hbm>> -> memref<16x1024xf32, #tpu.memory_space<hbm>>
    %dma_wait3A_137 = arith.constant 0 : i32
    %dma_wait3A_138 = tpu.memref_slice %arg4[%add3A_134, %dma_wait3A_137] : memref<4096x1024xf32, #tpu.memory_space<hbm>> -> memref<16x1024xf32, #tpu.memory_space<hbm>>
    tpu.wait_dma2 semaphore(%arg17 : memref<!tpu.dma_semaphore, #tpu.memory_space<semaphore_mem>>) src(%arg9 : memref<16x1024xf32, #tpu.memory_space<vmem>>) dst(%dma_wait3A_138 : memref<16x1024xf32, #tpu.memory_space<hbm>>)
    %dma_start3A_139 = arith.constant 7 : i32
    %dma_start3A_140 = arith.constant 0 : i32
    %dma_start3A_141 = tpu.memref_slice %arg5[%dma_start3A_139, %dma_start3A_140] : memref<8x16xi32, #tpu.memory_space<vmem>> -> memref<1x16xi32, #tpu.memory_space<vmem>>
    %dma_start3A_142 = tpu.memref_squeeze %dma_start3A_141 : memref<1x16xi32, #tpu.memory_space<vmem>> -> memref<16xi32, #tpu.memory_space<vmem>>
    %dma_start3A_143 = arith.constant 0 : i32
    %dma_start3A_144 = arith.constant 0 : i32
    %dma_start3A_145 = tpu.memref_slice %arg2[%dma_start3A_143, %dma_start3A_144] : memref<100000x1024xf32, #tpu.memory_space<hbm>> -> memref<100000x1024xf32, #tpu.memory_space<hbm>>
    tpu.enqueue_indirect_dma source(%dma_start3A_145 : memref<100000x1024xf32, #tpu.memory_space<hbm>>) target(%arg9 : memref<16x1024xf32, #tpu.memory_space<vmem>>) offsets(%dma_start3A_142 : memref<16xi32, #tpu.memory_space<vmem>>) semaphore(%arg13 : memref<!tpu.dma_semaphore, #tpu.memory_space<semaphore_mem>>)
    %dma_wait3A_146 = arith.constant 5 : i32
    %dma_wait3A_147 = arith.constant 0 : i32
    %dma_wait3A_148 = tpu.memref_slice %arg5[%dma_wait3A_146, %dma_wait3A_147] : memref<8x16xi32, #tpu.memory_space<vmem>> -> memref<1x16xi32, #tpu.memory_space<vmem>>
    %dma_wait3A_149 = tpu.memref_squeeze %dma_wait3A_148 : memref<1x16xi32, #tpu.memory_space<vmem>> -> memref<16xi32, #tpu.memory_space<vmem>>
    %dma_wait3A_150 = arith.constant 0 : i32
    %dma_wait3A_151 = arith.constant 0 : i32
    %dma_wait3A_152 = tpu.memref_slice %arg2[%dma_wait3A_150, %dma_wait3A_151] : memref<100000x1024xf32, #tpu.memory_space<hbm>> -> memref<100000x1024xf32, #tpu.memory_space<hbm>>
    tpu.wait_indirect_dma semaphore(%arg11 : memref<!tpu.dma_semaphore, #tpu.memory_space<semaphore_mem>>) src(%dma_wait3A_152 : memref<100000x1024xf32, #tpu.memory_space<hbm>>) dst(%arg7 : memref<16x1024xf32, #tpu.memory_space<vmem>>)
    %add3A_153 = arith.constant 80 : i32
    %add3A_154 = arith.addi %mul3A_2, %add3A_153 : i32
    %dma_start3A_155 = arith.constant 0 : i32
    %dma_start3A_156 = tpu.memref_slice %arg4[%add3A_154, %dma_start3A_155] : memref<4096x1024xf32, #tpu.memory_space<hbm>> -> memref<16x1024xf32, #tpu.memory_space<hbm>>
    %dma_start3A_157 = arith.constant 0 : i32
    %dma_start3A_158 = tpu.memref_slice %arg4[%add3A_154, %dma_start3A_157] : memref<4096x1024xf32, #tpu.memory_space<hbm>> -> memref<16x1024xf32, #tpu.memory_space<hbm>>
    tpu.enqueue_dma source(%arg7 : memref<16x1024xf32, #tpu.memory_space<vmem>>) target(%dma_start3A_158 : memref<16x1024xf32, #tpu.memory_space<hbm>>) target_semaphore(%arg15 : memref<!tpu.dma_semaphore, #tpu.memory_space<semaphore_mem>>)
    %dma_wait3A_159 = arith.constant 6 : i32
    %dma_wait3A_160 = arith.constant 0 : i32
    %dma_wait3A_161 = tpu.memref_slice %arg5[%dma_wait3A_159, %dma_wait3A_160] : memref<8x16xi32, #tpu.memory_space<vmem>> -> memref<1x16xi32, #tpu.memory_space<vmem>>
    %dma_wait3A_162 = tpu.memref_squeeze %dma_wait3A_161 : memref<1x16xi32, #tpu.memory_space<vmem>> -> memref<16xi32, #tpu.memory_space<vmem>>
    %dma_wait3A_163 = arith.constant 0 : i32
    %dma_wait3A_164 = arith.constant 0 : i32
    %dma_wait3A_165 = tpu.memref_slice %arg2[%dma_wait3A_163, %dma_wait3A_164] : memref<100000x1024xf32, #tpu.memory_space<hbm>> -> memref<100000x1024xf32, #tpu.memory_space<hbm>>
    tpu.wait_indirect_dma semaphore(%arg12 : memref<!tpu.dma_semaphore, #tpu.memory_space<semaphore_mem>>) src(%dma_wait3A_165 : memref<100000x1024xf32, #tpu.memory_space<hbm>>) dst(%arg8 : memref<16x1024xf32, #tpu.memory_space<vmem>>)
    %add3A_166 = arith.constant 96 : i32
    %add3A_167 = arith.addi %mul3A_2, %add3A_166 : i32
    %dma_start3A_168 = arith.constant 0 : i32
    %dma_start3A_169 = tpu.memref_slice %arg4[%add3A_167, %dma_start3A_168] : memref<4096x1024xf32, #tpu.memory_space<hbm>> -> memref<16x1024xf32, #tpu.memory_space<hbm>>
    %dma_start3A_170 = arith.constant 0 : i32
    %dma_start3A_171 = tpu.memref_slice %arg4[%add3A_167, %dma_start3A_170] : memref<4096x1024xf32, #tpu.memory_space<hbm>> -> memref<16x1024xf32, #tpu.memory_space<hbm>>
    tpu.enqueue_dma source(%arg8 : memref<16x1024xf32, #tpu.memory_space<vmem>>) target(%dma_start3A_171 : memref<16x1024xf32, #tpu.memory_space<hbm>>) target_semaphore(%arg16 : memref<!tpu.dma_semaphore, #tpu.memory_space<semaphore_mem>>)
    %dma_wait3A_172 = arith.constant 7 : i32
    %dma_wait3A_173 = arith.constant 0 : i32
    %dma_wait3A_174 = tpu.memref_slice %arg5[%dma_wait3A_172, %dma_wait3A_173] : memref<8x16xi32, #tpu.memory_space<vmem>> -> memref<1x16xi32, #tpu.memory_space<vmem>>
    %dma_wait3A_175 = tpu.memref_squeeze %dma_wait3A_174 : memref<1x16xi32, #tpu.memory_space<vmem>> -> memref<16xi32, #tpu.memory_space<vmem>>
    %dma_wait3A_176 = arith.constant 0 : i32
    %dma_wait3A_177 = arith.constant 0 : i32
    %dma_wait3A_178 = tpu.memref_slice %arg2[%dma_wait3A_176, %dma_wait3A_177] : memref<100000x1024xf32, #tpu.memory_space<hbm>> -> memref<100000x1024xf32, #tpu.memory_space<hbm>>
    tpu.wait_indirect_dma semaphore(%arg13 : memref<!tpu.dma_semaphore, #tpu.memory_space<semaphore_mem>>) src(%dma_wait3A_178 : memref<100000x1024xf32, #tpu.memory_space<hbm>>) dst(%arg9 : memref<16x1024xf32, #tpu.memory_space<vmem>>)
    %add3A_179 = arith.constant 112 : i32
    %add3A_180 = arith.addi %mul3A_2, %add3A_179 : i32
    %dma_start3A_181 = arith.constant 0 : i32
    %dma_start3A_182 = tpu.memref_slice %arg4[%add3A_180, %dma_start3A_181] : memref<4096x1024xf32, #tpu.memory_space<hbm>> -> memref<16x1024xf32, #tpu.memory_space<hbm>>
    %dma_start3A_183 = arith.constant 0 : i32
    %dma_start3A_184 = tpu.memref_slice %arg4[%add3A_180, %dma_start3A_183] : memref<4096x1024xf32, #tpu.memory_space<hbm>> -> memref<16x1024xf32, #tpu.memory_space<hbm>>
    tpu.enqueue_dma source(%arg9 : memref<16x1024xf32, #tpu.memory_space<vmem>>) target(%dma_start3A_184 : memref<16x1024xf32, #tpu.memory_space<hbm>>) target_semaphore(%arg17 : memref<!tpu.dma_semaphore, #tpu.memory_space<semaphore_mem>>)
    %add3A_185 = arith.constant 64 : i32
    %add3A_186 = arith.addi %mul3A_2, %add3A_185 : i32
    %dma_wait3A_187 = arith.constant 0 : i32
    %dma_wait3A_188 = tpu.memref_slice %arg4[%add3A_186, %dma_wait3A_187] : memref<4096x1024xf32, #tpu.memory_space<hbm>> -> memref<16x1024xf32, #tpu.memory_space<hbm>>
    %dma_wait3A_189 = arith.constant 0 : i32
    %dma_wait3A_190 = tpu.memref_slice %arg4[%add3A_186, %dma_wait3A_189] : memref<4096x1024xf32, #tpu.memory_space<hbm>> -> memref<16x1024xf32, #tpu.memory_space<hbm>>
    tpu.wait_dma2 semaphore(%arg14 : memref<!tpu.dma_semaphore, #tpu.memory_space<semaphore_mem>>) src(%arg6 : memref<16x1024xf32, #tpu.memory_space<vmem>>) dst(%dma_wait3A_190 : memref<16x1024xf32, #tpu.memory_space<hbm>>)
    %add3A_191 = arith.constant 80 : i32
    %add3A_192 = arith.addi %mul3A_2, %add3A_191 : i32
    %dma_wait3A_193 = arith.constant 0 : i32
    %dma_wait3A_194 = tpu.memref_slice %arg4[%add3A_192, %dma_wait3A_193] : memref<4096x1024xf32, #tpu.memory_space<hbm>> -> memref<16x1024xf32, #tpu.memory_space<hbm>>
    %dma_wait3A_195 = arith.constant 0 : i32
    %dma_wait3A_196 = tpu.memref_slice %arg4[%add3A_192, %dma_wait3A_195] : memref<4096x1024xf32, #tpu.memory_space<hbm>> -> memref<16x1024xf32, #tpu.memory_space<hbm>>
    tpu.wait_dma2 semaphore(%arg15 : memref<!tpu.dma_semaphore, #tpu.memory_space<semaphore_mem>>) src(%arg7 : memref<16x1024xf32, #tpu.memory_space<vmem>>) dst(%dma_wait3A_196 : memref<16x1024xf32, #tpu.memory_space<hbm>>)
    %add3A_197 = arith.constant 96 : i32
    %add3A_198 = arith.addi %mul3A_2, %add3A_197 : i32
    %dma_wait3A_199 = arith.constant 0 : i32
    %dma_wait3A_200 = tpu.memref_slice %arg4[%add3A_198, %dma_wait3A_199] : memref<4096x1024xf32, #tpu.memory_space<hbm>> -> memref<16x1024xf32, #tpu.memory_space<hbm>>
    %dma_wait3A_201 = arith.constant 0 : i32
    %dma_wait3A_202 = tpu.memref_slice %arg4[%add3A_198, %dma_wait3A_201] : memref<4096x1024xf32, #tpu.memory_space<hbm>> -> memref<16x1024xf32, #tpu.memory_space<hbm>>
    tpu.wait_dma2 semaphore(%arg16 : memref<!tpu.dma_semaphore, #tpu.memory_space<semaphore_mem>>) src(%arg8 : memref<16x1024xf32, #tpu.memory_space<vmem>>) dst(%dma_wait3A_202 : memref<16x1024xf32, #tpu.memory_space<hbm>>)
    %add3A_203 = arith.constant 112 : i32
    %add3A_204 = arith.addi %mul3A_2, %add3A_203 : i32
    %dma_wait3A_205 = arith.constant 0 : i32
    %dma_wait3A_206 = tpu.memref_slice %arg4[%add3A_204, %dma_wait3A_205] : memref<4096x1024xf32, #tpu.memory_space<hbm>> -> memref<16x1024xf32, #tpu.memory_space<hbm>>
    %dma_wait3A_207 = arith.constant 0 : i32
    %dma_wait3A_208 = tpu.memref_slice %arg4[%add3A_204, %dma_wait3A_207] : memref<4096x1024xf32, #tpu.memory_space<hbm>> -> memref<16x1024xf32, #tpu.memory_space<hbm>>
    tpu.wait_dma2 semaphore(%arg17 : memref<!tpu.dma_semaphore, #tpu.memory_space<semaphore_mem>>) src(%arg9 : memref<16x1024xf32, #tpu.memory_space<vmem>>) dst(%dma_wait3A_208 : memref<16x1024xf32, #tpu.memory_space<hbm>>)
    return
  }
}

#map = affine_map<(d0, d1) -> (0, 0)>
#map1 = affine_map<(d0, d1) -> (0, 0, 0)>
module attributes {stable_mosaic.version = 14 : i64} {
  func.func @k(%arg0: i32, %arg1: i32, %arg2: memref<100000x1024xf32, #tpu.memory_space<hbm>>, %arg3: memref<32x8x16xi32, #tpu.memory_space<hbm>>, %arg4: memref<4096x1024xf32, #tpu.memory_space<hbm>>, %arg5: memref<8x16xi32, #tpu.memory_space<vmem>>, %arg6: memref<16x1024xf32, #tpu.memory_space<vmem>>, %arg7: memref<16x1024xf32, #tpu.memory_space<vmem>>, %arg8: memref<16x1024xf32, #tpu.memory_space<vmem>>, %arg9: memref<16x1024xf32, #tpu.memory_space<vmem>>, %arg10: memref<!tpu.dma_semaphore, #tpu.memory_space<semaphore_mem>>, %arg11: memref<!tpu.dma_semaphore, #tpu.memory_space<semaphore_mem>>, %arg12: memref<!tpu.dma_semaphore, #tpu.memory_space<semaphore_mem>>, %arg13: memref<!tpu.dma_semaphore, #tpu.memory_space<semaphore_mem>>, %arg14: memref<!tpu.dma_semaphore, #tpu.memory_space<semaphore_mem>>, %arg15: memref<!tpu.dma_semaphore, #tpu.memory_space<semaphore_mem>>, %arg16: memref<!tpu.dma_semaphore, #tpu.memory_space<semaphore_mem>>, %arg17: memref<!tpu.dma_semaphore, #tpu.memory_space<semaphore_mem>>) attributes {dimension_semantics = [#tpu.dimension_semantics<core_parallel>, #tpu.dimension_semantics<subcore_parallel>], iteration_bounds = array<i64: 2, 16>, scalar_prefetch = 0 : i64, scratch_operands = 13 : i64, tpu.core_type = #tpu.core_type<sc_vector_subcore>, window_params = [{transform_indices = #map}, {transform_indices = #map1}, {transform_indices = #map}]} {
    %mul3A = arith.constant 2 : i32
    %mul3A_0 = arith.muli %arg1, %mul3A : i32
    %add3A = arith.addi %mul3A_0, %arg0 : i32
    %mul3A_1 = arith.constant 128 : i32
    %mul3A_2 = arith.muli %add3A, %mul3A_1 : i32
    "tpu.region"() ({
      %run_scoped3A = tpu.sem_alloc : memref<!tpu.dma_semaphore, #tpu.memory_space<semaphore_mem>>
      %dma_start3A_209 = arith.constant 0 : i32
      %dma_start3A_210 = arith.constant 0 : i32
      %dma_start3A_211 = tpu.memref_slice %arg3[%add3A, %dma_start3A_209, %dma_start3A_210] : memref<32x8x16xi32, #tpu.memory_space<hbm>> -> memref<1x8x16xi32, #tpu.memory_space<hbm>>
      %dma_start3A_212 = tpu.memref_squeeze %dma_start3A_211 : memref<1x8x16xi32, #tpu.memory_space<hbm>> -> memref<8x16xi32, #tpu.memory_space<hbm>>
      %dma_start3A_213 = arith.constant 0 : i32
      %dma_start3A_214 = arith.constant 0 : i32
      %dma_start3A_215 = tpu.memref_slice %arg3[%add3A, %dma_start3A_213, %dma_start3A_214] : memref<32x8x16xi32, #tpu.memory_space<hbm>> -> memref<1x8x16xi32, #tpu.memory_space<hbm>>
      %dma_start3A_216 = tpu.memref_squeeze %dma_start3A_215 : memref<1x8x16xi32, #tpu.memory_space<hbm>> -> memref<8x16xi32, #tpu.memory_space<hbm>>
      tpu.enqueue_dma source(%dma_start3A_216 : memref<8x16xi32, #tpu.memory_space<hbm>>) target(%arg5 : memref<8x16xi32, #tpu.memory_space<vmem>>) target_semaphore(%run_scoped3A : memref<!tpu.dma_semaphore, #tpu.memory_space<semaphore_mem>>)
      %dma_wait3A_217 = arith.constant 0 : i32
      %dma_wait3A_218 = arith.constant 0 : i32
      %dma_wait3A_219 = tpu.memref_slice %arg3[%add3A, %dma_wait3A_217, %dma_wait3A_218] : memref<32x8x16xi32, #tpu.memory_space<hbm>> -> memref<1x8x16xi32, #tpu.memory_space<hbm>>
      %dma_wait3A_220 = tpu.memref_squeeze %dma_wait3A_219 : memref<1x8x16xi32, #tpu.memory_space<hbm>> -> memref<8x16xi32, #tpu.memory_space<hbm>>
      %dma_wait3A_221 = arith.constant 0 : i32
      %dma_wait3A_222 = arith.constant 0 : i32
      %dma_wait3A_223 = tpu.memref_slice %arg3[%add3A, %dma_wait3A_221, %dma_wait3A_222] : memref<32x8x16xi32, #tpu.memory_space<hbm>> -> memref<1x8x16xi32, #tpu.memory_space<hbm>>
      %dma_wait3A_224 = tpu.memref_squeeze %dma_wait3A_223 : memref<1x8x16xi32, #tpu.memory_space<hbm>> -> memref<8x16xi32, #tpu.memory_space<hbm>>
      tpu.wait_dma2 semaphore(%run_scoped3A : memref<!tpu.dma_semaphore, #tpu.memory_space<semaphore_mem>>) src(%dma_wait3A_224 : memref<8x16xi32, #tpu.memory_space<hbm>>) dst(%arg5 : memref<8x16xi32, #tpu.memory_space<vmem>>)
      tpu.yield
    }) : () -> ()
    %dma_start3A = arith.constant 0 : i32
    %dma_start3A_3 = arith.constant 0 : i32
    %dma_start3A_4 = tpu.memref_slice %arg5[%dma_start3A, %dma_start3A_3] : memref<8x16xi32, #tpu.memory_space<vmem>> -> memref<1x16xi32, #tpu.memory_space<vmem>>
    %dma_start3A_5 = tpu.memref_squeeze %dma_start3A_4 : memref<1x16xi32, #tpu.memory_space<vmem>> -> memref<16xi32, #tpu.memory_space<vmem>>
    %dma_start3A_6 = arith.constant 0 : i32
    %dma_start3A_7 = arith.constant 0 : i32
    %dma_start3A_8 = tpu.memref_slice %arg2[%dma_start3A_6, %dma_start3A_7] : memref<100000x1024xf32, #tpu.memory_space<hbm>> -> memref<100000x1024xf32, #tpu.memory_space<hbm>>
    tpu.enqueue_indirect_dma source(%dma_start3A_8 : memref<100000x1024xf32, #tpu.memory_space<hbm>>) target(%arg6 : memref<16x1024xf32, #tpu.memory_space<vmem>>) offsets(%dma_start3A_5 : memref<16xi32, #tpu.memory_space<vmem>>) semaphore(%arg10 : memref<!tpu.dma_semaphore, #tpu.memory_space<semaphore_mem>>)
    %dma_start3A_9 = arith.constant 1 : i32
    %dma_start3A_10 = arith.constant 0 : i32
    %dma_start3A_11 = tpu.memref_slice %arg5[%dma_start3A_9, %dma_start3A_10] : memref<8x16xi32, #tpu.memory_space<vmem>> -> memref<1x16xi32, #tpu.memory_space<vmem>>
    %dma_start3A_12 = tpu.memref_squeeze %dma_start3A_11 : memref<1x16xi32, #tpu.memory_space<vmem>> -> memref<16xi32, #tpu.memory_space<vmem>>
    %dma_start3A_13 = arith.constant 0 : i32
    %dma_start3A_14 = arith.constant 0 : i32
    %dma_start3A_15 = tpu.memref_slice %arg2[%dma_start3A_13, %dma_start3A_14] : memref<100000x1024xf32, #tpu.memory_space<hbm>> -> memref<100000x1024xf32, #tpu.memory_space<hbm>>
    tpu.enqueue_indirect_dma source(%dma_start3A_15 : memref<100000x1024xf32, #tpu.memory_space<hbm>>) target(%arg7 : memref<16x1024xf32, #tpu.memory_space<vmem>>) offsets(%dma_start3A_12 : memref<16xi32, #tpu.memory_space<vmem>>) semaphore(%arg11 : memref<!tpu.dma_semaphore, #tpu.memory_space<semaphore_mem>>)
    %dma_start3A_16 = arith.constant 2 : i32
    %dma_start3A_17 = arith.constant 0 : i32
    %dma_start3A_18 = tpu.memref_slice %arg5[%dma_start3A_16, %dma_start3A_17] : memref<8x16xi32, #tpu.memory_space<vmem>> -> memref<1x16xi32, #tpu.memory_space<vmem>>
    %dma_start3A_19 = tpu.memref_squeeze %dma_start3A_18 : memref<1x16xi32, #tpu.memory_space<vmem>> -> memref<16xi32, #tpu.memory_space<vmem>>
    %dma_start3A_20 = arith.constant 0 : i32
    %dma_start3A_21 = arith.constant 0 : i32
    %dma_start3A_22 = tpu.memref_slice %arg2[%dma_start3A_20, %dma_start3A_21] : memref<100000x1024xf32, #tpu.memory_space<hbm>> -> memref<100000x1024xf32, #tpu.memory_space<hbm>>
    tpu.enqueue_indirect_dma source(%dma_start3A_22 : memref<100000x1024xf32, #tpu.memory_space<hbm>>) target(%arg8 : memref<16x1024xf32, #tpu.memory_space<vmem>>) offsets(%dma_start3A_19 : memref<16xi32, #tpu.memory_space<vmem>>) semaphore(%arg12 : memref<!tpu.dma_semaphore, #tpu.memory_space<semaphore_mem>>)
    %dma_wait3A = arith.constant 0 : i32
    %dma_wait3A_23 = arith.constant 0 : i32
    %dma_wait3A_24 = tpu.memref_slice %arg5[%dma_wait3A, %dma_wait3A_23] : memref<8x16xi32, #tpu.memory_space<vmem>> -> memref<1x16xi32, #tpu.memory_space<vmem>>
    %dma_wait3A_25 = tpu.memref_squeeze %dma_wait3A_24 : memref<1x16xi32, #tpu.memory_space<vmem>> -> memref<16xi32, #tpu.memory_space<vmem>>
    %dma_wait3A_26 = arith.constant 0 : i32
    %dma_wait3A_27 = arith.constant 0 : i32
    %dma_wait3A_28 = tpu.memref_slice %arg2[%dma_wait3A_26, %dma_wait3A_27] : memref<100000x1024xf32, #tpu.memory_space<hbm>> -> memref<100000x1024xf32, #tpu.memory_space<hbm>>
    tpu.wait_indirect_dma semaphore(%arg10 : memref<!tpu.dma_semaphore, #tpu.memory_space<semaphore_mem>>) src(%dma_wait3A_28 : memref<100000x1024xf32, #tpu.memory_space<hbm>>) dst(%arg6 : memref<16x1024xf32, #tpu.memory_space<vmem>>)
    %add3A_29 = arith.constant 0 : i32
    %add3A_30 = arith.addi %mul3A_2, %add3A_29 : i32
    %dma_start3A_31 = arith.constant 0 : i32
    %dma_start3A_32 = tpu.memref_slice %arg4[%add3A_30, %dma_start3A_31] : memref<4096x1024xf32, #tpu.memory_space<hbm>> -> memref<16x1024xf32, #tpu.memory_space<hbm>>
    %dma_start3A_33 = arith.constant 0 : i32
    %dma_start3A_34 = tpu.memref_slice %arg4[%add3A_30, %dma_start3A_33] : memref<4096x1024xf32, #tpu.memory_space<hbm>> -> memref<16x1024xf32, #tpu.memory_space<hbm>>
    tpu.enqueue_dma source(%arg6 : memref<16x1024xf32, #tpu.memory_space<vmem>>) target(%dma_start3A_34 : memref<16x1024xf32, #tpu.memory_space<hbm>>) target_semaphore(%arg14 : memref<!tpu.dma_semaphore, #tpu.memory_space<semaphore_mem>>)
    %dma_start3A_35 = arith.constant 3 : i32
    %dma_start3A_36 = arith.constant 0 : i32
    %dma_start3A_37 = tpu.memref_slice %arg5[%dma_start3A_35, %dma_start3A_36] : memref<8x16xi32, #tpu.memory_space<vmem>> -> memref<1x16xi32, #tpu.memory_space<vmem>>
    %dma_start3A_38 = tpu.memref_squeeze %dma_start3A_37 : memref<1x16xi32, #tpu.memory_space<vmem>> -> memref<16xi32, #tpu.memory_space<vmem>>
    %dma_start3A_39 = arith.constant 0 : i32
    %dma_start3A_40 = arith.constant 0 : i32
    %dma_start3A_41 = tpu.memref_slice %arg2[%dma_start3A_39, %dma_start3A_40] : memref<100000x1024xf32, #tpu.memory_space<hbm>> -> memref<100000x1024xf32, #tpu.memory_space<hbm>>
    tpu.enqueue_indirect_dma source(%dma_start3A_41 : memref<100000x1024xf32, #tpu.memory_space<hbm>>) target(%arg9 : memref<16x1024xf32, #tpu.memory_space<vmem>>) offsets(%dma_start3A_38 : memref<16xi32, #tpu.memory_space<vmem>>) semaphore(%arg13 : memref<!tpu.dma_semaphore, #tpu.memory_space<semaphore_mem>>)
    %dma_wait3A_42 = arith.constant 1 : i32
    %dma_wait3A_43 = arith.constant 0 : i32
    %dma_wait3A_44 = tpu.memref_slice %arg5[%dma_wait3A_42, %dma_wait3A_43] : memref<8x16xi32, #tpu.memory_space<vmem>> -> memref<1x16xi32, #tpu.memory_space<vmem>>
    %dma_wait3A_45 = tpu.memref_squeeze %dma_wait3A_44 : memref<1x16xi32, #tpu.memory_space<vmem>> -> memref<16xi32, #tpu.memory_space<vmem>>
    %dma_wait3A_46 = arith.constant 0 : i32
    %dma_wait3A_47 = arith.constant 0 : i32
    %dma_wait3A_48 = tpu.memref_slice %arg2[%dma_wait3A_46, %dma_wait3A_47] : memref<100000x1024xf32, #tpu.memory_space<hbm>> -> memref<100000x1024xf32, #tpu.memory_space<hbm>>
    tpu.wait_indirect_dma semaphore(%arg11 : memref<!tpu.dma_semaphore, #tpu.memory_space<semaphore_mem>>) src(%dma_wait3A_48 : memref<100000x1024xf32, #tpu.memory_space<hbm>>) dst(%arg7 : memref<16x1024xf32, #tpu.memory_space<vmem>>)
    %add3A_49 = arith.constant 16 : i32
    %add3A_50 = arith.addi %mul3A_2, %add3A_49 : i32
    %dma_start3A_51 = arith.constant 0 : i32
    %dma_start3A_52 = tpu.memref_slice %arg4[%add3A_50, %dma_start3A_51] : memref<4096x1024xf32, #tpu.memory_space<hbm>> -> memref<16x1024xf32, #tpu.memory_space<hbm>>
    %dma_start3A_53 = arith.constant 0 : i32
    %dma_start3A_54 = tpu.memref_slice %arg4[%add3A_50, %dma_start3A_53] : memref<4096x1024xf32, #tpu.memory_space<hbm>> -> memref<16x1024xf32, #tpu.memory_space<hbm>>
    tpu.enqueue_dma source(%arg7 : memref<16x1024xf32, #tpu.memory_space<vmem>>) target(%dma_start3A_54 : memref<16x1024xf32, #tpu.memory_space<hbm>>) target_semaphore(%arg15 : memref<!tpu.dma_semaphore, #tpu.memory_space<semaphore_mem>>)
    %add3A_55 = arith.constant 0 : i32
    %add3A_56 = arith.addi %mul3A_2, %add3A_55 : i32
    %dma_wait3A_57 = arith.constant 0 : i32
    %dma_wait3A_58 = tpu.memref_slice %arg4[%add3A_56, %dma_wait3A_57] : memref<4096x1024xf32, #tpu.memory_space<hbm>> -> memref<16x1024xf32, #tpu.memory_space<hbm>>
    %dma_wait3A_59 = arith.constant 0 : i32
    %dma_wait3A_60 = tpu.memref_slice %arg4[%add3A_56, %dma_wait3A_59] : memref<4096x1024xf32, #tpu.memory_space<hbm>> -> memref<16x1024xf32, #tpu.memory_space<hbm>>
    tpu.wait_dma2 semaphore(%arg14 : memref<!tpu.dma_semaphore, #tpu.memory_space<semaphore_mem>>) src(%arg6 : memref<16x1024xf32, #tpu.memory_space<vmem>>) dst(%dma_wait3A_60 : memref<16x1024xf32, #tpu.memory_space<hbm>>)
    %dma_start3A_61 = arith.constant 4 : i32
    %dma_start3A_62 = arith.constant 0 : i32
    %dma_start3A_63 = tpu.memref_slice %arg5[%dma_start3A_61, %dma_start3A_62] : memref<8x16xi32, #tpu.memory_space<vmem>> -> memref<1x16xi32, #tpu.memory_space<vmem>>
    %dma_start3A_64 = tpu.memref_squeeze %dma_start3A_63 : memref<1x16xi32, #tpu.memory_space<vmem>> -> memref<16xi32, #tpu.memory_space<vmem>>
    %dma_start3A_65 = arith.constant 0 : i32
    %dma_start3A_66 = arith.constant 0 : i32
    %dma_start3A_67 = tpu.memref_slice %arg2[%dma_start3A_65, %dma_start3A_66] : memref<100000x1024xf32, #tpu.memory_space<hbm>> -> memref<100000x1024xf32, #tpu.memory_space<hbm>>
    tpu.enqueue_indirect_dma source(%dma_start3A_67 : memref<100000x1024xf32, #tpu.memory_space<hbm>>) target(%arg6 : memref<16x1024xf32, #tpu.memory_space<vmem>>) offsets(%dma_start3A_64 : memref<16xi32, #tpu.memory_space<vmem>>) semaphore(%arg10 : memref<!tpu.dma_semaphore, #tpu.memory_space<semaphore_mem>>)
    %dma_wait3A_68 = arith.constant 2 : i32
    %dma_wait3A_69 = arith.constant 0 : i32
    %dma_wait3A_70 = tpu.memref_slice %arg5[%dma_wait3A_68, %dma_wait3A_69] : memref<8x16xi32, #tpu.memory_space<vmem>> -> memref<1x16xi32, #tpu.memory_space<vmem>>
    %dma_wait3A_71 = tpu.memref_squeeze %dma_wait3A_70 : memref<1x16xi32, #tpu.memory_space<vmem>> -> memref<16xi32, #tpu.memory_space<vmem>>
    %dma_wait3A_72 = arith.constant 0 : i32
    %dma_wait3A_73 = arith.constant 0 : i32
    %dma_wait3A_74 = tpu.memref_slice %arg2[%dma_wait3A_72, %dma_wait3A_73] : memref<100000x1024xf32, #tpu.memory_space<hbm>> -> memref<100000x1024xf32, #tpu.memory_space<hbm>>
    tpu.wait_indirect_dma semaphore(%arg12 : memref<!tpu.dma_semaphore, #tpu.memory_space<semaphore_mem>>) src(%dma_wait3A_74 : memref<100000x1024xf32, #tpu.memory_space<hbm>>) dst(%arg8 : memref<16x1024xf32, #tpu.memory_space<vmem>>)
    %add3A_75 = arith.constant 32 : i32
    %add3A_76 = arith.addi %mul3A_2, %add3A_75 : i32
    %dma_start3A_77 = arith.constant 0 : i32
    %dma_start3A_78 = tpu.memref_slice %arg4[%add3A_76, %dma_start3A_77] : memref<4096x1024xf32, #tpu.memory_space<hbm>> -> memref<16x1024xf32, #tpu.memory_space<hbm>>
    %dma_start3A_79 = arith.constant 0 : i32
    %dma_start3A_80 = tpu.memref_slice %arg4[%add3A_76, %dma_start3A_79] : memref<4096x1024xf32, #tpu.memory_space<hbm>> -> memref<16x1024xf32, #tpu.memory_space<hbm>>
    tpu.enqueue_dma source(%arg8 : memref<16x1024xf32, #tpu.memory_space<vmem>>) target(%dma_start3A_80 : memref<16x1024xf32, #tpu.memory_space<hbm>>) target_semaphore(%arg16 : memref<!tpu.dma_semaphore, #tpu.memory_space<semaphore_mem>>)
    %add3A_81 = arith.constant 16 : i32
    %add3A_82 = arith.addi %mul3A_2, %add3A_81 : i32
    %dma_wait3A_83 = arith.constant 0 : i32
    %dma_wait3A_84 = tpu.memref_slice %arg4[%add3A_82, %dma_wait3A_83] : memref<4096x1024xf32, #tpu.memory_space<hbm>> -> memref<16x1024xf32, #tpu.memory_space<hbm>>
    %dma_wait3A_85 = arith.constant 0 : i32
    %dma_wait3A_86 = tpu.memref_slice %arg4[%add3A_82, %dma_wait3A_85] : memref<4096x1024xf32, #tpu.memory_space<hbm>> -> memref<16x1024xf32, #tpu.memory_space<hbm>>
    tpu.wait_dma2 semaphore(%arg15 : memref<!tpu.dma_semaphore, #tpu.memory_space<semaphore_mem>>) src(%arg7 : memref<16x1024xf32, #tpu.memory_space<vmem>>) dst(%dma_wait3A_86 : memref<16x1024xf32, #tpu.memory_space<hbm>>)
    %dma_start3A_87 = arith.constant 5 : i32
    %dma_start3A_88 = arith.constant 0 : i32
    %dma_start3A_89 = tpu.memref_slice %arg5[%dma_start3A_87, %dma_start3A_88] : memref<8x16xi32, #tpu.memory_space<vmem>> -> memref<1x16xi32, #tpu.memory_space<vmem>>
    %dma_start3A_90 = tpu.memref_squeeze %dma_start3A_89 : memref<1x16xi32, #tpu.memory_space<vmem>> -> memref<16xi32, #tpu.memory_space<vmem>>
    %dma_start3A_91 = arith.constant 0 : i32
    %dma_start3A_92 = arith.constant 0 : i32
    %dma_start3A_93 = tpu.memref_slice %arg2[%dma_start3A_91, %dma_start3A_92] : memref<100000x1024xf32, #tpu.memory_space<hbm>> -> memref<100000x1024xf32, #tpu.memory_space<hbm>>
    tpu.enqueue_indirect_dma source(%dma_start3A_93 : memref<100000x1024xf32, #tpu.memory_space<hbm>>) target(%arg7 : memref<16x1024xf32, #tpu.memory_space<vmem>>) offsets(%dma_start3A_90 : memref<16xi32, #tpu.memory_space<vmem>>) semaphore(%arg11 : memref<!tpu.dma_semaphore, #tpu.memory_space<semaphore_mem>>)
    %dma_wait3A_94 = arith.constant 3 : i32
    %dma_wait3A_95 = arith.constant 0 : i32
    %dma_wait3A_96 = tpu.memref_slice %arg5[%dma_wait3A_94, %dma_wait3A_95] : memref<8x16xi32, #tpu.memory_space<vmem>> -> memref<1x16xi32, #tpu.memory_space<vmem>>
    %dma_wait3A_97 = tpu.memref_squeeze %dma_wait3A_96 : memref<1x16xi32, #tpu.memory_space<vmem>> -> memref<16xi32, #tpu.memory_space<vmem>>
    %dma_wait3A_98 = arith.constant 0 : i32
    %dma_wait3A_99 = arith.constant 0 : i32
    %dma_wait3A_100 = tpu.memref_slice %arg2[%dma_wait3A_98, %dma_wait3A_99] : memref<100000x1024xf32, #tpu.memory_space<hbm>> -> memref<100000x1024xf32, #tpu.memory_space<hbm>>
    tpu.wait_indirect_dma semaphore(%arg13 : memref<!tpu.dma_semaphore, #tpu.memory_space<semaphore_mem>>) src(%dma_wait3A_100 : memref<100000x1024xf32, #tpu.memory_space<hbm>>) dst(%arg9 : memref<16x1024xf32, #tpu.memory_space<vmem>>)
    %add3A_101 = arith.constant 48 : i32
    %add3A_102 = arith.addi %mul3A_2, %add3A_101 : i32
    %dma_start3A_103 = arith.constant 0 : i32
    %dma_start3A_104 = tpu.memref_slice %arg4[%add3A_102, %dma_start3A_103] : memref<4096x1024xf32, #tpu.memory_space<hbm>> -> memref<16x1024xf32, #tpu.memory_space<hbm>>
    %dma_start3A_105 = arith.constant 0 : i32
    %dma_start3A_106 = tpu.memref_slice %arg4[%add3A_102, %dma_start3A_105] : memref<4096x1024xf32, #tpu.memory_space<hbm>> -> memref<16x1024xf32, #tpu.memory_space<hbm>>
    tpu.enqueue_dma source(%arg9 : memref<16x1024xf32, #tpu.memory_space<vmem>>) target(%dma_start3A_106 : memref<16x1024xf32, #tpu.memory_space<hbm>>) target_semaphore(%arg17 : memref<!tpu.dma_semaphore, #tpu.memory_space<semaphore_mem>>)
    %add3A_107 = arith.constant 32 : i32
    %add3A_108 = arith.addi %mul3A_2, %add3A_107 : i32
    %dma_wait3A_109 = arith.constant 0 : i32
    %dma_wait3A_110 = tpu.memref_slice %arg4[%add3A_108, %dma_wait3A_109] : memref<4096x1024xf32, #tpu.memory_space<hbm>> -> memref<16x1024xf32, #tpu.memory_space<hbm>>
    %dma_wait3A_111 = arith.constant 0 : i32
    %dma_wait3A_112 = tpu.memref_slice %arg4[%add3A_108, %dma_wait3A_111] : memref<4096x1024xf32, #tpu.memory_space<hbm>> -> memref<16x1024xf32, #tpu.memory_space<hbm>>
    tpu.wait_dma2 semaphore(%arg16 : memref<!tpu.dma_semaphore, #tpu.memory_space<semaphore_mem>>) src(%arg8 : memref<16x1024xf32, #tpu.memory_space<vmem>>) dst(%dma_wait3A_112 : memref<16x1024xf32, #tpu.memory_space<hbm>>)
    %dma_start3A_113 = arith.constant 6 : i32
    %dma_start3A_114 = arith.constant 0 : i32
    %dma_start3A_115 = tpu.memref_slice %arg5[%dma_start3A_113, %dma_start3A_114] : memref<8x16xi32, #tpu.memory_space<vmem>> -> memref<1x16xi32, #tpu.memory_space<vmem>>
    %dma_start3A_116 = tpu.memref_squeeze %dma_start3A_115 : memref<1x16xi32, #tpu.memory_space<vmem>> -> memref<16xi32, #tpu.memory_space<vmem>>
    %dma_start3A_117 = arith.constant 0 : i32
    %dma_start3A_118 = arith.constant 0 : i32
    %dma_start3A_119 = tpu.memref_slice %arg2[%dma_start3A_117, %dma_start3A_118] : memref<100000x1024xf32, #tpu.memory_space<hbm>> -> memref<100000x1024xf32, #tpu.memory_space<hbm>>
    tpu.enqueue_indirect_dma source(%dma_start3A_119 : memref<100000x1024xf32, #tpu.memory_space<hbm>>) target(%arg8 : memref<16x1024xf32, #tpu.memory_space<vmem>>) offsets(%dma_start3A_116 : memref<16xi32, #tpu.memory_space<vmem>>) semaphore(%arg12 : memref<!tpu.dma_semaphore, #tpu.memory_space<semaphore_mem>>)
    %dma_wait3A_120 = arith.constant 4 : i32
    %dma_wait3A_121 = arith.constant 0 : i32
    %dma_wait3A_122 = tpu.memref_slice %arg5[%dma_wait3A_120, %dma_wait3A_121] : memref<8x16xi32, #tpu.memory_space<vmem>> -> memref<1x16xi32, #tpu.memory_space<vmem>>
    %dma_wait3A_123 = tpu.memref_squeeze %dma_wait3A_122 : memref<1x16xi32, #tpu.memory_space<vmem>> -> memref<16xi32, #tpu.memory_space<vmem>>
    %dma_wait3A_124 = arith.constant 0 : i32
    %dma_wait3A_125 = arith.constant 0 : i32
    %dma_wait3A_126 = tpu.memref_slice %arg2[%dma_wait3A_124, %dma_wait3A_125] : memref<100000x1024xf32, #tpu.memory_space<hbm>> -> memref<100000x1024xf32, #tpu.memory_space<hbm>>
    tpu.wait_indirect_dma semaphore(%arg10 : memref<!tpu.dma_semaphore, #tpu.memory_space<semaphore_mem>>) src(%dma_wait3A_126 : memref<100000x1024xf32, #tpu.memory_space<hbm>>) dst(%arg6 : memref<16x1024xf32, #tpu.memory_space<vmem>>)
    %add3A_127 = arith.constant 64 : i32
    %add3A_128 = arith.addi %mul3A_2, %add3A_127 : i32
    %dma_start3A_129 = arith.constant 0 : i32
    %dma_start3A_130 = tpu.memref_slice %arg4[%add3A_128, %dma_start3A_129] : memref<4096x1024xf32, #tpu.memory_space<hbm>> -> memref<16x1024xf32, #tpu.memory_space<hbm>>
    %dma_start3A_131 = arith.constant 0 : i32
    %dma_start3A_132 = tpu.memref_slice %arg4[%add3A_128, %dma_start3A_131] : memref<4096x1024xf32, #tpu.memory_space<hbm>> -> memref<16x1024xf32, #tpu.memory_space<hbm>>
    tpu.enqueue_dma source(%arg6 : memref<16x1024xf32, #tpu.memory_space<vmem>>) target(%dma_start3A_132 : memref<16x1024xf32, #tpu.memory_space<hbm>>) target_semaphore(%arg14 : memref<!tpu.dma_semaphore, #tpu.memory_space<semaphore_mem>>)
    %add3A_133 = arith.constant 48 : i32
    %add3A_134 = arith.addi %mul3A_2, %add3A_133 : i32
    %dma_wait3A_135 = arith.constant 0 : i32
    %dma_wait3A_136 = tpu.memref_slice %arg4[%add3A_134, %dma_wait3A_135] : memref<4096x1024xf32, #tpu.memory_space<hbm>> -> memref<16x1024xf32, #tpu.memory_space<hbm>>
    %dma_wait3A_137 = arith.constant 0 : i32
    %dma_wait3A_138 = tpu.memref_slice %arg4[%add3A_134, %dma_wait3A_137] : memref<4096x1024xf32, #tpu.memory_space<hbm>> -> memref<16x1024xf32, #tpu.memory_space<hbm>>
    tpu.wait_dma2 semaphore(%arg17 : memref<!tpu.dma_semaphore, #tpu.memory_space<semaphore_mem>>) src(%arg9 : memref<16x1024xf32, #tpu.memory_space<vmem>>) dst(%dma_wait3A_138 : memref<16x1024xf32, #tpu.memory_space<hbm>>)
    %dma_start3A_139 = arith.constant 7 : i32
    %dma_start3A_140 = arith.constant 0 : i32
    %dma_start3A_141 = tpu.memref_slice %arg5[%dma_start3A_139, %dma_start3A_140] : memref<8x16xi32, #tpu.memory_space<vmem>> -> memref<1x16xi32, #tpu.memory_space<vmem>>
    %dma_start3A_142 = tpu.memref_squeeze %dma_start3A_141 : memref<1x16xi32, #tpu.memory_space<vmem>> -> memref<16xi32, #tpu.memory_space<vmem>>
    %dma_start3A_143 = arith.constant 0 : i32
    %dma_start3A_144 = arith.constant 0 : i32
    %dma_start3A_145 = tpu.memref_slice %arg2[%dma_start3A_143, %dma_start3A_144] : memref<100000x1024xf32, #tpu.memory_space<hbm>> -> memref<100000x1024xf32, #tpu.memory_space<hbm>>
    tpu.enqueue_indirect_dma source(%dma_start3A_145 : memref<100000x1024xf32, #tpu.memory_space<hbm>>) target(%arg9 : memref<16x1024xf32, #tpu.memory_space<vmem>>) offsets(%dma_start3A_142 : memref<16xi32, #tpu.memory_space<vmem>>) semaphore(%arg13 : memref<!tpu.dma_semaphore, #tpu.memory_space<semaphore_mem>>)
    %dma_wait3A_146 = arith.constant 5 : i32
    %dma_wait3A_147 = arith.constant 0 : i32
    %dma_wait3A_148 = tpu.memref_slice %arg5[%dma_wait3A_146, %dma_wait3A_147] : memref<8x16xi32, #tpu.memory_space<vmem>> -> memref<1x16xi32, #tpu.memory_space<vmem>>
    %dma_wait3A_149 = tpu.memref_squeeze %dma_wait3A_148 : memref<1x16xi32, #tpu.memory_space<vmem>> -> memref<16xi32, #tpu.memory_space<vmem>>
    %dma_wait3A_150 = arith.constant 0 : i32
    %dma_wait3A_151 = arith.constant 0 : i32
    %dma_wait3A_152 = tpu.memref_slice %arg2[%dma_wait3A_150, %dma_wait3A_151] : memref<100000x1024xf32, #tpu.memory_space<hbm>> -> memref<100000x1024xf32, #tpu.memory_space<hbm>>
    tpu.wait_indirect_dma semaphore(%arg11 : memref<!tpu.dma_semaphore, #tpu.memory_space<semaphore_mem>>) src(%dma_wait3A_152 : memref<100000x1024xf32, #tpu.memory_space<hbm>>) dst(%arg7 : memref<16x1024xf32, #tpu.memory_space<vmem>>)
    %add3A_153 = arith.constant 80 : i32
    %add3A_154 = arith.addi %mul3A_2, %add3A_153 : i32
    %dma_start3A_155 = arith.constant 0 : i32
    %dma_start3A_156 = tpu.memref_slice %arg4[%add3A_154, %dma_start3A_155] : memref<4096x1024xf32, #tpu.memory_space<hbm>> -> memref<16x1024xf32, #tpu.memory_space<hbm>>
    %dma_start3A_157 = arith.constant 0 : i32
    %dma_start3A_158 = tpu.memref_slice %arg4[%add3A_154, %dma_start3A_157] : memref<4096x1024xf32, #tpu.memory_space<hbm>> -> memref<16x1024xf32, #tpu.memory_space<hbm>>
    tpu.enqueue_dma source(%arg7 : memref<16x1024xf32, #tpu.memory_space<vmem>>) target(%dma_start3A_158 : memref<16x1024xf32, #tpu.memory_space<hbm>>) target_semaphore(%arg15 : memref<!tpu.dma_semaphore, #tpu.memory_space<semaphore_mem>>)
    %dma_wait3A_159 = arith.constant 6 : i32
    %dma_wait3A_160 = arith.constant 0 : i32
    %dma_wait3A_161 = tpu.memref_slice %arg5[%dma_wait3A_159, %dma_wait3A_160] : memref<8x16xi32, #tpu.memory_space<vmem>> -> memref<1x16xi32, #tpu.memory_space<vmem>>
    %dma_wait3A_162 = tpu.memref_squeeze %dma_wait3A_161 : memref<1x16xi32, #tpu.memory_space<vmem>> -> memref<16xi32, #tpu.memory_space<vmem>>
    %dma_wait3A_163 = arith.constant 0 : i32
    %dma_wait3A_164 = arith.constant 0 : i32
    %dma_wait3A_165 = tpu.memref_slice %arg2[%dma_wait3A_163, %dma_wait3A_164] : memref<100000x1024xf32, #tpu.memory_space<hbm>> -> memref<100000x1024xf32, #tpu.memory_space<hbm>>
    tpu.wait_indirect_dma semaphore(%arg12 : memref<!tpu.dma_semaphore, #tpu.memory_space<semaphore_mem>>) src(%dma_wait3A_165 : memref<100000x1024xf32, #tpu.memory_space<hbm>>) dst(%arg8 : memref<16x1024xf32, #tpu.memory_space<vmem>>)
    %add3A_166 = arith.constant 96 : i32
    %add3A_167 = arith.addi %mul3A_2, %add3A_166 : i32
    %dma_start3A_168 = arith.constant 0 : i32
    %dma_start3A_169 = tpu.memref_slice %arg4[%add3A_167, %dma_start3A_168] : memref<4096x1024xf32, #tpu.memory_space<hbm>> -> memref<16x1024xf32, #tpu.memory_space<hbm>>
    %dma_start3A_170 = arith.constant 0 : i32
    %dma_start3A_171 = tpu.memref_slice %arg4[%add3A_167, %dma_start3A_170] : memref<4096x1024xf32, #tpu.memory_space<hbm>> -> memref<16x1024xf32, #tpu.memory_space<hbm>>
    tpu.enqueue_dma source(%arg8 : memref<16x1024xf32, #tpu.memory_space<vmem>>) target(%dma_start3A_171 : memref<16x1024xf32, #tpu.memory_space<hbm>>) target_semaphore(%arg16 : memref<!tpu.dma_semaphore, #tpu.memory_space<semaphore_mem>>)
    %dma_wait3A_172 = arith.constant 7 : i32
    %dma_wait3A_173 = arith.constant 0 : i32
    %dma_wait3A_174 = tpu.memref_slice %arg5[%dma_wait3A_172, %dma_wait3A_173] : memref<8x16xi32, #tpu.memory_space<vmem>> -> memref<1x16xi32, #tpu.memory_space<vmem>>
    %dma_wait3A_175 = tpu.memref_squeeze %dma_wait3A_174 : memref<1x16xi32, #tpu.memory_space<vmem>> -> memref<16xi32, #tpu.memory_space<vmem>>
    %dma_wait3A_176 = arith.constant 0 : i32
    %dma_wait3A_177 = arith.constant 0 : i32
    %dma_wait3A_178 = tpu.memref_slice %arg2[%dma_wait3A_176, %dma_wait3A_177] : memref<100000x1024xf32, #tpu.memory_space<hbm>> -> memref<100000x1024xf32, #tpu.memory_space<hbm>>
    tpu.wait_indirect_dma semaphore(%arg13 : memref<!tpu.dma_semaphore, #tpu.memory_space<semaphore_mem>>) src(%dma_wait3A_178 : memref<100000x1024xf32, #tpu.memory_space<hbm>>) dst(%arg9 : memref<16x1024xf32, #tpu.memory_space<vmem>>)
    %add3A_179 = arith.constant 112 : i32
    %add3A_180 = arith.addi %mul3A_2, %add3A_179 : i32
    %dma_start3A_181 = arith.constant 0 : i32
    %dma_start3A_182 = tpu.memref_slice %arg4[%add3A_180, %dma_start3A_181] : memref<4096x1024xf32, #tpu.memory_space<hbm>> -> memref<16x1024xf32, #tpu.memory_space<hbm>>
    %dma_start3A_183 = arith.constant 0 : i32
    %dma_start3A_184 = tpu.memref_slice %arg4[%add3A_180, %dma_start3A_183] : memref<4096x1024xf32, #tpu.memory_space<hbm>> -> memref<16x1024xf32, #tpu.memory_space<hbm>>
    tpu.enqueue_dma source(%arg9 : memref<16x1024xf32, #tpu.memory_space<vmem>>) target(%dma_start3A_184 : memref<16x1024xf32, #tpu.memory_space<hbm>>) target_semaphore(%arg17 : memref<!tpu.dma_semaphore, #tpu.memory_space<semaphore_mem>>)
    %add3A_185 = arith.constant 64 : i32
    %add3A_186 = arith.addi %mul3A_2, %add3A_185 : i32
    %dma_wait3A_187 = arith.constant 0 : i32
    %dma_wait3A_188 = tpu.memref_slice %arg4[%add3A_186, %dma_wait3A_187] : memref<4096x1024xf32, #tpu.memory_space<hbm>> -> memref<16x1024xf32, #tpu.memory_space<hbm>>
    %dma_wait3A_189 = arith.constant 0 : i32
    %dma_wait3A_190 = tpu.memref_slice %arg4[%add3A_186, %dma_wait3A_189] : memref<4096x1024xf32, #tpu.memory_space<hbm>> -> memref<16x1024xf32, #tpu.memory_space<hbm>>
    tpu.wait_dma2 semaphore(%arg14 : memref<!tpu.dma_semaphore, #tpu.memory_space<semaphore_mem>>) src(%arg6 : memref<16x1024xf32, #tpu.memory_space<vmem>>) dst(%dma_wait3A_190 : memref<16x1024xf32, #tpu.memory_space<hbm>>)
    %add3A_191 = arith.constant 80 : i32
    %add3A_192 = arith.addi %mul3A_2, %add3A_191 : i32
    %dma_wait3A_193 = arith.constant 0 : i32
    %dma_wait3A_194 = tpu.memref_slice %arg4[%add3A_192, %dma_wait3A_193] : memref<4096x1024xf32, #tpu.memory_space<hbm>> -> memref<16x1024xf32, #tpu.memory_space<hbm>>
    %dma_wait3A_195 = arith.constant 0 : i32
    %dma_wait3A_196 = tpu.memref_slice %arg4[%add3A_192, %dma_wait3A_195] : memref<4096x1024xf32, #tpu.memory_space<hbm>> -> memref<16x1024xf32, #tpu.memory_space<hbm>>
    tpu.wait_dma2 semaphore(%arg15 : memref<!tpu.dma_semaphore, #tpu.memory_space<semaphore_mem>>) src(%arg7 : memref<16x1024xf32, #tpu.memory_space<vmem>>) dst(%dma_wait3A_196 : memref<16x1024xf32, #tpu.memory_space<hbm>>)
    %add3A_197 = arith.constant 96 : i32
    %add3A_198 = arith.addi %mul3A_2, %add3A_197 : i32
    %dma_wait3A_199 = arith.constant 0 : i32
    %dma_wait3A_200 = tpu.memref_slice %arg4[%add3A_198, %dma_wait3A_199] : memref<4096x1024xf32, #tpu.memory_space<hbm>> -> memref<16x1024xf32, #tpu.memory_space<hbm>>
    %dma_wait3A_201 = arith.constant 0 : i32
    %dma_wait3A_202 = tpu.memref_slice %arg4[%add3A_198, %dma_wait3A_201] : memref<4096x1024xf32, #tpu.memory_space<hbm>> -> memref<16x1024xf32, #tpu.memory_space<hbm>>
    tpu.wait_dma2 semaphore(%arg16 : memref<!tpu.dma_semaphore, #tpu.memory_space<semaphore_mem>>) src(%arg8 : memref<16x1024xf32, #tpu.memory_space<vmem>>) dst(%dma_wait3A_202 : memref<16x1024xf32, #tpu.memory_space<hbm>>)
    %add3A_203 = arith.constant 112 : i32
    %add3A_204 = arith.addi %mul3A_2, %add3A_203 : i32
    %dma_wait3A_205 = arith.constant 0 : i32
    %dma_wait3A_206 = tpu.memref_slice %arg4[%add3A_204, %dma_wait3A_205] : memref<4096x1024xf32, #tpu.memory_space<hbm>> -> memref<16x1024xf32, #tpu.memory_space<hbm>>
    %dma_wait3A_207 = arith.constant 0 : i32
    %dma_wait3A_208 = tpu.memref_slice %arg4[%add3A_204, %dma_wait3A_207] : memref<4096x1024xf32, #tpu.memory_space<hbm>> -> memref<16x1024xf32, #tpu.memory_space<hbm>>
    tpu.wait_dma2 semaphore(%arg17 : memref<!tpu.dma_semaphore, #tpu.memory_space<semaphore_mem>>) src(%arg9 : memref<16x1024xf32, #tpu.memory_space<vmem>>) dst(%dma_wait3A_208 : memref<16x1024xf32, #tpu.memory_space<hbm>>)
    return
  }
}

#map = affine_map<(d0, d1) -> (0, 0)>
#map1 = affine_map<(d0, d1) -> (0, 0, 0)>
module attributes {stable_mosaic.version = 14 : i64} {
  func.func @k(%arg0: i32, %arg1: i32, %arg2: memref<100000x1024xf32, #tpu.memory_space<hbm>>, %arg3: memref<32x8x16xi32, #tpu.memory_space<hbm>>, %arg4: memref<4096x1024xf32, #tpu.memory_space<hbm>>, %arg5: memref<8x16xi32, #tpu.memory_space<vmem>>, %arg6: memref<16x1024xf32, #tpu.memory_space<vmem>>, %arg7: memref<16x1024xf32, #tpu.memory_space<vmem>>, %arg8: memref<16x1024xf32, #tpu.memory_space<vmem>>, %arg9: memref<16x1024xf32, #tpu.memory_space<vmem>>, %arg10: memref<!tpu.dma_semaphore, #tpu.memory_space<semaphore_mem>>, %arg11: memref<!tpu.dma_semaphore, #tpu.memory_space<semaphore_mem>>, %arg12: memref<!tpu.dma_semaphore, #tpu.memory_space<semaphore_mem>>, %arg13: memref<!tpu.dma_semaphore, #tpu.memory_space<semaphore_mem>>, %arg14: memref<!tpu.dma_semaphore, #tpu.memory_space<semaphore_mem>>, %arg15: memref<!tpu.dma_semaphore, #tpu.memory_space<semaphore_mem>>, %arg16: memref<!tpu.dma_semaphore, #tpu.memory_space<semaphore_mem>>, %arg17: memref<!tpu.dma_semaphore, #tpu.memory_space<semaphore_mem>>) attributes {dimension_semantics = [#tpu.dimension_semantics<core_parallel>, #tpu.dimension_semantics<subcore_parallel>], iteration_bounds = array<i64: 2, 16>, scalar_prefetch = 0 : i64, scratch_operands = 13 : i64, tpu.core_type = #tpu.core_type<sc_vector_subcore>, window_params = [{transform_indices = #map}, {transform_indices = #map1}, {transform_indices = #map}]} {
    %mul3A = arith.constant 2 : i32
    %mul3A_0 = arith.muli %arg1, %mul3A : i32
    %add3A = arith.addi %mul3A_0, %arg0 : i32
    %mul3A_1 = arith.constant 128 : i32
    %mul3A_2 = arith.muli %add3A, %mul3A_1 : i32
    "tpu.region"() ({
      %run_scoped3A = tpu.sem_alloc : memref<!tpu.dma_semaphore, #tpu.memory_space<semaphore_mem>>
      %dma_start3A_209 = arith.constant 0 : i32
      %dma_start3A_210 = arith.constant 0 : i32
      %dma_start3A_211 = tpu.memref_slice %arg3[%add3A, %dma_start3A_209, %dma_start3A_210] : memref<32x8x16xi32, #tpu.memory_space<hbm>> -> memref<1x8x16xi32, #tpu.memory_space<hbm>>
      %dma_start3A_212 = tpu.memref_squeeze %dma_start3A_211 : memref<1x8x16xi32, #tpu.memory_space<hbm>> -> memref<8x16xi32, #tpu.memory_space<hbm>>
      %dma_start3A_213 = arith.constant 0 : i32
      %dma_start3A_214 = arith.constant 0 : i32
      %dma_start3A_215 = tpu.memref_slice %arg3[%add3A, %dma_start3A_213, %dma_start3A_214] : memref<32x8x16xi32, #tpu.memory_space<hbm>> -> memref<1x8x16xi32, #tpu.memory_space<hbm>>
      %dma_start3A_216 = tpu.memref_squeeze %dma_start3A_215 : memref<1x8x16xi32, #tpu.memory_space<hbm>> -> memref<8x16xi32, #tpu.memory_space<hbm>>
      tpu.enqueue_dma source(%dma_start3A_216 : memref<8x16xi32, #tpu.memory_space<hbm>>) target(%arg5 : memref<8x16xi32, #tpu.memory_space<vmem>>) target_semaphore(%run_scoped3A : memref<!tpu.dma_semaphore, #tpu.memory_space<semaphore_mem>>)
      %dma_wait3A_217 = arith.constant 0 : i32
      %dma_wait3A_218 = arith.constant 0 : i32
      %dma_wait3A_219 = tpu.memref_slice %arg3[%add3A, %dma_wait3A_217, %dma_wait3A_218] : memref<32x8x16xi32, #tpu.memory_space<hbm>> -> memref<1x8x16xi32, #tpu.memory_space<hbm>>
      %dma_wait3A_220 = tpu.memref_squeeze %dma_wait3A_219 : memref<1x8x16xi32, #tpu.memory_space<hbm>> -> memref<8x16xi32, #tpu.memory_space<hbm>>
      %dma_wait3A_221 = arith.constant 0 : i32
      %dma_wait3A_222 = arith.constant 0 : i32
      %dma_wait3A_223 = tpu.memref_slice %arg3[%add3A, %dma_wait3A_221, %dma_wait3A_222] : memref<32x8x16xi32, #tpu.memory_space<hbm>> -> memref<1x8x16xi32, #tpu.memory_space<hbm>>
      %dma_wait3A_224 = tpu.memref_squeeze %dma_wait3A_223 : memref<1x8x16xi32, #tpu.memory_space<hbm>> -> memref<8x16xi32, #tpu.memory_space<hbm>>
      tpu.wait_dma2 semaphore(%run_scoped3A : memref<!tpu.dma_semaphore, #tpu.memory_space<semaphore_mem>>) src(%dma_wait3A_224 : memref<8x16xi32, #tpu.memory_space<hbm>>) dst(%arg5 : memref<8x16xi32, #tpu.memory_space<vmem>>)
      tpu.yield
    }) : () -> ()
    %dma_start3A = arith.constant 0 : i32
    %dma_start3A_3 = arith.constant 0 : i32
    %dma_start3A_4 = tpu.memref_slice %arg5[%dma_start3A, %dma_start3A_3] : memref<8x16xi32, #tpu.memory_space<vmem>> -> memref<1x16xi32, #tpu.memory_space<vmem>>
    %dma_start3A_5 = tpu.memref_squeeze %dma_start3A_4 : memref<1x16xi32, #tpu.memory_space<vmem>> -> memref<16xi32, #tpu.memory_space<vmem>>
    %dma_start3A_6 = arith.constant 0 : i32
    %dma_start3A_7 = arith.constant 0 : i32
    %dma_start3A_8 = tpu.memref_slice %arg2[%dma_start3A_6, %dma_start3A_7] : memref<100000x1024xf32, #tpu.memory_space<hbm>> -> memref<100000x1024xf32, #tpu.memory_space<hbm>>
    tpu.enqueue_indirect_dma source(%dma_start3A_8 : memref<100000x1024xf32, #tpu.memory_space<hbm>>) target(%arg6 : memref<16x1024xf32, #tpu.memory_space<vmem>>) offsets(%dma_start3A_5 : memref<16xi32, #tpu.memory_space<vmem>>) semaphore(%arg10 : memref<!tpu.dma_semaphore, #tpu.memory_space<semaphore_mem>>)
    %dma_start3A_9 = arith.constant 1 : i32
    %dma_start3A_10 = arith.constant 0 : i32
    %dma_start3A_11 = tpu.memref_slice %arg5[%dma_start3A_9, %dma_start3A_10] : memref<8x16xi32, #tpu.memory_space<vmem>> -> memref<1x16xi32, #tpu.memory_space<vmem>>
    %dma_start3A_12 = tpu.memref_squeeze %dma_start3A_11 : memref<1x16xi32, #tpu.memory_space<vmem>> -> memref<16xi32, #tpu.memory_space<vmem>>
    %dma_start3A_13 = arith.constant 0 : i32
    %dma_start3A_14 = arith.constant 0 : i32
    %dma_start3A_15 = tpu.memref_slice %arg2[%dma_start3A_13, %dma_start3A_14] : memref<100000x1024xf32, #tpu.memory_space<hbm>> -> memref<100000x1024xf32, #tpu.memory_space<hbm>>
    tpu.enqueue_indirect_dma source(%dma_start3A_15 : memref<100000x1024xf32, #tpu.memory_space<hbm>>) target(%arg7 : memref<16x1024xf32, #tpu.memory_space<vmem>>) offsets(%dma_start3A_12 : memref<16xi32, #tpu.memory_space<vmem>>) semaphore(%arg11 : memref<!tpu.dma_semaphore, #tpu.memory_space<semaphore_mem>>)
    %dma_start3A_16 = arith.constant 2 : i32
    %dma_start3A_17 = arith.constant 0 : i32
    %dma_start3A_18 = tpu.memref_slice %arg5[%dma_start3A_16, %dma_start3A_17] : memref<8x16xi32, #tpu.memory_space<vmem>> -> memref<1x16xi32, #tpu.memory_space<vmem>>
    %dma_start3A_19 = tpu.memref_squeeze %dma_start3A_18 : memref<1x16xi32, #tpu.memory_space<vmem>> -> memref<16xi32, #tpu.memory_space<vmem>>
    %dma_start3A_20 = arith.constant 0 : i32
    %dma_start3A_21 = arith.constant 0 : i32
    %dma_start3A_22 = tpu.memref_slice %arg2[%dma_start3A_20, %dma_start3A_21] : memref<100000x1024xf32, #tpu.memory_space<hbm>> -> memref<100000x1024xf32, #tpu.memory_space<hbm>>
    tpu.enqueue_indirect_dma source(%dma_start3A_22 : memref<100000x1024xf32, #tpu.memory_space<hbm>>) target(%arg8 : memref<16x1024xf32, #tpu.memory_space<vmem>>) offsets(%dma_start3A_19 : memref<16xi32, #tpu.memory_space<vmem>>) semaphore(%arg12 : memref<!tpu.dma_semaphore, #tpu.memory_space<semaphore_mem>>)
    %dma_wait3A = arith.constant 0 : i32
    %dma_wait3A_23 = arith.constant 0 : i32
    %dma_wait3A_24 = tpu.memref_slice %arg5[%dma_wait3A, %dma_wait3A_23] : memref<8x16xi32, #tpu.memory_space<vmem>> -> memref<1x16xi32, #tpu.memory_space<vmem>>
    %dma_wait3A_25 = tpu.memref_squeeze %dma_wait3A_24 : memref<1x16xi32, #tpu.memory_space<vmem>> -> memref<16xi32, #tpu.memory_space<vmem>>
    %dma_wait3A_26 = arith.constant 0 : i32
    %dma_wait3A_27 = arith.constant 0 : i32
    %dma_wait3A_28 = tpu.memref_slice %arg2[%dma_wait3A_26, %dma_wait3A_27] : memref<100000x1024xf32, #tpu.memory_space<hbm>> -> memref<100000x1024xf32, #tpu.memory_space<hbm>>
    tpu.wait_indirect_dma semaphore(%arg10 : memref<!tpu.dma_semaphore, #tpu.memory_space<semaphore_mem>>) src(%dma_wait3A_28 : memref<100000x1024xf32, #tpu.memory_space<hbm>>) dst(%arg6 : memref<16x1024xf32, #tpu.memory_space<vmem>>)
    %add3A_29 = arith.constant 0 : i32
    %add3A_30 = arith.addi %mul3A_2, %add3A_29 : i32
    %dma_start3A_31 = arith.constant 0 : i32
    %dma_start3A_32 = tpu.memref_slice %arg4[%add3A_30, %dma_start3A_31] : memref<4096x1024xf32, #tpu.memory_space<hbm>> -> memref<16x1024xf32, #tpu.memory_space<hbm>>
    %dma_start3A_33 = arith.constant 0 : i32
    %dma_start3A_34 = tpu.memref_slice %arg4[%add3A_30, %dma_start3A_33] : memref<4096x1024xf32, #tpu.memory_space<hbm>> -> memref<16x1024xf32, #tpu.memory_space<hbm>>
    tpu.enqueue_dma source(%arg6 : memref<16x1024xf32, #tpu.memory_space<vmem>>) target(%dma_start3A_34 : memref<16x1024xf32, #tpu.memory_space<hbm>>) target_semaphore(%arg14 : memref<!tpu.dma_semaphore, #tpu.memory_space<semaphore_mem>>)
    %dma_start3A_35 = arith.constant 3 : i32
    %dma_start3A_36 = arith.constant 0 : i32
    %dma_start3A_37 = tpu.memref_slice %arg5[%dma_start3A_35, %dma_start3A_36] : memref<8x16xi32, #tpu.memory_space<vmem>> -> memref<1x16xi32, #tpu.memory_space<vmem>>
    %dma_start3A_38 = tpu.memref_squeeze %dma_start3A_37 : memref<1x16xi32, #tpu.memory_space<vmem>> -> memref<16xi32, #tpu.memory_space<vmem>>
    %dma_start3A_39 = arith.constant 0 : i32
    %dma_start3A_40 = arith.constant 0 : i32
    %dma_start3A_41 = tpu.memref_slice %arg2[%dma_start3A_39, %dma_start3A_40] : memref<100000x1024xf32, #tpu.memory_space<hbm>> -> memref<100000x1024xf32, #tpu.memory_space<hbm>>
    tpu.enqueue_indirect_dma source(%dma_start3A_41 : memref<100000x1024xf32, #tpu.memory_space<hbm>>) target(%arg9 : memref<16x1024xf32, #tpu.memory_space<vmem>>) offsets(%dma_start3A_38 : memref<16xi32, #tpu.memory_space<vmem>>) semaphore(%arg13 : memref<!tpu.dma_semaphore, #tpu.memory_space<semaphore_mem>>)
    %dma_wait3A_42 = arith.constant 1 : i32
    %dma_wait3A_43 = arith.constant 0 : i32
    %dma_wait3A_44 = tpu.memref_slice %arg5[%dma_wait3A_42, %dma_wait3A_43] : memref<8x16xi32, #tpu.memory_space<vmem>> -> memref<1x16xi32, #tpu.memory_space<vmem>>
    %dma_wait3A_45 = tpu.memref_squeeze %dma_wait3A_44 : memref<1x16xi32, #tpu.memory_space<vmem>> -> memref<16xi32, #tpu.memory_space<vmem>>
    %dma_wait3A_46 = arith.constant 0 : i32
    %dma_wait3A_47 = arith.constant 0 : i32
    %dma_wait3A_48 = tpu.memref_slice %arg2[%dma_wait3A_46, %dma_wait3A_47] : memref<100000x1024xf32, #tpu.memory_space<hbm>> -> memref<100000x1024xf32, #tpu.memory_space<hbm>>
    tpu.wait_indirect_dma semaphore(%arg11 : memref<!tpu.dma_semaphore, #tpu.memory_space<semaphore_mem>>) src(%dma_wait3A_48 : memref<100000x1024xf32, #tpu.memory_space<hbm>>) dst(%arg7 : memref<16x1024xf32, #tpu.memory_space<vmem>>)
    %add3A_49 = arith.constant 16 : i32
    %add3A_50 = arith.addi %mul3A_2, %add3A_49 : i32
    %dma_start3A_51 = arith.constant 0 : i32
    %dma_start3A_52 = tpu.memref_slice %arg4[%add3A_50, %dma_start3A_51] : memref<4096x1024xf32, #tpu.memory_space<hbm>> -> memref<16x1024xf32, #tpu.memory_space<hbm>>
    %dma_start3A_53 = arith.constant 0 : i32
    %dma_start3A_54 = tpu.memref_slice %arg4[%add3A_50, %dma_start3A_53] : memref<4096x1024xf32, #tpu.memory_space<hbm>> -> memref<16x1024xf32, #tpu.memory_space<hbm>>
    tpu.enqueue_dma source(%arg7 : memref<16x1024xf32, #tpu.memory_space<vmem>>) target(%dma_start3A_54 : memref<16x1024xf32, #tpu.memory_space<hbm>>) target_semaphore(%arg15 : memref<!tpu.dma_semaphore, #tpu.memory_space<semaphore_mem>>)
    %add3A_55 = arith.constant 0 : i32
    %add3A_56 = arith.addi %mul3A_2, %add3A_55 : i32
    %dma_wait3A_57 = arith.constant 0 : i32
    %dma_wait3A_58 = tpu.memref_slice %arg4[%add3A_56, %dma_wait3A_57] : memref<4096x1024xf32, #tpu.memory_space<hbm>> -> memref<16x1024xf32, #tpu.memory_space<hbm>>
    %dma_wait3A_59 = arith.constant 0 : i32
    %dma_wait3A_60 = tpu.memref_slice %arg4[%add3A_56, %dma_wait3A_59] : memref<4096x1024xf32, #tpu.memory_space<hbm>> -> memref<16x1024xf32, #tpu.memory_space<hbm>>
    tpu.wait_dma2 semaphore(%arg14 : memref<!tpu.dma_semaphore, #tpu.memory_space<semaphore_mem>>) src(%arg6 : memref<16x1024xf32, #tpu.memory_space<vmem>>) dst(%dma_wait3A_60 : memref<16x1024xf32, #tpu.memory_space<hbm>>)
    %dma_start3A_61 = arith.constant 4 : i32
    %dma_start3A_62 = arith.constant 0 : i32
    %dma_start3A_63 = tpu.memref_slice %arg5[%dma_start3A_61, %dma_start3A_62] : memref<8x16xi32, #tpu.memory_space<vmem>> -> memref<1x16xi32, #tpu.memory_space<vmem>>
    %dma_start3A_64 = tpu.memref_squeeze %dma_start3A_63 : memref<1x16xi32, #tpu.memory_space<vmem>> -> memref<16xi32, #tpu.memory_space<vmem>>
    %dma_start3A_65 = arith.constant 0 : i32
    %dma_start3A_66 = arith.constant 0 : i32
    %dma_start3A_67 = tpu.memref_slice %arg2[%dma_start3A_65, %dma_start3A_66] : memref<100000x1024xf32, #tpu.memory_space<hbm>> -> memref<100000x1024xf32, #tpu.memory_space<hbm>>
    tpu.enqueue_indirect_dma source(%dma_start3A_67 : memref<100000x1024xf32, #tpu.memory_space<hbm>>) target(%arg6 : memref<16x1024xf32, #tpu.memory_space<vmem>>) offsets(%dma_start3A_64 : memref<16xi32, #tpu.memory_space<vmem>>) semaphore(%arg10 : memref<!tpu.dma_semaphore, #tpu.memory_space<semaphore_mem>>)
    %dma_wait3A_68 = arith.constant 2 : i32
    %dma_wait3A_69 = arith.constant 0 : i32
    %dma_wait3A_70 = tpu.memref_slice %arg5[%dma_wait3A_68, %dma_wait3A_69] : memref<8x16xi32, #tpu.memory_space<vmem>> -> memref<1x16xi32, #tpu.memory_space<vmem>>
    %dma_wait3A_71 = tpu.memref_squeeze %dma_wait3A_70 : memref<1x16xi32, #tpu.memory_space<vmem>> -> memref<16xi32, #tpu.memory_space<vmem>>
    %dma_wait3A_72 = arith.constant 0 : i32
    %dma_wait3A_73 = arith.constant 0 : i32
    %dma_wait3A_74 = tpu.memref_slice %arg2[%dma_wait3A_72, %dma_wait3A_73] : memref<100000x1024xf32, #tpu.memory_space<hbm>> -> memref<100000x1024xf32, #tpu.memory_space<hbm>>
    tpu.wait_indirect_dma semaphore(%arg12 : memref<!tpu.dma_semaphore, #tpu.memory_space<semaphore_mem>>) src(%dma_wait3A_74 : memref<100000x1024xf32, #tpu.memory_space<hbm>>) dst(%arg8 : memref<16x1024xf32, #tpu.memory_space<vmem>>)
    %add3A_75 = arith.constant 32 : i32
    %add3A_76 = arith.addi %mul3A_2, %add3A_75 : i32
    %dma_start3A_77 = arith.constant 0 : i32
    %dma_start3A_78 = tpu.memref_slice %arg4[%add3A_76, %dma_start3A_77] : memref<4096x1024xf32, #tpu.memory_space<hbm>> -> memref<16x1024xf32, #tpu.memory_space<hbm>>
    %dma_start3A_79 = arith.constant 0 : i32
    %dma_start3A_80 = tpu.memref_slice %arg4[%add3A_76, %dma_start3A_79] : memref<4096x1024xf32, #tpu.memory_space<hbm>> -> memref<16x1024xf32, #tpu.memory_space<hbm>>
    tpu.enqueue_dma source(%arg8 : memref<16x1024xf32, #tpu.memory_space<vmem>>) target(%dma_start3A_80 : memref<16x1024xf32, #tpu.memory_space<hbm>>) target_semaphore(%arg16 : memref<!tpu.dma_semaphore, #tpu.memory_space<semaphore_mem>>)
    %add3A_81 = arith.constant 16 : i32
    %add3A_82 = arith.addi %mul3A_2, %add3A_81 : i32
    %dma_wait3A_83 = arith.constant 0 : i32
    %dma_wait3A_84 = tpu.memref_slice %arg4[%add3A_82, %dma_wait3A_83] : memref<4096x1024xf32, #tpu.memory_space<hbm>> -> memref<16x1024xf32, #tpu.memory_space<hbm>>
    %dma_wait3A_85 = arith.constant 0 : i32
    %dma_wait3A_86 = tpu.memref_slice %arg4[%add3A_82, %dma_wait3A_85] : memref<4096x1024xf32, #tpu.memory_space<hbm>> -> memref<16x1024xf32, #tpu.memory_space<hbm>>
    tpu.wait_dma2 semaphore(%arg15 : memref<!tpu.dma_semaphore, #tpu.memory_space<semaphore_mem>>) src(%arg7 : memref<16x1024xf32, #tpu.memory_space<vmem>>) dst(%dma_wait3A_86 : memref<16x1024xf32, #tpu.memory_space<hbm>>)
    %dma_start3A_87 = arith.constant 5 : i32
    %dma_start3A_88 = arith.constant 0 : i32
    %dma_start3A_89 = tpu.memref_slice %arg5[%dma_start3A_87, %dma_start3A_88] : memref<8x16xi32, #tpu.memory_space<vmem>> -> memref<1x16xi32, #tpu.memory_space<vmem>>
    %dma_start3A_90 = tpu.memref_squeeze %dma_start3A_89 : memref<1x16xi32, #tpu.memory_space<vmem>> -> memref<16xi32, #tpu.memory_space<vmem>>
    %dma_start3A_91 = arith.constant 0 : i32
    %dma_start3A_92 = arith.constant 0 : i32
    %dma_start3A_93 = tpu.memref_slice %arg2[%dma_start3A_91, %dma_start3A_92] : memref<100000x1024xf32, #tpu.memory_space<hbm>> -> memref<100000x1024xf32, #tpu.memory_space<hbm>>
    tpu.enqueue_indirect_dma source(%dma_start3A_93 : memref<100000x1024xf32, #tpu.memory_space<hbm>>) target(%arg7 : memref<16x1024xf32, #tpu.memory_space<vmem>>) offsets(%dma_start3A_90 : memref<16xi32, #tpu.memory_space<vmem>>) semaphore(%arg11 : memref<!tpu.dma_semaphore, #tpu.memory_space<semaphore_mem>>)
    %dma_wait3A_94 = arith.constant 3 : i32
    %dma_wait3A_95 = arith.constant 0 : i32
    %dma_wait3A_96 = tpu.memref_slice %arg5[%dma_wait3A_94, %dma_wait3A_95] : memref<8x16xi32, #tpu.memory_space<vmem>> -> memref<1x16xi32, #tpu.memory_space<vmem>>
    %dma_wait3A_97 = tpu.memref_squeeze %dma_wait3A_96 : memref<1x16xi32, #tpu.memory_space<vmem>> -> memref<16xi32, #tpu.memory_space<vmem>>
    %dma_wait3A_98 = arith.constant 0 : i32
    %dma_wait3A_99 = arith.constant 0 : i32
    %dma_wait3A_100 = tpu.memref_slice %arg2[%dma_wait3A_98, %dma_wait3A_99] : memref<100000x1024xf32, #tpu.memory_space<hbm>> -> memref<100000x1024xf32, #tpu.memory_space<hbm>>
    tpu.wait_indirect_dma semaphore(%arg13 : memref<!tpu.dma_semaphore, #tpu.memory_space<semaphore_mem>>) src(%dma_wait3A_100 : memref<100000x1024xf32, #tpu.memory_space<hbm>>) dst(%arg9 : memref<16x1024xf32, #tpu.memory_space<vmem>>)
    %add3A_101 = arith.constant 48 : i32
    %add3A_102 = arith.addi %mul3A_2, %add3A_101 : i32
    %dma_start3A_103 = arith.constant 0 : i32
    %dma_start3A_104 = tpu.memref_slice %arg4[%add3A_102, %dma_start3A_103] : memref<4096x1024xf32, #tpu.memory_space<hbm>> -> memref<16x1024xf32, #tpu.memory_space<hbm>>
    %dma_start3A_105 = arith.constant 0 : i32
    %dma_start3A_106 = tpu.memref_slice %arg4[%add3A_102, %dma_start3A_105] : memref<4096x1024xf32, #tpu.memory_space<hbm>> -> memref<16x1024xf32, #tpu.memory_space<hbm>>
    tpu.enqueue_dma source(%arg9 : memref<16x1024xf32, #tpu.memory_space<vmem>>) target(%dma_start3A_106 : memref<16x1024xf32, #tpu.memory_space<hbm>>) target_semaphore(%arg17 : memref<!tpu.dma_semaphore, #tpu.memory_space<semaphore_mem>>)
    %add3A_107 = arith.constant 32 : i32
    %add3A_108 = arith.addi %mul3A_2, %add3A_107 : i32
    %dma_wait3A_109 = arith.constant 0 : i32
    %dma_wait3A_110 = tpu.memref_slice %arg4[%add3A_108, %dma_wait3A_109] : memref<4096x1024xf32, #tpu.memory_space<hbm>> -> memref<16x1024xf32, #tpu.memory_space<hbm>>
    %dma_wait3A_111 = arith.constant 0 : i32
    %dma_wait3A_112 = tpu.memref_slice %arg4[%add3A_108, %dma_wait3A_111] : memref<4096x1024xf32, #tpu.memory_space<hbm>> -> memref<16x1024xf32, #tpu.memory_space<hbm>>
    tpu.wait_dma2 semaphore(%arg16 : memref<!tpu.dma_semaphore, #tpu.memory_space<semaphore_mem>>) src(%arg8 : memref<16x1024xf32, #tpu.memory_space<vmem>>) dst(%dma_wait3A_112 : memref<16x1024xf32, #tpu.memory_space<hbm>>)
    %dma_start3A_113 = arith.constant 6 : i32
    %dma_start3A_114 = arith.constant 0 : i32
    %dma_start3A_115 = tpu.memref_slice %arg5[%dma_start3A_113, %dma_start3A_114] : memref<8x16xi32, #tpu.memory_space<vmem>> -> memref<1x16xi32, #tpu.memory_space<vmem>>
    %dma_start3A_116 = tpu.memref_squeeze %dma_start3A_115 : memref<1x16xi32, #tpu.memory_space<vmem>> -> memref<16xi32, #tpu.memory_space<vmem>>
    %dma_start3A_117 = arith.constant 0 : i32
    %dma_start3A_118 = arith.constant 0 : i32
    %dma_start3A_119 = tpu.memref_slice %arg2[%dma_start3A_117, %dma_start3A_118] : memref<100000x1024xf32, #tpu.memory_space<hbm>> -> memref<100000x1024xf32, #tpu.memory_space<hbm>>
    tpu.enqueue_indirect_dma source(%dma_start3A_119 : memref<100000x1024xf32, #tpu.memory_space<hbm>>) target(%arg8 : memref<16x1024xf32, #tpu.memory_space<vmem>>) offsets(%dma_start3A_116 : memref<16xi32, #tpu.memory_space<vmem>>) semaphore(%arg12 : memref<!tpu.dma_semaphore, #tpu.memory_space<semaphore_mem>>)
    %dma_wait3A_120 = arith.constant 4 : i32
    %dma_wait3A_121 = arith.constant 0 : i32
    %dma_wait3A_122 = tpu.memref_slice %arg5[%dma_wait3A_120, %dma_wait3A_121] : memref<8x16xi32, #tpu.memory_space<vmem>> -> memref<1x16xi32, #tpu.memory_space<vmem>>
    %dma_wait3A_123 = tpu.memref_squeeze %dma_wait3A_122 : memref<1x16xi32, #tpu.memory_space<vmem>> -> memref<16xi32, #tpu.memory_space<vmem>>
    %dma_wait3A_124 = arith.constant 0 : i32
    %dma_wait3A_125 = arith.constant 0 : i32
    %dma_wait3A_126 = tpu.memref_slice %arg2[%dma_wait3A_124, %dma_wait3A_125] : memref<100000x1024xf32, #tpu.memory_space<hbm>> -> memref<100000x1024xf32, #tpu.memory_space<hbm>>
    tpu.wait_indirect_dma semaphore(%arg10 : memref<!tpu.dma_semaphore, #tpu.memory_space<semaphore_mem>>) src(%dma_wait3A_126 : memref<100000x1024xf32, #tpu.memory_space<hbm>>) dst(%arg6 : memref<16x1024xf32, #tpu.memory_space<vmem>>)
    %add3A_127 = arith.constant 64 : i32
    %add3A_128 = arith.addi %mul3A_2, %add3A_127 : i32
    %dma_start3A_129 = arith.constant 0 : i32
    %dma_start3A_130 = tpu.memref_slice %arg4[%add3A_128, %dma_start3A_129] : memref<4096x1024xf32, #tpu.memory_space<hbm>> -> memref<16x1024xf32, #tpu.memory_space<hbm>>
    %dma_start3A_131 = arith.constant 0 : i32
    %dma_start3A_132 = tpu.memref_slice %arg4[%add3A_128, %dma_start3A_131] : memref<4096x1024xf32, #tpu.memory_space<hbm>> -> memref<16x1024xf32, #tpu.memory_space<hbm>>
    tpu.enqueue_dma source(%arg6 : memref<16x1024xf32, #tpu.memory_space<vmem>>) target(%dma_start3A_132 : memref<16x1024xf32, #tpu.memory_space<hbm>>) target_semaphore(%arg14 : memref<!tpu.dma_semaphore, #tpu.memory_space<semaphore_mem>>)
    %add3A_133 = arith.constant 48 : i32
    %add3A_134 = arith.addi %mul3A_2, %add3A_133 : i32
    %dma_wait3A_135 = arith.constant 0 : i32
    %dma_wait3A_136 = tpu.memref_slice %arg4[%add3A_134, %dma_wait3A_135] : memref<4096x1024xf32, #tpu.memory_space<hbm>> -> memref<16x1024xf32, #tpu.memory_space<hbm>>
    %dma_wait3A_137 = arith.constant 0 : i32
    %dma_wait3A_138 = tpu.memref_slice %arg4[%add3A_134, %dma_wait3A_137] : memref<4096x1024xf32, #tpu.memory_space<hbm>> -> memref<16x1024xf32, #tpu.memory_space<hbm>>
    tpu.wait_dma2 semaphore(%arg17 : memref<!tpu.dma_semaphore, #tpu.memory_space<semaphore_mem>>) src(%arg9 : memref<16x1024xf32, #tpu.memory_space<vmem>>) dst(%dma_wait3A_138 : memref<16x1024xf32, #tpu.memory_space<hbm>>)
    %dma_start3A_139 = arith.constant 7 : i32
    %dma_start3A_140 = arith.constant 0 : i32
    %dma_start3A_141 = tpu.memref_slice %arg5[%dma_start3A_139, %dma_start3A_140] : memref<8x16xi32, #tpu.memory_space<vmem>> -> memref<1x16xi32, #tpu.memory_space<vmem>>
    %dma_start3A_142 = tpu.memref_squeeze %dma_start3A_141 : memref<1x16xi32, #tpu.memory_space<vmem>> -> memref<16xi32, #tpu.memory_space<vmem>>
    %dma_start3A_143 = arith.constant 0 : i32
    %dma_start3A_144 = arith.constant 0 : i32
    %dma_start3A_145 = tpu.memref_slice %arg2[%dma_start3A_143, %dma_start3A_144] : memref<100000x1024xf32, #tpu.memory_space<hbm>> -> memref<100000x1024xf32, #tpu.memory_space<hbm>>
    tpu.enqueue_indirect_dma source(%dma_start3A_145 : memref<100000x1024xf32, #tpu.memory_space<hbm>>) target(%arg9 : memref<16x1024xf32, #tpu.memory_space<vmem>>) offsets(%dma_start3A_142 : memref<16xi32, #tpu.memory_space<vmem>>) semaphore(%arg13 : memref<!tpu.dma_semaphore, #tpu.memory_space<semaphore_mem>>)
    %dma_wait3A_146 = arith.constant 5 : i32
    %dma_wait3A_147 = arith.constant 0 : i32
    %dma_wait3A_148 = tpu.memref_slice %arg5[%dma_wait3A_146, %dma_wait3A_147] : memref<8x16xi32, #tpu.memory_space<vmem>> -> memref<1x16xi32, #tpu.memory_space<vmem>>
    %dma_wait3A_149 = tpu.memref_squeeze %dma_wait3A_148 : memref<1x16xi32, #tpu.memory_space<vmem>> -> memref<16xi32, #tpu.memory_space<vmem>>
    %dma_wait3A_150 = arith.constant 0 : i32
    %dma_wait3A_151 = arith.constant 0 : i32
    %dma_wait3A_152 = tpu.memref_slice %arg2[%dma_wait3A_150, %dma_wait3A_151] : memref<100000x1024xf32, #tpu.memory_space<hbm>> -> memref<100000x1024xf32, #tpu.memory_space<hbm>>
    tpu.wait_indirect_dma semaphore(%arg11 : memref<!tpu.dma_semaphore, #tpu.memory_space<semaphore_mem>>) src(%dma_wait3A_152 : memref<100000x1024xf32, #tpu.memory_space<hbm>>) dst(%arg7 : memref<16x1024xf32, #tpu.memory_space<vmem>>)
    %add3A_153 = arith.constant 80 : i32
    %add3A_154 = arith.addi %mul3A_2, %add3A_153 : i32
    %dma_start3A_155 = arith.constant 0 : i32
    %dma_start3A_156 = tpu.memref_slice %arg4[%add3A_154, %dma_start3A_155] : memref<4096x1024xf32, #tpu.memory_space<hbm>> -> memref<16x1024xf32, #tpu.memory_space<hbm>>
    %dma_start3A_157 = arith.constant 0 : i32
    %dma_start3A_158 = tpu.memref_slice %arg4[%add3A_154, %dma_start3A_157] : memref<4096x1024xf32, #tpu.memory_space<hbm>> -> memref<16x1024xf32, #tpu.memory_space<hbm>>
    tpu.enqueue_dma source(%arg7 : memref<16x1024xf32, #tpu.memory_space<vmem>>) target(%dma_start3A_158 : memref<16x1024xf32, #tpu.memory_space<hbm>>) target_semaphore(%arg15 : memref<!tpu.dma_semaphore, #tpu.memory_space<semaphore_mem>>)
    %dma_wait3A_159 = arith.constant 6 : i32
    %dma_wait3A_160 = arith.constant 0 : i32
    %dma_wait3A_161 = tpu.memref_slice %arg5[%dma_wait3A_159, %dma_wait3A_160] : memref<8x16xi32, #tpu.memory_space<vmem>> -> memref<1x16xi32, #tpu.memory_space<vmem>>
    %dma_wait3A_162 = tpu.memref_squeeze %dma_wait3A_161 : memref<1x16xi32, #tpu.memory_space<vmem>> -> memref<16xi32, #tpu.memory_space<vmem>>
    %dma_wait3A_163 = arith.constant 0 : i32
    %dma_wait3A_164 = arith.constant 0 : i32
    %dma_wait3A_165 = tpu.memref_slice %arg2[%dma_wait3A_163, %dma_wait3A_164] : memref<100000x1024xf32, #tpu.memory_space<hbm>> -> memref<100000x1024xf32, #tpu.memory_space<hbm>>
    tpu.wait_indirect_dma semaphore(%arg12 : memref<!tpu.dma_semaphore, #tpu.memory_space<semaphore_mem>>) src(%dma_wait3A_165 : memref<100000x1024xf32, #tpu.memory_space<hbm>>) dst(%arg8 : memref<16x1024xf32, #tpu.memory_space<vmem>>)
    %add3A_166 = arith.constant 96 : i32
    %add3A_167 = arith.addi %mul3A_2, %add3A_166 : i32
    %dma_start3A_168 = arith.constant 0 : i32
    %dma_start3A_169 = tpu.memref_slice %arg4[%add3A_167, %dma_start3A_168] : memref<4096x1024xf32, #tpu.memory_space<hbm>> -> memref<16x1024xf32, #tpu.memory_space<hbm>>
    %dma_start3A_170 = arith.constant 0 : i32
    %dma_start3A_171 = tpu.memref_slice %arg4[%add3A_167, %dma_start3A_170] : memref<4096x1024xf32, #tpu.memory_space<hbm>> -> memref<16x1024xf32, #tpu.memory_space<hbm>>
    tpu.enqueue_dma source(%arg8 : memref<16x1024xf32, #tpu.memory_space<vmem>>) target(%dma_start3A_171 : memref<16x1024xf32, #tpu.memory_space<hbm>>) target_semaphore(%arg16 : memref<!tpu.dma_semaphore, #tpu.memory_space<semaphore_mem>>)
    %dma_wait3A_172 = arith.constant 7 : i32
    %dma_wait3A_173 = arith.constant 0 : i32
    %dma_wait3A_174 = tpu.memref_slice %arg5[%dma_wait3A_172, %dma_wait3A_173] : memref<8x16xi32, #tpu.memory_space<vmem>> -> memref<1x16xi32, #tpu.memory_space<vmem>>
    %dma_wait3A_175 = tpu.memref_squeeze %dma_wait3A_174 : memref<1x16xi32, #tpu.memory_space<vmem>> -> memref<16xi32, #tpu.memory_space<vmem>>
    %dma_wait3A_176 = arith.constant 0 : i32
    %dma_wait3A_177 = arith.constant 0 : i32
    %dma_wait3A_178 = tpu.memref_slice %arg2[%dma_wait3A_176, %dma_wait3A_177] : memref<100000x1024xf32, #tpu.memory_space<hbm>> -> memref<100000x1024xf32, #tpu.memory_space<hbm>>
    tpu.wait_indirect_dma semaphore(%arg13 : memref<!tpu.dma_semaphore, #tpu.memory_space<semaphore_mem>>) src(%dma_wait3A_178 : memref<100000x1024xf32, #tpu.memory_space<hbm>>) dst(%arg9 : memref<16x1024xf32, #tpu.memory_space<vmem>>)
    %add3A_179 = arith.constant 112 : i32
    %add3A_180 = arith.addi %mul3A_2, %add3A_179 : i32
    %dma_start3A_181 = arith.constant 0 : i32
    %dma_start3A_182 = tpu.memref_slice %arg4[%add3A_180, %dma_start3A_181] : memref<4096x1024xf32, #tpu.memory_space<hbm>> -> memref<16x1024xf32, #tpu.memory_space<hbm>>
    %dma_start3A_183 = arith.constant 0 : i32
    %dma_start3A_184 = tpu.memref_slice %arg4[%add3A_180, %dma_start3A_183] : memref<4096x1024xf32, #tpu.memory_space<hbm>> -> memref<16x1024xf32, #tpu.memory_space<hbm>>
    tpu.enqueue_dma source(%arg9 : memref<16x1024xf32, #tpu.memory_space<vmem>>) target(%dma_start3A_184 : memref<16x1024xf32, #tpu.memory_space<hbm>>) target_semaphore(%arg17 : memref<!tpu.dma_semaphore, #tpu.memory_space<semaphore_mem>>)
    %add3A_185 = arith.constant 64 : i32
    %add3A_186 = arith.addi %mul3A_2, %add3A_185 : i32
    %dma_wait3A_187 = arith.constant 0 : i32
    %dma_wait3A_188 = tpu.memref_slice %arg4[%add3A_186, %dma_wait3A_187] : memref<4096x1024xf32, #tpu.memory_space<hbm>> -> memref<16x1024xf32, #tpu.memory_space<hbm>>
    %dma_wait3A_189 = arith.constant 0 : i32
    %dma_wait3A_190 = tpu.memref_slice %arg4[%add3A_186, %dma_wait3A_189] : memref<4096x1024xf32, #tpu.memory_space<hbm>> -> memref<16x1024xf32, #tpu.memory_space<hbm>>
    tpu.wait_dma2 semaphore(%arg14 : memref<!tpu.dma_semaphore, #tpu.memory_space<semaphore_mem>>) src(%arg6 : memref<16x1024xf32, #tpu.memory_space<vmem>>) dst(%dma_wait3A_190 : memref<16x1024xf32, #tpu.memory_space<hbm>>)
    %add3A_191 = arith.constant 80 : i32
    %add3A_192 = arith.addi %mul3A_2, %add3A_191 : i32
    %dma_wait3A_193 = arith.constant 0 : i32
    %dma_wait3A_194 = tpu.memref_slice %arg4[%add3A_192, %dma_wait3A_193] : memref<4096x1024xf32, #tpu.memory_space<hbm>> -> memref<16x1024xf32, #tpu.memory_space<hbm>>
    %dma_wait3A_195 = arith.constant 0 : i32
    %dma_wait3A_196 = tpu.memref_slice %arg4[%add3A_192, %dma_wait3A_195] : memref<4096x1024xf32, #tpu.memory_space<hbm>> -> memref<16x1024xf32, #tpu.memory_space<hbm>>
    tpu.wait_dma2 semaphore(%arg15 : memref<!tpu.dma_semaphore, #tpu.memory_space<semaphore_mem>>) src(%arg7 : memref<16x1024xf32, #tpu.memory_space<vmem>>) dst(%dma_wait3A_196 : memref<16x1024xf32, #tpu.memory_space<hbm>>)
    %add3A_197 = arith.constant 96 : i32
    %add3A_198 = arith.addi %mul3A_2, %add3A_197 : i32
    %dma_wait3A_199 = arith.constant 0 : i32
    %dma_wait3A_200 = tpu.memref_slice %arg4[%add3A_198, %dma_wait3A_199] : memref<4096x1024xf32, #tpu.memory_space<hbm>> -> memref<16x1024xf32, #tpu.memory_space<hbm>>
    %dma_wait3A_201 = arith.constant 0 : i32
    %dma_wait3A_202 = tpu.memref_slice %arg4[%add3A_198, %dma_wait3A_201] : memref<4096x1024xf32, #tpu.memory_space<hbm>> -> memref<16x1024xf32, #tpu.memory_space<hbm>>
    tpu.wait_dma2 semaphore(%arg16 : memref<!tpu.dma_semaphore, #tpu.memory_space<semaphore_mem>>) src(%arg8 : memref<16x1024xf32, #tpu.memory_space<vmem>>) dst(%dma_wait3A_202 : memref<16x1024xf32, #tpu.memory_space<hbm>>)
    %add3A_203 = arith.constant 112 : i32
    %add3A_204 = arith.addi %mul3A_2, %add3A_203 : i32
    %dma_wait3A_205 = arith.constant 0 : i32
    %dma_wait3A_206 = tpu.memref_slice %arg4[%add3A_204, %dma_wait3A_205] : memref<4096x1024xf32, #tpu.memory_space<hbm>> -> memref<16x1024xf32, #tpu.memory_space<hbm>>
    %dma_wait3A_207 = arith.constant 0 : i32
    %dma_wait3A_208 = tpu.memref_slice %arg4[%add3A_204, %dma_wait3A_207] : memref<4096x1024xf32, #tpu.memory_space<hbm>> -> memref<16x1024xf32, #tpu.memory_space<hbm>>
    tpu.wait_dma2 semaphore(%arg17 : memref<!tpu.dma_semaphore, #tpu.memory_space<semaphore_mem>>) src(%arg9 : memref<16x1024xf32, #tpu.memory_space<vmem>>) dst(%dma_wait3A_208 : memref<16x1024xf32, #tpu.memory_space<hbm>>)
    return
  }
}

#map = affine_map<(d0, d1) -> (0, 0)>
#map1 = affine_map<(d0, d1) -> (0, 0, 0)>
module attributes {stable_mosaic.version = 14 : i64} {
  func.func @k(%arg0: i32, %arg1: i32, %arg2: memref<100000x1024xf32, #tpu.memory_space<hbm>>, %arg3: memref<32x8x16xi32, #tpu.memory_space<hbm>>, %arg4: memref<4096x1024xf32, #tpu.memory_space<hbm>>, %arg5: memref<8x16xi32, #tpu.memory_space<vmem>>, %arg6: memref<16x1024xf32, #tpu.memory_space<vmem>>, %arg7: memref<16x1024xf32, #tpu.memory_space<vmem>>, %arg8: memref<16x1024xf32, #tpu.memory_space<vmem>>, %arg9: memref<16x1024xf32, #tpu.memory_space<vmem>>, %arg10: memref<!tpu.dma_semaphore, #tpu.memory_space<semaphore_mem>>, %arg11: memref<!tpu.dma_semaphore, #tpu.memory_space<semaphore_mem>>, %arg12: memref<!tpu.dma_semaphore, #tpu.memory_space<semaphore_mem>>, %arg13: memref<!tpu.dma_semaphore, #tpu.memory_space<semaphore_mem>>, %arg14: memref<!tpu.dma_semaphore, #tpu.memory_space<semaphore_mem>>, %arg15: memref<!tpu.dma_semaphore, #tpu.memory_space<semaphore_mem>>, %arg16: memref<!tpu.dma_semaphore, #tpu.memory_space<semaphore_mem>>, %arg17: memref<!tpu.dma_semaphore, #tpu.memory_space<semaphore_mem>>) attributes {dimension_semantics = [#tpu.dimension_semantics<core_parallel>, #tpu.dimension_semantics<subcore_parallel>], iteration_bounds = array<i64: 2, 16>, scalar_prefetch = 0 : i64, scratch_operands = 13 : i64, tpu.core_type = #tpu.core_type<sc_vector_subcore>, window_params = [{transform_indices = #map}, {transform_indices = #map1}, {transform_indices = #map}]} {
    %mul3A = arith.constant 2 : i32
    %mul3A_0 = arith.muli %arg1, %mul3A : i32
    %add3A = arith.addi %mul3A_0, %arg0 : i32
    %mul3A_1 = arith.constant 128 : i32
    %mul3A_2 = arith.muli %add3A, %mul3A_1 : i32
    "tpu.region"() ({
      %run_scoped3A = tpu.sem_alloc : memref<!tpu.dma_semaphore, #tpu.memory_space<semaphore_mem>>
      %dma_start3A_209 = arith.constant 0 : i32
      %dma_start3A_210 = arith.constant 0 : i32
      %dma_start3A_211 = tpu.memref_slice %arg3[%add3A, %dma_start3A_209, %dma_start3A_210] : memref<32x8x16xi32, #tpu.memory_space<hbm>> -> memref<1x8x16xi32, #tpu.memory_space<hbm>>
      %dma_start3A_212 = tpu.memref_squeeze %dma_start3A_211 : memref<1x8x16xi32, #tpu.memory_space<hbm>> -> memref<8x16xi32, #tpu.memory_space<hbm>>
      %dma_start3A_213 = arith.constant 0 : i32
      %dma_start3A_214 = arith.constant 0 : i32
      %dma_start3A_215 = tpu.memref_slice %arg3[%add3A, %dma_start3A_213, %dma_start3A_214] : memref<32x8x16xi32, #tpu.memory_space<hbm>> -> memref<1x8x16xi32, #tpu.memory_space<hbm>>
      %dma_start3A_216 = tpu.memref_squeeze %dma_start3A_215 : memref<1x8x16xi32, #tpu.memory_space<hbm>> -> memref<8x16xi32, #tpu.memory_space<hbm>>
      tpu.enqueue_dma source(%dma_start3A_216 : memref<8x16xi32, #tpu.memory_space<hbm>>) target(%arg5 : memref<8x16xi32, #tpu.memory_space<vmem>>) target_semaphore(%run_scoped3A : memref<!tpu.dma_semaphore, #tpu.memory_space<semaphore_mem>>)
      %dma_wait3A_217 = arith.constant 0 : i32
      %dma_wait3A_218 = arith.constant 0 : i32
      %dma_wait3A_219 = tpu.memref_slice %arg3[%add3A, %dma_wait3A_217, %dma_wait3A_218] : memref<32x8x16xi32, #tpu.memory_space<hbm>> -> memref<1x8x16xi32, #tpu.memory_space<hbm>>
      %dma_wait3A_220 = tpu.memref_squeeze %dma_wait3A_219 : memref<1x8x16xi32, #tpu.memory_space<hbm>> -> memref<8x16xi32, #tpu.memory_space<hbm>>
      %dma_wait3A_221 = arith.constant 0 : i32
      %dma_wait3A_222 = arith.constant 0 : i32
      %dma_wait3A_223 = tpu.memref_slice %arg3[%add3A, %dma_wait3A_221, %dma_wait3A_222] : memref<32x8x16xi32, #tpu.memory_space<hbm>> -> memref<1x8x16xi32, #tpu.memory_space<hbm>>
      %dma_wait3A_224 = tpu.memref_squeeze %dma_wait3A_223 : memref<1x8x16xi32, #tpu.memory_space<hbm>> -> memref<8x16xi32, #tpu.memory_space<hbm>>
      tpu.wait_dma2 semaphore(%run_scoped3A : memref<!tpu.dma_semaphore, #tpu.memory_space<semaphore_mem>>) src(%dma_wait3A_224 : memref<8x16xi32, #tpu.memory_space<hbm>>) dst(%arg5 : memref<8x16xi32, #tpu.memory_space<vmem>>)
      tpu.yield
    }) : () -> ()
    %dma_start3A = arith.constant 0 : i32
    %dma_start3A_3 = arith.constant 0 : i32
    %dma_start3A_4 = tpu.memref_slice %arg5[%dma_start3A, %dma_start3A_3] : memref<8x16xi32, #tpu.memory_space<vmem>> -> memref<1x16xi32, #tpu.memory_space<vmem>>
    %dma_start3A_5 = tpu.memref_squeeze %dma_start3A_4 : memref<1x16xi32, #tpu.memory_space<vmem>> -> memref<16xi32, #tpu.memory_space<vmem>>
    %dma_start3A_6 = arith.constant 0 : i32
    %dma_start3A_7 = arith.constant 0 : i32
    %dma_start3A_8 = tpu.memref_slice %arg2[%dma_start3A_6, %dma_start3A_7] : memref<100000x1024xf32, #tpu.memory_space<hbm>> -> memref<100000x1024xf32, #tpu.memory_space<hbm>>
    tpu.enqueue_indirect_dma source(%dma_start3A_8 : memref<100000x1024xf32, #tpu.memory_space<hbm>>) target(%arg6 : memref<16x1024xf32, #tpu.memory_space<vmem>>) offsets(%dma_start3A_5 : memref<16xi32, #tpu.memory_space<vmem>>) semaphore(%arg10 : memref<!tpu.dma_semaphore, #tpu.memory_space<semaphore_mem>>)
    %dma_start3A_9 = arith.constant 1 : i32
    %dma_start3A_10 = arith.constant 0 : i32
    %dma_start3A_11 = tpu.memref_slice %arg5[%dma_start3A_9, %dma_start3A_10] : memref<8x16xi32, #tpu.memory_space<vmem>> -> memref<1x16xi32, #tpu.memory_space<vmem>>
    %dma_start3A_12 = tpu.memref_squeeze %dma_start3A_11 : memref<1x16xi32, #tpu.memory_space<vmem>> -> memref<16xi32, #tpu.memory_space<vmem>>
    %dma_start3A_13 = arith.constant 0 : i32
    %dma_start3A_14 = arith.constant 0 : i32
    %dma_start3A_15 = tpu.memref_slice %arg2[%dma_start3A_13, %dma_start3A_14] : memref<100000x1024xf32, #tpu.memory_space<hbm>> -> memref<100000x1024xf32, #tpu.memory_space<hbm>>
    tpu.enqueue_indirect_dma source(%dma_start3A_15 : memref<100000x1024xf32, #tpu.memory_space<hbm>>) target(%arg7 : memref<16x1024xf32, #tpu.memory_space<vmem>>) offsets(%dma_start3A_12 : memref<16xi32, #tpu.memory_space<vmem>>) semaphore(%arg11 : memref<!tpu.dma_semaphore, #tpu.memory_space<semaphore_mem>>)
    %dma_start3A_16 = arith.constant 2 : i32
    %dma_start3A_17 = arith.constant 0 : i32
    %dma_start3A_18 = tpu.memref_slice %arg5[%dma_start3A_16, %dma_start3A_17] : memref<8x16xi32, #tpu.memory_space<vmem>> -> memref<1x16xi32, #tpu.memory_space<vmem>>
    %dma_start3A_19 = tpu.memref_squeeze %dma_start3A_18 : memref<1x16xi32, #tpu.memory_space<vmem>> -> memref<16xi32, #tpu.memory_space<vmem>>
    %dma_start3A_20 = arith.constant 0 : i32
    %dma_start3A_21 = arith.constant 0 : i32
    %dma_start3A_22 = tpu.memref_slice %arg2[%dma_start3A_20, %dma_start3A_21] : memref<100000x1024xf32, #tpu.memory_space<hbm>> -> memref<100000x1024xf32, #tpu.memory_space<hbm>>
    tpu.enqueue_indirect_dma source(%dma_start3A_22 : memref<100000x1024xf32, #tpu.memory_space<hbm>>) target(%arg8 : memref<16x1024xf32, #tpu.memory_space<vmem>>) offsets(%dma_start3A_19 : memref<16xi32, #tpu.memory_space<vmem>>) semaphore(%arg12 : memref<!tpu.dma_semaphore, #tpu.memory_space<semaphore_mem>>)
    %dma_wait3A = arith.constant 0 : i32
    %dma_wait3A_23 = arith.constant 0 : i32
    %dma_wait3A_24 = tpu.memref_slice %arg5[%dma_wait3A, %dma_wait3A_23] : memref<8x16xi32, #tpu.memory_space<vmem>> -> memref<1x16xi32, #tpu.memory_space<vmem>>
    %dma_wait3A_25 = tpu.memref_squeeze %dma_wait3A_24 : memref<1x16xi32, #tpu.memory_space<vmem>> -> memref<16xi32, #tpu.memory_space<vmem>>
    %dma_wait3A_26 = arith.constant 0 : i32
    %dma_wait3A_27 = arith.constant 0 : i32
    %dma_wait3A_28 = tpu.memref_slice %arg2[%dma_wait3A_26, %dma_wait3A_27] : memref<100000x1024xf32, #tpu.memory_space<hbm>> -> memref<100000x1024xf32, #tpu.memory_space<hbm>>
    tpu.wait_indirect_dma semaphore(%arg10 : memref<!tpu.dma_semaphore, #tpu.memory_space<semaphore_mem>>) src(%dma_wait3A_28 : memref<100000x1024xf32, #tpu.memory_space<hbm>>) dst(%arg6 : memref<16x1024xf32, #tpu.memory_space<vmem>>)
    %add3A_29 = arith.constant 0 : i32
    %add3A_30 = arith.addi %mul3A_2, %add3A_29 : i32
    %dma_start3A_31 = arith.constant 0 : i32
    %dma_start3A_32 = tpu.memref_slice %arg4[%add3A_30, %dma_start3A_31] : memref<4096x1024xf32, #tpu.memory_space<hbm>> -> memref<16x1024xf32, #tpu.memory_space<hbm>>
    %dma_start3A_33 = arith.constant 0 : i32
    %dma_start3A_34 = tpu.memref_slice %arg4[%add3A_30, %dma_start3A_33] : memref<4096x1024xf32, #tpu.memory_space<hbm>> -> memref<16x1024xf32, #tpu.memory_space<hbm>>
    tpu.enqueue_dma source(%arg6 : memref<16x1024xf32, #tpu.memory_space<vmem>>) target(%dma_start3A_34 : memref<16x1024xf32, #tpu.memory_space<hbm>>) target_semaphore(%arg14 : memref<!tpu.dma_semaphore, #tpu.memory_space<semaphore_mem>>)
    %dma_start3A_35 = arith.constant 3 : i32
    %dma_start3A_36 = arith.constant 0 : i32
    %dma_start3A_37 = tpu.memref_slice %arg5[%dma_start3A_35, %dma_start3A_36] : memref<8x16xi32, #tpu.memory_space<vmem>> -> memref<1x16xi32, #tpu.memory_space<vmem>>
    %dma_start3A_38 = tpu.memref_squeeze %dma_start3A_37 : memref<1x16xi32, #tpu.memory_space<vmem>> -> memref<16xi32, #tpu.memory_space<vmem>>
    %dma_start3A_39 = arith.constant 0 : i32
    %dma_start3A_40 = arith.constant 0 : i32
    %dma_start3A_41 = tpu.memref_slice %arg2[%dma_start3A_39, %dma_start3A_40] : memref<100000x1024xf32, #tpu.memory_space<hbm>> -> memref<100000x1024xf32, #tpu.memory_space<hbm>>
    tpu.enqueue_indirect_dma source(%dma_start3A_41 : memref<100000x1024xf32, #tpu.memory_space<hbm>>) target(%arg9 : memref<16x1024xf32, #tpu.memory_space<vmem>>) offsets(%dma_start3A_38 : memref<16xi32, #tpu.memory_space<vmem>>) semaphore(%arg13 : memref<!tpu.dma_semaphore, #tpu.memory_space<semaphore_mem>>)
    %dma_wait3A_42 = arith.constant 1 : i32
    %dma_wait3A_43 = arith.constant 0 : i32
    %dma_wait3A_44 = tpu.memref_slice %arg5[%dma_wait3A_42, %dma_wait3A_43] : memref<8x16xi32, #tpu.memory_space<vmem>> -> memref<1x16xi32, #tpu.memory_space<vmem>>
    %dma_wait3A_45 = tpu.memref_squeeze %dma_wait3A_44 : memref<1x16xi32, #tpu.memory_space<vmem>> -> memref<16xi32, #tpu.memory_space<vmem>>
    %dma_wait3A_46 = arith.constant 0 : i32
    %dma_wait3A_47 = arith.constant 0 : i32
    %dma_wait3A_48 = tpu.memref_slice %arg2[%dma_wait3A_46, %dma_wait3A_47] : memref<100000x1024xf32, #tpu.memory_space<hbm>> -> memref<100000x1024xf32, #tpu.memory_space<hbm>>
    tpu.wait_indirect_dma semaphore(%arg11 : memref<!tpu.dma_semaphore, #tpu.memory_space<semaphore_mem>>) src(%dma_wait3A_48 : memref<100000x1024xf32, #tpu.memory_space<hbm>>) dst(%arg7 : memref<16x1024xf32, #tpu.memory_space<vmem>>)
    %add3A_49 = arith.constant 16 : i32
    %add3A_50 = arith.addi %mul3A_2, %add3A_49 : i32
    %dma_start3A_51 = arith.constant 0 : i32
    %dma_start3A_52 = tpu.memref_slice %arg4[%add3A_50, %dma_start3A_51] : memref<4096x1024xf32, #tpu.memory_space<hbm>> -> memref<16x1024xf32, #tpu.memory_space<hbm>>
    %dma_start3A_53 = arith.constant 0 : i32
    %dma_start3A_54 = tpu.memref_slice %arg4[%add3A_50, %dma_start3A_53] : memref<4096x1024xf32, #tpu.memory_space<hbm>> -> memref<16x1024xf32, #tpu.memory_space<hbm>>
    tpu.enqueue_dma source(%arg7 : memref<16x1024xf32, #tpu.memory_space<vmem>>) target(%dma_start3A_54 : memref<16x1024xf32, #tpu.memory_space<hbm>>) target_semaphore(%arg15 : memref<!tpu.dma_semaphore, #tpu.memory_space<semaphore_mem>>)
    %add3A_55 = arith.constant 0 : i32
    %add3A_56 = arith.addi %mul3A_2, %add3A_55 : i32
    %dma_wait3A_57 = arith.constant 0 : i32
    %dma_wait3A_58 = tpu.memref_slice %arg4[%add3A_56, %dma_wait3A_57] : memref<4096x1024xf32, #tpu.memory_space<hbm>> -> memref<16x1024xf32, #tpu.memory_space<hbm>>
    %dma_wait3A_59 = arith.constant 0 : i32
    %dma_wait3A_60 = tpu.memref_slice %arg4[%add3A_56, %dma_wait3A_59] : memref<4096x1024xf32, #tpu.memory_space<hbm>> -> memref<16x1024xf32, #tpu.memory_space<hbm>>
    tpu.wait_dma2 semaphore(%arg14 : memref<!tpu.dma_semaphore, #tpu.memory_space<semaphore_mem>>) src(%arg6 : memref<16x1024xf32, #tpu.memory_space<vmem>>) dst(%dma_wait3A_60 : memref<16x1024xf32, #tpu.memory_space<hbm>>)
    %dma_start3A_61 = arith.constant 4 : i32
    %dma_start3A_62 = arith.constant 0 : i32
    %dma_start3A_63 = tpu.memref_slice %arg5[%dma_start3A_61, %dma_start3A_62] : memref<8x16xi32, #tpu.memory_space<vmem>> -> memref<1x16xi32, #tpu.memory_space<vmem>>
    %dma_start3A_64 = tpu.memref_squeeze %dma_start3A_63 : memref<1x16xi32, #tpu.memory_space<vmem>> -> memref<16xi32, #tpu.memory_space<vmem>>
    %dma_start3A_65 = arith.constant 0 : i32
    %dma_start3A_66 = arith.constant 0 : i32
    %dma_start3A_67 = tpu.memref_slice %arg2[%dma_start3A_65, %dma_start3A_66] : memref<100000x1024xf32, #tpu.memory_space<hbm>> -> memref<100000x1024xf32, #tpu.memory_space<hbm>>
    tpu.enqueue_indirect_dma source(%dma_start3A_67 : memref<100000x1024xf32, #tpu.memory_space<hbm>>) target(%arg6 : memref<16x1024xf32, #tpu.memory_space<vmem>>) offsets(%dma_start3A_64 : memref<16xi32, #tpu.memory_space<vmem>>) semaphore(%arg10 : memref<!tpu.dma_semaphore, #tpu.memory_space<semaphore_mem>>)
    %dma_wait3A_68 = arith.constant 2 : i32
    %dma_wait3A_69 = arith.constant 0 : i32
    %dma_wait3A_70 = tpu.memref_slice %arg5[%dma_wait3A_68, %dma_wait3A_69] : memref<8x16xi32, #tpu.memory_space<vmem>> -> memref<1x16xi32, #tpu.memory_space<vmem>>
    %dma_wait3A_71 = tpu.memref_squeeze %dma_wait3A_70 : memref<1x16xi32, #tpu.memory_space<vmem>> -> memref<16xi32, #tpu.memory_space<vmem>>
    %dma_wait3A_72 = arith.constant 0 : i32
    %dma_wait3A_73 = arith.constant 0 : i32
    %dma_wait3A_74 = tpu.memref_slice %arg2[%dma_wait3A_72, %dma_wait3A_73] : memref<100000x1024xf32, #tpu.memory_space<hbm>> -> memref<100000x1024xf32, #tpu.memory_space<hbm>>
    tpu.wait_indirect_dma semaphore(%arg12 : memref<!tpu.dma_semaphore, #tpu.memory_space<semaphore_mem>>) src(%dma_wait3A_74 : memref<100000x1024xf32, #tpu.memory_space<hbm>>) dst(%arg8 : memref<16x1024xf32, #tpu.memory_space<vmem>>)
    %add3A_75 = arith.constant 32 : i32
    %add3A_76 = arith.addi %mul3A_2, %add3A_75 : i32
    %dma_start3A_77 = arith.constant 0 : i32
    %dma_start3A_78 = tpu.memref_slice %arg4[%add3A_76, %dma_start3A_77] : memref<4096x1024xf32, #tpu.memory_space<hbm>> -> memref<16x1024xf32, #tpu.memory_space<hbm>>
    %dma_start3A_79 = arith.constant 0 : i32
    %dma_start3A_80 = tpu.memref_slice %arg4[%add3A_76, %dma_start3A_79] : memref<4096x1024xf32, #tpu.memory_space<hbm>> -> memref<16x1024xf32, #tpu.memory_space<hbm>>
    tpu.enqueue_dma source(%arg8 : memref<16x1024xf32, #tpu.memory_space<vmem>>) target(%dma_start3A_80 : memref<16x1024xf32, #tpu.memory_space<hbm>>) target_semaphore(%arg16 : memref<!tpu.dma_semaphore, #tpu.memory_space<semaphore_mem>>)
    %add3A_81 = arith.constant 16 : i32
    %add3A_82 = arith.addi %mul3A_2, %add3A_81 : i32
    %dma_wait3A_83 = arith.constant 0 : i32
    %dma_wait3A_84 = tpu.memref_slice %arg4[%add3A_82, %dma_wait3A_83] : memref<4096x1024xf32, #tpu.memory_space<hbm>> -> memref<16x1024xf32, #tpu.memory_space<hbm>>
    %dma_wait3A_85 = arith.constant 0 : i32
    %dma_wait3A_86 = tpu.memref_slice %arg4[%add3A_82, %dma_wait3A_85] : memref<4096x1024xf32, #tpu.memory_space<hbm>> -> memref<16x1024xf32, #tpu.memory_space<hbm>>
    tpu.wait_dma2 semaphore(%arg15 : memref<!tpu.dma_semaphore, #tpu.memory_space<semaphore_mem>>) src(%arg7 : memref<16x1024xf32, #tpu.memory_space<vmem>>) dst(%dma_wait3A_86 : memref<16x1024xf32, #tpu.memory_space<hbm>>)
    %dma_start3A_87 = arith.constant 5 : i32
    %dma_start3A_88 = arith.constant 0 : i32
    %dma_start3A_89 = tpu.memref_slice %arg5[%dma_start3A_87, %dma_start3A_88] : memref<8x16xi32, #tpu.memory_space<vmem>> -> memref<1x16xi32, #tpu.memory_space<vmem>>
    %dma_start3A_90 = tpu.memref_squeeze %dma_start3A_89 : memref<1x16xi32, #tpu.memory_space<vmem>> -> memref<16xi32, #tpu.memory_space<vmem>>
    %dma_start3A_91 = arith.constant 0 : i32
    %dma_start3A_92 = arith.constant 0 : i32
    %dma_start3A_93 = tpu.memref_slice %arg2[%dma_start3A_91, %dma_start3A_92] : memref<100000x1024xf32, #tpu.memory_space<hbm>> -> memref<100000x1024xf32, #tpu.memory_space<hbm>>
    tpu.enqueue_indirect_dma source(%dma_start3A_93 : memref<100000x1024xf32, #tpu.memory_space<hbm>>) target(%arg7 : memref<16x1024xf32, #tpu.memory_space<vmem>>) offsets(%dma_start3A_90 : memref<16xi32, #tpu.memory_space<vmem>>) semaphore(%arg11 : memref<!tpu.dma_semaphore, #tpu.memory_space<semaphore_mem>>)
    %dma_wait3A_94 = arith.constant 3 : i32
    %dma_wait3A_95 = arith.constant 0 : i32
    %dma_wait3A_96 = tpu.memref_slice %arg5[%dma_wait3A_94, %dma_wait3A_95] : memref<8x16xi32, #tpu.memory_space<vmem>> -> memref<1x16xi32, #tpu.memory_space<vmem>>
    %dma_wait3A_97 = tpu.memref_squeeze %dma_wait3A_96 : memref<1x16xi32, #tpu.memory_space<vmem>> -> memref<16xi32, #tpu.memory_space<vmem>>
    %dma_wait3A_98 = arith.constant 0 : i32
    %dma_wait3A_99 = arith.constant 0 : i32
    %dma_wait3A_100 = tpu.memref_slice %arg2[%dma_wait3A_98, %dma_wait3A_99] : memref<100000x1024xf32, #tpu.memory_space<hbm>> -> memref<100000x1024xf32, #tpu.memory_space<hbm>>
    tpu.wait_indirect_dma semaphore(%arg13 : memref<!tpu.dma_semaphore, #tpu.memory_space<semaphore_mem>>) src(%dma_wait3A_100 : memref<100000x1024xf32, #tpu.memory_space<hbm>>) dst(%arg9 : memref<16x1024xf32, #tpu.memory_space<vmem>>)
    %add3A_101 = arith.constant 48 : i32
    %add3A_102 = arith.addi %mul3A_2, %add3A_101 : i32
    %dma_start3A_103 = arith.constant 0 : i32
    %dma_start3A_104 = tpu.memref_slice %arg4[%add3A_102, %dma_start3A_103] : memref<4096x1024xf32, #tpu.memory_space<hbm>> -> memref<16x1024xf32, #tpu.memory_space<hbm>>
    %dma_start3A_105 = arith.constant 0 : i32
    %dma_start3A_106 = tpu.memref_slice %arg4[%add3A_102, %dma_start3A_105] : memref<4096x1024xf32, #tpu.memory_space<hbm>> -> memref<16x1024xf32, #tpu.memory_space<hbm>>
    tpu.enqueue_dma source(%arg9 : memref<16x1024xf32, #tpu.memory_space<vmem>>) target(%dma_start3A_106 : memref<16x1024xf32, #tpu.memory_space<hbm>>) target_semaphore(%arg17 : memref<!tpu.dma_semaphore, #tpu.memory_space<semaphore_mem>>)
    %add3A_107 = arith.constant 32 : i32
    %add3A_108 = arith.addi %mul3A_2, %add3A_107 : i32
    %dma_wait3A_109 = arith.constant 0 : i32
    %dma_wait3A_110 = tpu.memref_slice %arg4[%add3A_108, %dma_wait3A_109] : memref<4096x1024xf32, #tpu.memory_space<hbm>> -> memref<16x1024xf32, #tpu.memory_space<hbm>>
    %dma_wait3A_111 = arith.constant 0 : i32
    %dma_wait3A_112 = tpu.memref_slice %arg4[%add3A_108, %dma_wait3A_111] : memref<4096x1024xf32, #tpu.memory_space<hbm>> -> memref<16x1024xf32, #tpu.memory_space<hbm>>
    tpu.wait_dma2 semaphore(%arg16 : memref<!tpu.dma_semaphore, #tpu.memory_space<semaphore_mem>>) src(%arg8 : memref<16x1024xf32, #tpu.memory_space<vmem>>) dst(%dma_wait3A_112 : memref<16x1024xf32, #tpu.memory_space<hbm>>)
    %dma_start3A_113 = arith.constant 6 : i32
    %dma_start3A_114 = arith.constant 0 : i32
    %dma_start3A_115 = tpu.memref_slice %arg5[%dma_start3A_113, %dma_start3A_114] : memref<8x16xi32, #tpu.memory_space<vmem>> -> memref<1x16xi32, #tpu.memory_space<vmem>>
    %dma_start3A_116 = tpu.memref_squeeze %dma_start3A_115 : memref<1x16xi32, #tpu.memory_space<vmem>> -> memref<16xi32, #tpu.memory_space<vmem>>
    %dma_start3A_117 = arith.constant 0 : i32
    %dma_start3A_118 = arith.constant 0 : i32
    %dma_start3A_119 = tpu.memref_slice %arg2[%dma_start3A_117, %dma_start3A_118] : memref<100000x1024xf32, #tpu.memory_space<hbm>> -> memref<100000x1024xf32, #tpu.memory_space<hbm>>
    tpu.enqueue_indirect_dma source(%dma_start3A_119 : memref<100000x1024xf32, #tpu.memory_space<hbm>>) target(%arg8 : memref<16x1024xf32, #tpu.memory_space<vmem>>) offsets(%dma_start3A_116 : memref<16xi32, #tpu.memory_space<vmem>>) semaphore(%arg12 : memref<!tpu.dma_semaphore, #tpu.memory_space<semaphore_mem>>)
    %dma_wait3A_120 = arith.constant 4 : i32
    %dma_wait3A_121 = arith.constant 0 : i32
    %dma_wait3A_122 = tpu.memref_slice %arg5[%dma_wait3A_120, %dma_wait3A_121] : memref<8x16xi32, #tpu.memory_space<vmem>> -> memref<1x16xi32, #tpu.memory_space<vmem>>
    %dma_wait3A_123 = tpu.memref_squeeze %dma_wait3A_122 : memref<1x16xi32, #tpu.memory_space<vmem>> -> memref<16xi32, #tpu.memory_space<vmem>>
    %dma_wait3A_124 = arith.constant 0 : i32
    %dma_wait3A_125 = arith.constant 0 : i32
    %dma_wait3A_126 = tpu.memref_slice %arg2[%dma_wait3A_124, %dma_wait3A_125] : memref<100000x1024xf32, #tpu.memory_space<hbm>> -> memref<100000x1024xf32, #tpu.memory_space<hbm>>
    tpu.wait_indirect_dma semaphore(%arg10 : memref<!tpu.dma_semaphore, #tpu.memory_space<semaphore_mem>>) src(%dma_wait3A_126 : memref<100000x1024xf32, #tpu.memory_space<hbm>>) dst(%arg6 : memref<16x1024xf32, #tpu.memory_space<vmem>>)
    %add3A_127 = arith.constant 64 : i32
    %add3A_128 = arith.addi %mul3A_2, %add3A_127 : i32
    %dma_start3A_129 = arith.constant 0 : i32
    %dma_start3A_130 = tpu.memref_slice %arg4[%add3A_128, %dma_start3A_129] : memref<4096x1024xf32, #tpu.memory_space<hbm>> -> memref<16x1024xf32, #tpu.memory_space<hbm>>
    %dma_start3A_131 = arith.constant 0 : i32
    %dma_start3A_132 = tpu.memref_slice %arg4[%add3A_128, %dma_start3A_131] : memref<4096x1024xf32, #tpu.memory_space<hbm>> -> memref<16x1024xf32, #tpu.memory_space<hbm>>
    tpu.enqueue_dma source(%arg6 : memref<16x1024xf32, #tpu.memory_space<vmem>>) target(%dma_start3A_132 : memref<16x1024xf32, #tpu.memory_space<hbm>>) target_semaphore(%arg14 : memref<!tpu.dma_semaphore, #tpu.memory_space<semaphore_mem>>)
    %add3A_133 = arith.constant 48 : i32
    %add3A_134 = arith.addi %mul3A_2, %add3A_133 : i32
    %dma_wait3A_135 = arith.constant 0 : i32
    %dma_wait3A_136 = tpu.memref_slice %arg4[%add3A_134, %dma_wait3A_135] : memref<4096x1024xf32, #tpu.memory_space<hbm>> -> memref<16x1024xf32, #tpu.memory_space<hbm>>
    %dma_wait3A_137 = arith.constant 0 : i32
    %dma_wait3A_138 = tpu.memref_slice %arg4[%add3A_134, %dma_wait3A_137] : memref<4096x1024xf32, #tpu.memory_space<hbm>> -> memref<16x1024xf32, #tpu.memory_space<hbm>>
    tpu.wait_dma2 semaphore(%arg17 : memref<!tpu.dma_semaphore, #tpu.memory_space<semaphore_mem>>) src(%arg9 : memref<16x1024xf32, #tpu.memory_space<vmem>>) dst(%dma_wait3A_138 : memref<16x1024xf32, #tpu.memory_space<hbm>>)
    %dma_start3A_139 = arith.constant 7 : i32
    %dma_start3A_140 = arith.constant 0 : i32
    %dma_start3A_141 = tpu.memref_slice %arg5[%dma_start3A_139, %dma_start3A_140] : memref<8x16xi32, #tpu.memory_space<vmem>> -> memref<1x16xi32, #tpu.memory_space<vmem>>
    %dma_start3A_142 = tpu.memref_squeeze %dma_start3A_141 : memref<1x16xi32, #tpu.memory_space<vmem>> -> memref<16xi32, #tpu.memory_space<vmem>>
    %dma_start3A_143 = arith.constant 0 : i32
    %dma_start3A_144 = arith.constant 0 : i32
    %dma_start3A_145 = tpu.memref_slice %arg2[%dma_start3A_143, %dma_start3A_144] : memref<100000x1024xf32, #tpu.memory_space<hbm>> -> memref<100000x1024xf32, #tpu.memory_space<hbm>>
    tpu.enqueue_indirect_dma source(%dma_start3A_145 : memref<100000x1024xf32, #tpu.memory_space<hbm>>) target(%arg9 : memref<16x1024xf32, #tpu.memory_space<vmem>>) offsets(%dma_start3A_142 : memref<16xi32, #tpu.memory_space<vmem>>) semaphore(%arg13 : memref<!tpu.dma_semaphore, #tpu.memory_space<semaphore_mem>>)
    %dma_wait3A_146 = arith.constant 5 : i32
    %dma_wait3A_147 = arith.constant 0 : i32
    %dma_wait3A_148 = tpu.memref_slice %arg5[%dma_wait3A_146, %dma_wait3A_147] : memref<8x16xi32, #tpu.memory_space<vmem>> -> memref<1x16xi32, #tpu.memory_space<vmem>>
    %dma_wait3A_149 = tpu.memref_squeeze %dma_wait3A_148 : memref<1x16xi32, #tpu.memory_space<vmem>> -> memref<16xi32, #tpu.memory_space<vmem>>
    %dma_wait3A_150 = arith.constant 0 : i32
    %dma_wait3A_151 = arith.constant 0 : i32
    %dma_wait3A_152 = tpu.memref_slice %arg2[%dma_wait3A_150, %dma_wait3A_151] : memref<100000x1024xf32, #tpu.memory_space<hbm>> -> memref<100000x1024xf32, #tpu.memory_space<hbm>>
    tpu.wait_indirect_dma semaphore(%arg11 : memref<!tpu.dma_semaphore, #tpu.memory_space<semaphore_mem>>) src(%dma_wait3A_152 : memref<100000x1024xf32, #tpu.memory_space<hbm>>) dst(%arg7 : memref<16x1024xf32, #tpu.memory_space<vmem>>)
    %add3A_153 = arith.constant 80 : i32
    %add3A_154 = arith.addi %mul3A_2, %add3A_153 : i32
    %dma_start3A_155 = arith.constant 0 : i32
    %dma_start3A_156 = tpu.memref_slice %arg4[%add3A_154, %dma_start3A_155] : memref<4096x1024xf32, #tpu.memory_space<hbm>> -> memref<16x1024xf32, #tpu.memory_space<hbm>>
    %dma_start3A_157 = arith.constant 0 : i32
    %dma_start3A_158 = tpu.memref_slice %arg4[%add3A_154, %dma_start3A_157] : memref<4096x1024xf32, #tpu.memory_space<hbm>> -> memref<16x1024xf32, #tpu.memory_space<hbm>>
    tpu.enqueue_dma source(%arg7 : memref<16x1024xf32, #tpu.memory_space<vmem>>) target(%dma_start3A_158 : memref<16x1024xf32, #tpu.memory_space<hbm>>) target_semaphore(%arg15 : memref<!tpu.dma_semaphore, #tpu.memory_space<semaphore_mem>>)
    %dma_wait3A_159 = arith.constant 6 : i32
    %dma_wait3A_160 = arith.constant 0 : i32
    %dma_wait3A_161 = tpu.memref_slice %arg5[%dma_wait3A_159, %dma_wait3A_160] : memref<8x16xi32, #tpu.memory_space<vmem>> -> memref<1x16xi32, #tpu.memory_space<vmem>>
    %dma_wait3A_162 = tpu.memref_squeeze %dma_wait3A_161 : memref<1x16xi32, #tpu.memory_space<vmem>> -> memref<16xi32, #tpu.memory_space<vmem>>
    %dma_wait3A_163 = arith.constant 0 : i32
    %dma_wait3A_164 = arith.constant 0 : i32
    %dma_wait3A_165 = tpu.memref_slice %arg2[%dma_wait3A_163, %dma_wait3A_164] : memref<100000x1024xf32, #tpu.memory_space<hbm>> -> memref<100000x1024xf32, #tpu.memory_space<hbm>>
    tpu.wait_indirect_dma semaphore(%arg12 : memref<!tpu.dma_semaphore, #tpu.memory_space<semaphore_mem>>) src(%dma_wait3A_165 : memref<100000x1024xf32, #tpu.memory_space<hbm>>) dst(%arg8 : memref<16x1024xf32, #tpu.memory_space<vmem>>)
    %add3A_166 = arith.constant 96 : i32
    %add3A_167 = arith.addi %mul3A_2, %add3A_166 : i32
    %dma_start3A_168 = arith.constant 0 : i32
    %dma_start3A_169 = tpu.memref_slice %arg4[%add3A_167, %dma_start3A_168] : memref<4096x1024xf32, #tpu.memory_space<hbm>> -> memref<16x1024xf32, #tpu.memory_space<hbm>>
    %dma_start3A_170 = arith.constant 0 : i32
    %dma_start3A_171 = tpu.memref_slice %arg4[%add3A_167, %dma_start3A_170] : memref<4096x1024xf32, #tpu.memory_space<hbm>> -> memref<16x1024xf32, #tpu.memory_space<hbm>>
    tpu.enqueue_dma source(%arg8 : memref<16x1024xf32, #tpu.memory_space<vmem>>) target(%dma_start3A_171 : memref<16x1024xf32, #tpu.memory_space<hbm>>) target_semaphore(%arg16 : memref<!tpu.dma_semaphore, #tpu.memory_space<semaphore_mem>>)
    %dma_wait3A_172 = arith.constant 7 : i32
    %dma_wait3A_173 = arith.constant 0 : i32
    %dma_wait3A_174 = tpu.memref_slice %arg5[%dma_wait3A_172, %dma_wait3A_173] : memref<8x16xi32, #tpu.memory_space<vmem>> -> memref<1x16xi32, #tpu.memory_space<vmem>>
    %dma_wait3A_175 = tpu.memref_squeeze %dma_wait3A_174 : memref<1x16xi32, #tpu.memory_space<vmem>> -> memref<16xi32, #tpu.memory_space<vmem>>
    %dma_wait3A_176 = arith.constant 0 : i32
    %dma_wait3A_177 = arith.constant 0 : i32
    %dma_wait3A_178 = tpu.memref_slice %arg2[%dma_wait3A_176, %dma_wait3A_177] : memref<100000x1024xf32, #tpu.memory_space<hbm>> -> memref<100000x1024xf32, #tpu.memory_space<hbm>>
    tpu.wait_indirect_dma semaphore(%arg13 : memref<!tpu.dma_semaphore, #tpu.memory_space<semaphore_mem>>) src(%dma_wait3A_178 : memref<100000x1024xf32, #tpu.memory_space<hbm>>) dst(%arg9 : memref<16x1024xf32, #tpu.memory_space<vmem>>)
    %add3A_179 = arith.constant 112 : i32
    %add3A_180 = arith.addi %mul3A_2, %add3A_179 : i32
    %dma_start3A_181 = arith.constant 0 : i32
    %dma_start3A_182 = tpu.memref_slice %arg4[%add3A_180, %dma_start3A_181] : memref<4096x1024xf32, #tpu.memory_space<hbm>> -> memref<16x1024xf32, #tpu.memory_space<hbm>>
    %dma_start3A_183 = arith.constant 0 : i32
    %dma_start3A_184 = tpu.memref_slice %arg4[%add3A_180, %dma_start3A_183] : memref<4096x1024xf32, #tpu.memory_space<hbm>> -> memref<16x1024xf32, #tpu.memory_space<hbm>>
    tpu.enqueue_dma source(%arg9 : memref<16x1024xf32, #tpu.memory_space<vmem>>) target(%dma_start3A_184 : memref<16x1024xf32, #tpu.memory_space<hbm>>) target_semaphore(%arg17 : memref<!tpu.dma_semaphore, #tpu.memory_space<semaphore_mem>>)
    %add3A_185 = arith.constant 64 : i32
    %add3A_186 = arith.addi %mul3A_2, %add3A_185 : i32
    %dma_wait3A_187 = arith.constant 0 : i32
    %dma_wait3A_188 = tpu.memref_slice %arg4[%add3A_186, %dma_wait3A_187] : memref<4096x1024xf32, #tpu.memory_space<hbm>> -> memref<16x1024xf32, #tpu.memory_space<hbm>>
    %dma_wait3A_189 = arith.constant 0 : i32
    %dma_wait3A_190 = tpu.memref_slice %arg4[%add3A_186, %dma_wait3A_189] : memref<4096x1024xf32, #tpu.memory_space<hbm>> -> memref<16x1024xf32, #tpu.memory_space<hbm>>
    tpu.wait_dma2 semaphore(%arg14 : memref<!tpu.dma_semaphore, #tpu.memory_space<semaphore_mem>>) src(%arg6 : memref<16x1024xf32, #tpu.memory_space<vmem>>) dst(%dma_wait3A_190 : memref<16x1024xf32, #tpu.memory_space<hbm>>)
    %add3A_191 = arith.constant 80 : i32
    %add3A_192 = arith.addi %mul3A_2, %add3A_191 : i32
    %dma_wait3A_193 = arith.constant 0 : i32
    %dma_wait3A_194 = tpu.memref_slice %arg4[%add3A_192, %dma_wait3A_193] : memref<4096x1024xf32, #tpu.memory_space<hbm>> -> memref<16x1024xf32, #tpu.memory_space<hbm>>
    %dma_wait3A_195 = arith.constant 0 : i32
    %dma_wait3A_196 = tpu.memref_slice %arg4[%add3A_192, %dma_wait3A_195] : memref<4096x1024xf32, #tpu.memory_space<hbm>> -> memref<16x1024xf32, #tpu.memory_space<hbm>>
    tpu.wait_dma2 semaphore(%arg15 : memref<!tpu.dma_semaphore, #tpu.memory_space<semaphore_mem>>) src(%arg7 : memref<16x1024xf32, #tpu.memory_space<vmem>>) dst(%dma_wait3A_196 : memref<16x1024xf32, #tpu.memory_space<hbm>>)
    %add3A_197 = arith.constant 96 : i32
    %add3A_198 = arith.addi %mul3A_2, %add3A_197 : i32
    %dma_wait3A_199 = arith.constant 0 : i32
    %dma_wait3A_200 = tpu.memref_slice %arg4[%add3A_198, %dma_wait3A_199] : memref<4096x1024xf32, #tpu.memory_space<hbm>> -> memref<16x1024xf32, #tpu.memory_space<hbm>>
    %dma_wait3A_201 = arith.constant 0 : i32
    %dma_wait3A_202 = tpu.memref_slice %arg4[%add3A_198, %dma_wait3A_201] : memref<4096x1024xf32, #tpu.memory_space<hbm>> -> memref<16x1024xf32, #tpu.memory_space<hbm>>
    tpu.wait_dma2 semaphore(%arg16 : memref<!tpu.dma_semaphore, #tpu.memory_space<semaphore_mem>>) src(%arg8 : memref<16x1024xf32, #tpu.memory_space<vmem>>) dst(%dma_wait3A_202 : memref<16x1024xf32, #tpu.memory_space<hbm>>)
    %add3A_203 = arith.constant 112 : i32
    %add3A_204 = arith.addi %mul3A_2, %add3A_203 : i32
    %dma_wait3A_205 = arith.constant 0 : i32
    %dma_wait3A_206 = tpu.memref_slice %arg4[%add3A_204, %dma_wait3A_205] : memref<4096x1024xf32, #tpu.memory_space<hbm>> -> memref<16x1024xf32, #tpu.memory_space<hbm>>
    %dma_wait3A_207 = arith.constant 0 : i32
    %dma_wait3A_208 = tpu.memref_slice %arg4[%add3A_204, %dma_wait3A_207] : memref<4096x1024xf32, #tpu.memory_space<hbm>> -> memref<16x1024xf32, #tpu.memory_space<hbm>>
    tpu.wait_dma2 semaphore(%arg17 : memref<!tpu.dma_semaphore, #tpu.memory_space<semaphore_mem>>) src(%arg9 : memref<16x1024xf32, #tpu.memory_space<vmem>>) dst(%dma_wait3A_208 : memref<16x1024xf32, #tpu.memory_space<hbm>>)
    return
  }
}

module attributes {stable_mosaic.version = 14 : i64} {
  func.func @_ln_body_chained(%arg0: i32, %arg1: i32, %arg2: memref<16384x1024xf32, #tpu.memory_space<hbm>>, %arg3: memref<1024x1024xf32, #tpu.memory_space<vmem>>, %arg4: memref<1x1x1024xi32, #tpu.memory_space<vmem>>, %arg5: memref<2x1024xf32, #tpu.memory_space<vmem>>, %arg6: memref<1024x1024xf32, #tpu.memory_space<vmem>>, %arg7: memref<1x1024xf32, #tpu.memory_space<vmem>>, %arg8: memref<1x1024xf32, #tpu.memory_space<vmem>>, %arg9: memref<1024x1024xf32, #tpu.memory_space<vmem>>) attributes {dimension_semantics = [#tpu.dimension_semantics<arbitrary>, #tpu.dimension_semantics<arbitrary>], iteration_bounds = array<i64: 1, 4>, scalar_prefetch = 0 : i64, scratch_operands = 0 : i64, tpu.core_type = #tpu.core_type<tc>, window_params = [{}, {transform_indices = @transform_1, window_bounds = array<i64: 1024, 1024>}, {transform_indices = @transform_2, window_bounds = array<i64: 1, 1, 1024>}, {pipeline_mode = #tpu.pipeline_mode<synchronous>, transform_indices = @transform_3, window_bounds = array<i64: 2, 1024>}, {transform_indices = @transform_4, window_bounds = array<i64: 1024, 1024>}, {pipeline_mode = #tpu.pipeline_mode<synchronous>, transform_indices = @transform_5, window_bounds = array<i64: 1, 1024>}, {pipeline_mode = #tpu.pipeline_mode<synchronous>, transform_indices = @transform_6, window_bounds = array<i64: 1, 1024>}, {transform_indices = @transform_7, window_bounds = array<i64: 1024, 1024>}]} {
    %get3A = arith.constant 0 : index
    %get3A_0 = arith.constant 0 : index
    %get3A_1 = vector.load %arg3[%get3A, %get3A_0] : memref<1024x1024xf32, #tpu.memory_space<vmem>>, vector<1024x1024xf32>
    %get3A_2 = arith.constant 0 : index
    %get3A_3 = arith.constant 0 : index
    %get3A_4 = arith.constant 0 : index
    %get3A_5 = vector.load %arg4[%get3A_2, %get3A_3, %get3A_4] : memref<1x1x1024xi32, #tpu.memory_space<vmem>>, vector<1x1x1024xi32>
    %get3A_6 = vector.shape_cast %get3A_5 : vector<1x1x1024xi32> to vector<1024xi32>
    %get3A_7 = arith.constant 0 : index
    %get3A_8 = arith.constant 0 : index
    %get3A_9 = vector.load %arg5[%get3A_7, %get3A_8] : memref<2x1024xf32, #tpu.memory_space<vmem>>, vector<1x1024xf32>
    %get3A_10 = vector.shape_cast %get3A_9 : vector<1x1024xf32> to vector<1024xf32>
    %get3A_11 = arith.constant 1 : index
    %get3A_12 = arith.constant 0 : index
    %get3A_13 = vector.load %arg5[%get3A_11, %get3A_12] : memref<2x1024xf32, #tpu.memory_space<vmem>>, vector<1x1024xf32>
    %get3A_14 = vector.shape_cast %get3A_13 : vector<1x1024xf32> to vector<1024xf32>
    %convert_element_type3A = arith.sitofp %get3A_6 : vector<1024xi32> to vector<1024xf32>
    %broadcast_in_dim3A = vector.shape_cast %convert_element_type3A : vector<1024xf32> to vector<1024x1xf32>
    %broadcast_in_dim3A_15 = vector.shape_cast %get3A_10 : vector<1024xf32> to vector<1x1024xf32>
    %add3A = vector.broadcast %broadcast_in_dim3A_15 : vector<1x1024xf32> to vector<1024x1024xf32>
    %add3A_16 = arith.addf %get3A_1, %add3A : vector<1024x1024xf32>
    %sub3A = arith.subf %get3A_14, %get3A_10 : vector<1024xf32>
    %broadcast_in_dim3A_17 = vector.shape_cast %sub3A : vector<1024xf32> to vector<1x1024xf32>
    %mul3A = vector.broadcast %broadcast_in_dim3A : vector<1024x1xf32> to vector<1024x1024xf32>
    %mul3A_18 = vector.broadcast %broadcast_in_dim3A_17 : vector<1x1024xf32> to vector<1024x1024xf32>
    %mul3A_19 = arith.mulf %mul3A, %mul3A_18 : vector<1024x1024xf32>
    %add3A_20 = arith.addf %add3A_16, %mul3A_19 : vector<1024x1024xf32>
    %get3A_21 = arith.constant 0 : index
    %get3A_22 = arith.constant 0 : index
    %get3A_23 = vector.load %arg6[%get3A_21, %get3A_22] : memref<1024x1024xf32, #tpu.memory_space<vmem>>, vector<1024x1024xf32>
    %add3A_24 = arith.addf %add3A_20, %get3A_23 : vector<1024x1024xf32>
    %reduce_sum3A = arith.constant dense<0.000000e+00> : vector<1024xf32>
    %reduce_sum3A_25 = vector.multi_reduction <add>, %add3A_24, %reduce_sum3A [1] : vector<1024x1024xf32> to vector<1024xf32>
    %broadcast_in_dim3A_26 = vector.shape_cast %reduce_sum3A_25 : vector<1024xf32> to vector<1024x1xf32>
    %div3A = arith.constant 1.024000e+03 : f32
    %div3A_27 = vector.broadcast %div3A : f32 to vector<1024x1xf32>
    %div3A_28 = arith.divf %broadcast_in_dim3A_26, %div3A_27 : vector<1024x1xf32>
    %sub3A_29 = vector.broadcast %div3A_28 : vector<1024x1xf32> to vector<1024x1024xf32>
    %sub3A_30 = arith.subf %add3A_24, %sub3A_29 : vector<1024x1024xf32>
    %mul3A_31 = arith.mulf %sub3A_30, %sub3A_30 : vector<1024x1024xf32>
    %reduce_sum3A_32 = arith.constant dense<0.000000e+00> : vector<1024xf32>
    %reduce_sum3A_33 = vector.multi_reduction <add>, %mul3A_31, %reduce_sum3A_32 [1] : vector<1024x1024xf32> to vector<1024xf32>
    %broadcast_in_dim3A_34 = vector.shape_cast %reduce_sum3A_33 : vector<1024xf32> to vector<1024x1xf32>
    %div3A_35 = arith.constant 1.024000e+03 : f32
    %div3A_36 = vector.broadcast %div3A_35 : f32 to vector<1024x1xf32>
    %div3A_37 = arith.divf %broadcast_in_dim3A_34, %div3A_36 : vector<1024x1xf32>
    %add3A_38 = arith.constant 9.99999996E-13 : f32
    %add3A_39 = vector.broadcast %add3A_38 : f32 to vector<1024x1xf32>
    %add3A_40 = arith.addf %div3A_37, %add3A_39 : vector<1024x1xf32>
    %rsqrt3A = math.rsqrt %add3A_40 : vector<1024x1xf32>
    %mul3A_41 = vector.broadcast %rsqrt3A : vector<1024x1xf32> to vector<1024x1024xf32>
    %mul3A_42 = arith.mulf %sub3A_30, %mul3A_41 : vector<1024x1024xf32>
    %get3A_43 = arith.constant 0 : index
    %get3A_44 = arith.constant 0 : index
    %get3A_45 = vector.load %arg7[%get3A_43, %get3A_44] : memref<1x1024xf32, #tpu.memory_space<vmem>>, vector<1x1024xf32>
    %get3A_46 = vector.shape_cast %get3A_45 : vector<1x1024xf32> to vector<1024xf32>
    %broadcast_in_dim3A_47 = vector.shape_cast %get3A_46 : vector<1024xf32> to vector<1x1024xf32>
    %mul3A_48 = vector.broadcast %broadcast_in_dim3A_47 : vector<1x1024xf32> to vector<1024x1024xf32>
    %mul3A_49 = arith.mulf %mul3A_42, %mul3A_48 : vector<1024x1024xf32>
    %get3A_50 = arith.constant 0 : index
    %get3A_51 = arith.constant 0 : index
    %get3A_52 = vector.load %arg8[%get3A_50, %get3A_51] : memref<1x1024xf32, #tpu.memory_space<vmem>>, vector<1x1024xf32>
    %get3A_53 = vector.shape_cast %get3A_52 : vector<1x1024xf32> to vector<1024xf32>
    %broadcast_in_dim3A_54 = vector.shape_cast %get3A_53 : vector<1024xf32> to vector<1x1024xf32>
    %add3A_55 = vector.broadcast %broadcast_in_dim3A_54 : vector<1x1024xf32> to vector<1024x1024xf32>
    %add3A_56 = arith.addf %mul3A_49, %add3A_55 : vector<1024x1024xf32>
    %swap3A = arith.constant 0 : index
    %swap3A_57 = arith.constant 0 : index
    %swap3A_58 = vector.load %arg9[%swap3A, %swap3A_57] : memref<1024x1024xf32, #tpu.memory_space<vmem>>, vector<1024x1024xf32>
    tpu.vector_store %arg9[%swap3A, %swap3A_57], %add3A_56 {strides = array<i32>} : memref<1024x1024xf32, #tpu.memory_space<vmem>>, vector<1024x1024xf32>,
    return
  }
  func.func @transform_1(%arg0: i32, %arg1: i32) -> (i32, i32) {
    %mul3A = arith.constant 1 : i32
    %mul3A_0 = arith.muli %arg1, %mul3A : i32
    %add3A = arith.addi %mul3A_0, %arg0 : i32
    %c0_i32 = arith.constant 0 : i32
    %c0_i32_1 = arith.constant 0 : i32
    return %add3A, %c0_i32 : i32, i32
  }
  func.func @transform_2(%arg0: i32, %arg1: i32) -> (i32, i32, i32) {
    %mul3A = arith.constant 1 : i32
    %mul3A_0 = arith.muli %arg1, %mul3A : i32
    %add3A = arith.addi %mul3A_0, %arg0 : i32
    %c0_i32 = arith.constant 0 : i32
    %c0_i32_1 = arith.constant 0 : i32
    %c0_i32_2 = arith.constant 0 : i32
    return %add3A, %c0_i32, %c0_i32_1 : i32, i32, i32
  }
  func.func @transform_3(%arg0: i32, %arg1: i32) -> (i32, i32) {
    %c0_i32 = arith.constant 0 : i32
    %c0_i32_0 = arith.constant 0 : i32
    %c0_i32_1 = arith.constant 0 : i32
    return %c0_i32, %c0_i32_0 : i32, i32
  }
  func.func @transform_4(%arg0: i32, %arg1: i32) -> (i32, i32) {
    %add3A = arith.constant 2 : i32
    %add3A_0 = arith.addi %add3A, %arg0 : i32
    %c0_i32 = arith.constant 0 : i32
    %c0_i32_1 = arith.constant 0 : i32
    return %add3A_0, %c0_i32 : i32, i32
  }
  func.func @transform_5(%arg0: i32, %arg1: i32) -> (i32, i32) {
    %c0_i32 = arith.constant 0 : i32
    %c0_i32_0 = arith.constant 0 : i32
    %c0_i32_1 = arith.constant 0 : i32
    return %c0_i32, %c0_i32_0 : i32, i32
  }
  func.func @transform_6(%arg0: i32, %arg1: i32) -> (i32, i32) {
    %c0_i32 = arith.constant 0 : i32
    %c0_i32_0 = arith.constant 0 : i32
    %c0_i32_1 = arith.constant 0 : i32
    return %c0_i32, %c0_i32_0 : i32, i32
  }
  func.func @transform_7(%arg0: i32, %arg1: i32) -> (i32, i32) {
    %mul3A = arith.constant 4 : i32
    %mul3A_0 = arith.muli %arg1, %mul3A : i32
    %add3A = arith.constant 2 : i32
    %add3A_1 = arith.addi %mul3A_0, %add3A : i32
    %add3A_2 = arith.addi %add3A_1, %arg0 : i32
    %c0_i32 = arith.constant 0 : i32
    %c0_i32_3 = arith.constant 0 : i32
    return %add3A_2, %c0_i32 : i32, i32
  }
}

module attributes {stable_mosaic.version = 14 : i64} {
  func.func @_ln_body_first(%arg0: i32, %arg1: i32, %arg2: memref<1024x1024xf32, #tpu.memory_space<vmem>>, %arg3: memref<1x1x1024xi32, #tpu.memory_space<vmem>>, %arg4: memref<2x1024xf32, #tpu.memory_space<vmem>>, %arg5: memref<1024x1024xf32, #tpu.memory_space<vmem>>, %arg6: memref<1x1024xf32, #tpu.memory_space<vmem>>, %arg7: memref<1x1024xf32, #tpu.memory_space<vmem>>, %arg8: memref<1024x1024xf32, #tpu.memory_space<vmem>>) attributes {dimension_semantics = [#tpu.dimension_semantics<arbitrary>, #tpu.dimension_semantics<arbitrary>], iteration_bounds = array<i64: 1, 4>, scalar_prefetch = 0 : i64, scratch_operands = 0 : i64, tpu.core_type = #tpu.core_type<tc>, window_params = [{transform_indices = @transform_0, window_bounds = array<i64: 1024, 1024>}, {transform_indices = @transform_1, window_bounds = array<i64: 1, 1, 1024>}, {pipeline_mode = #tpu.pipeline_mode<synchronous>, transform_indices = @transform_2, window_bounds = array<i64: 2, 1024>}, {transform_indices = @transform_3, window_bounds = array<i64: 1024, 1024>}, {pipeline_mode = #tpu.pipeline_mode<synchronous>, transform_indices = @transform_4, window_bounds = array<i64: 1, 1024>}, {pipeline_mode = #tpu.pipeline_mode<synchronous>, transform_indices = @transform_5, window_bounds = array<i64: 1, 1024>}, {transform_indices = @transform_6, window_bounds = array<i64: 1024, 1024>}]} {
    %get3A = arith.constant 0 : index
    %get3A_0 = arith.constant 0 : index
    %get3A_1 = vector.load %arg2[%get3A, %get3A_0] : memref<1024x1024xf32, #tpu.memory_space<vmem>>, vector<1024x1024xf32>
    %get3A_2 = arith.constant 0 : index
    %get3A_3 = arith.constant 0 : index
    %get3A_4 = arith.constant 0 : index
    %get3A_5 = vector.load %arg3[%get3A_2, %get3A_3, %get3A_4] : memref<1x1x1024xi32, #tpu.memory_space<vmem>>, vector<1x1x1024xi32>
    %get3A_6 = vector.shape_cast %get3A_5 : vector<1x1x1024xi32> to vector<1024xi32>
    %get3A_7 = arith.constant 0 : index
    %get3A_8 = arith.constant 0 : index
    %get3A_9 = vector.load %arg4[%get3A_7, %get3A_8] : memref<2x1024xf32, #tpu.memory_space<vmem>>, vector<1x1024xf32>
    %get3A_10 = vector.shape_cast %get3A_9 : vector<1x1024xf32> to vector<1024xf32>
    %get3A_11 = arith.constant 1 : index
    %get3A_12 = arith.constant 0 : index
    %get3A_13 = vector.load %arg4[%get3A_11, %get3A_12] : memref<2x1024xf32, #tpu.memory_space<vmem>>, vector<1x1024xf32>
    %get3A_14 = vector.shape_cast %get3A_13 : vector<1x1024xf32> to vector<1024xf32>
    %convert_element_type3A = arith.sitofp %get3A_6 : vector<1024xi32> to vector<1024xf32>
    %broadcast_in_dim3A = vector.shape_cast %convert_element_type3A : vector<1024xf32> to vector<1024x1xf32>
    %broadcast_in_dim3A_15 = vector.shape_cast %get3A_10 : vector<1024xf32> to vector<1x1024xf32>
    %add3A = vector.broadcast %broadcast_in_dim3A_15 : vector<1x1024xf32> to vector<1024x1024xf32>
    %add3A_16 = arith.addf %get3A_1, %add3A : vector<1024x1024xf32>
    %sub3A = arith.subf %get3A_14, %get3A_10 : vector<1024xf32>
    %broadcast_in_dim3A_17 = vector.shape_cast %sub3A : vector<1024xf32> to vector<1x1024xf32>
    %mul3A = vector.broadcast %broadcast_in_dim3A : vector<1024x1xf32> to vector<1024x1024xf32>
    %mul3A_18 = vector.broadcast %broadcast_in_dim3A_17 : vector<1x1024xf32> to vector<1024x1024xf32>
    %mul3A_19 = arith.mulf %mul3A, %mul3A_18 : vector<1024x1024xf32>
    %add3A_20 = arith.addf %add3A_16, %mul3A_19 : vector<1024x1024xf32>
    %get3A_21 = arith.constant 0 : index
    %get3A_22 = arith.constant 0 : index
    %get3A_23 = vector.load %arg5[%get3A_21, %get3A_22] : memref<1024x1024xf32, #tpu.memory_space<vmem>>, vector<1024x1024xf32>
    %add3A_24 = arith.addf %add3A_20, %get3A_23 : vector<1024x1024xf32>
    %reduce_sum3A = arith.constant dense<0.000000e+00> : vector<1024xf32>
    %reduce_sum3A_25 = vector.multi_reduction <add>, %add3A_24, %reduce_sum3A [1] : vector<1024x1024xf32> to vector<1024xf32>
    %broadcast_in_dim3A_26 = vector.shape_cast %reduce_sum3A_25 : vector<1024xf32> to vector<1024x1xf32>
    %div3A = arith.constant 1.024000e+03 : f32
    %div3A_27 = vector.broadcast %div3A : f32 to vector<1024x1xf32>
    %div3A_28 = arith.divf %broadcast_in_dim3A_26, %div3A_27 : vector<1024x1xf32>
    %sub3A_29 = vector.broadcast %div3A_28 : vector<1024x1xf32> to vector<1024x1024xf32>
    %sub3A_30 = arith.subf %add3A_24, %sub3A_29 : vector<1024x1024xf32>
    %mul3A_31 = arith.mulf %sub3A_30, %sub3A_30 : vector<1024x1024xf32>
    %reduce_sum3A_32 = arith.constant dense<0.000000e+00> : vector<1024xf32>
    %reduce_sum3A_33 = vector.multi_reduction <add>, %mul3A_31, %reduce_sum3A_32 [1] : vector<1024x1024xf32> to vector<1024xf32>
    %broadcast_in_dim3A_34 = vector.shape_cast %reduce_sum3A_33 : vector<1024xf32> to vector<1024x1xf32>
    %div3A_35 = arith.constant 1.024000e+03 : f32
    %div3A_36 = vector.broadcast %div3A_35 : f32 to vector<1024x1xf32>
    %div3A_37 = arith.divf %broadcast_in_dim3A_34, %div3A_36 : vector<1024x1xf32>
    %add3A_38 = arith.constant 9.99999996E-13 : f32
    %add3A_39 = vector.broadcast %add3A_38 : f32 to vector<1024x1xf32>
    %add3A_40 = arith.addf %div3A_37, %add3A_39 : vector<1024x1xf32>
    %rsqrt3A = math.rsqrt %add3A_40 : vector<1024x1xf32>
    %mul3A_41 = vector.broadcast %rsqrt3A : vector<1024x1xf32> to vector<1024x1024xf32>
    %mul3A_42 = arith.mulf %sub3A_30, %mul3A_41 : vector<1024x1024xf32>
    %get3A_43 = arith.constant 0 : index
    %get3A_44 = arith.constant 0 : index
    %get3A_45 = vector.load %arg6[%get3A_43, %get3A_44] : memref<1x1024xf32, #tpu.memory_space<vmem>>, vector<1x1024xf32>
    %get3A_46 = vector.shape_cast %get3A_45 : vector<1x1024xf32> to vector<1024xf32>
    %broadcast_in_dim3A_47 = vector.shape_cast %get3A_46 : vector<1024xf32> to vector<1x1024xf32>
    %mul3A_48 = vector.broadcast %broadcast_in_dim3A_47 : vector<1x1024xf32> to vector<1024x1024xf32>
    %mul3A_49 = arith.mulf %mul3A_42, %mul3A_48 : vector<1024x1024xf32>
    %get3A_50 = arith.constant 0 : index
    %get3A_51 = arith.constant 0 : index
    %get3A_52 = vector.load %arg7[%get3A_50, %get3A_51] : memref<1x1024xf32, #tpu.memory_space<vmem>>, vector<1x1024xf32>
    %get3A_53 = vector.shape_cast %get3A_52 : vector<1x1024xf32> to vector<1024xf32>
    %broadcast_in_dim3A_54 = vector.shape_cast %get3A_53 : vector<1024xf32> to vector<1x1024xf32>
    %add3A_55 = vector.broadcast %broadcast_in_dim3A_54 : vector<1x1024xf32> to vector<1024x1024xf32>
    %add3A_56 = arith.addf %mul3A_49, %add3A_55 : vector<1024x1024xf32>
    %swap3A = arith.constant 0 : index
    %swap3A_57 = arith.constant 0 : index
    %swap3A_58 = vector.load %arg8[%swap3A, %swap3A_57] : memref<1024x1024xf32, #tpu.memory_space<vmem>>, vector<1024x1024xf32>
    tpu.vector_store %arg8[%swap3A, %swap3A_57], %add3A_56 {strides = array<i32>} : memref<1024x1024xf32, #tpu.memory_space<vmem>>, vector<1024x1024xf32>,
    return
  }
  func.func @transform_0(%arg0: i32, %arg1: i32) -> (i32, i32) {
    %mul3A = arith.constant 1 : i32
    %mul3A_0 = arith.muli %arg1, %mul3A : i32
    %add3A = arith.addi %mul3A_0, %arg0 : i32
    %c0_i32 = arith.constant 0 : i32
    %c0_i32_1 = arith.constant 0 : i32
    return %add3A, %c0_i32 : i32, i32
  }
  func.func @transform_1(%arg0: i32, %arg1: i32) -> (i32, i32, i32) {
    %mul3A = arith.constant 1 : i32
    %mul3A_0 = arith.muli %arg1, %mul3A : i32
    %add3A = arith.addi %mul3A_0, %arg0 : i32
    %c0_i32 = arith.constant 0 : i32
    %c0_i32_1 = arith.constant 0 : i32
    %c0_i32_2 = arith.constant 0 : i32
    return %add3A, %c0_i32, %c0_i32_1 : i32, i32, i32
  }
  func.func @transform_2(%arg0: i32, %arg1: i32) -> (i32, i32) {
    %c0_i32 = arith.constant 0 : i32
    %c0_i32_0 = arith.constant 0 : i32
    %c0_i32_1 = arith.constant 0 : i32
    return %c0_i32, %c0_i32_0 : i32, i32
  }
  func.func @transform_3(%arg0: i32, %arg1: i32) -> (i32, i32) {
    %add3A = arith.constant 0 : i32
    %add3A_0 = arith.addi %add3A, %arg0 : i32
    %c0_i32 = arith.constant 0 : i32
    %c0_i32_1 = arith.constant 0 : i32
    return %add3A_0, %c0_i32 : i32, i32
  }
  func.func @transform_4(%arg0: i32, %arg1: i32) -> (i32, i32) {
    %c0_i32 = arith.constant 0 : i32
    %c0_i32_0 = arith.constant 0 : i32
    %c0_i32_1 = arith.constant 0 : i32
    return %c0_i32, %c0_i32_0 : i32, i32
  }
  func.func @transform_5(%arg0: i32, %arg1: i32) -> (i32, i32) {
    %c0_i32 = arith.constant 0 : i32
    %c0_i32_0 = arith.constant 0 : i32
    %c0_i32_1 = arith.constant 0 : i32
    return %c0_i32, %c0_i32_0 : i32, i32
  }
  func.func @transform_6(%arg0: i32, %arg1: i32) -> (i32, i32) {
    %mul3A = arith.constant 4 : i32
    %mul3A_0 = arith.muli %arg1, %mul3A : i32
    %add3A = arith.constant 0 : i32
    %add3A_1 = arith.addi %mul3A_0, %add3A : i32
    %add3A_2 = arith.addi %add3A_1, %arg0 : i32
    %c0_i32 = arith.constant 0 : i32
    %c0_i32_3 = arith.constant 0 : i32
    return %add3A_2, %c0_i32 : i32, i32
  }
}

module attributes {stable_mosaic.version = 14 : i64} {
  func.func @_ln_body_chained(%arg0: i32, %arg1: i32, %arg2: memref<16384x1024xf32, #tpu.memory_space<hbm>>, %arg3: memref<1024x1024xf32, #tpu.memory_space<vmem>>, %arg4: memref<1x1x1024xi32, #tpu.memory_space<vmem>>, %arg5: memref<2x1024xf32, #tpu.memory_space<vmem>>, %arg6: memref<1024x1024xf32, #tpu.memory_space<vmem>>, %arg7: memref<1x1024xf32, #tpu.memory_space<vmem>>, %arg8: memref<1x1024xf32, #tpu.memory_space<vmem>>, %arg9: memref<1024x1024xf32, #tpu.memory_space<vmem>>) attributes {dimension_semantics = [#tpu.dimension_semantics<arbitrary>, #tpu.dimension_semantics<arbitrary>], iteration_bounds = array<i64: 1, 4>, scalar_prefetch = 0 : i64, scratch_operands = 0 : i64, tpu.core_type = #tpu.core_type<tc>, window_params = [{}, {transform_indices = @transform_1, window_bounds = array<i64: 1024, 1024>}, {transform_indices = @transform_2, window_bounds = array<i64: 1, 1, 1024>}, {pipeline_mode = #tpu.pipeline_mode<synchronous>, transform_indices = @transform_3, window_bounds = array<i64: 2, 1024>}, {transform_indices = @transform_4, window_bounds = array<i64: 1024, 1024>}, {pipeline_mode = #tpu.pipeline_mode<synchronous>, transform_indices = @transform_5, window_bounds = array<i64: 1, 1024>}, {pipeline_mode = #tpu.pipeline_mode<synchronous>, transform_indices = @transform_6, window_bounds = array<i64: 1, 1024>}, {transform_indices = @transform_7, window_bounds = array<i64: 1024, 1024>}]} {
    %get3A = arith.constant 0 : index
    %get3A_0 = arith.constant 0 : index
    %get3A_1 = vector.load %arg3[%get3A, %get3A_0] : memref<1024x1024xf32, #tpu.memory_space<vmem>>, vector<1024x1024xf32>
    %get3A_2 = arith.constant 0 : index
    %get3A_3 = arith.constant 0 : index
    %get3A_4 = arith.constant 0 : index
    %get3A_5 = vector.load %arg4[%get3A_2, %get3A_3, %get3A_4] : memref<1x1x1024xi32, #tpu.memory_space<vmem>>, vector<1x1x1024xi32>
    %get3A_6 = vector.shape_cast %get3A_5 : vector<1x1x1024xi32> to vector<1024xi32>
    %get3A_7 = arith.constant 0 : index
    %get3A_8 = arith.constant 0 : index
    %get3A_9 = vector.load %arg5[%get3A_7, %get3A_8] : memref<2x1024xf32, #tpu.memory_space<vmem>>, vector<1x1024xf32>
    %get3A_10 = vector.shape_cast %get3A_9 : vector<1x1024xf32> to vector<1024xf32>
    %get3A_11 = arith.constant 1 : index
    %get3A_12 = arith.constant 0 : index
    %get3A_13 = vector.load %arg5[%get3A_11, %get3A_12] : memref<2x1024xf32, #tpu.memory_space<vmem>>, vector<1x1024xf32>
    %get3A_14 = vector.shape_cast %get3A_13 : vector<1x1024xf32> to vector<1024xf32>
    %convert_element_type3A = arith.sitofp %get3A_6 : vector<1024xi32> to vector<1024xf32>
    %broadcast_in_dim3A = vector.shape_cast %convert_element_type3A : vector<1024xf32> to vector<1024x1xf32>
    %broadcast_in_dim3A_15 = vector.shape_cast %get3A_10 : vector<1024xf32> to vector<1x1024xf32>
    %add3A = vector.broadcast %broadcast_in_dim3A_15 : vector<1x1024xf32> to vector<1024x1024xf32>
    %add3A_16 = arith.addf %get3A_1, %add3A : vector<1024x1024xf32>
    %sub3A = arith.subf %get3A_14, %get3A_10 : vector<1024xf32>
    %broadcast_in_dim3A_17 = vector.shape_cast %sub3A : vector<1024xf32> to vector<1x1024xf32>
    %mul3A = vector.broadcast %broadcast_in_dim3A : vector<1024x1xf32> to vector<1024x1024xf32>
    %mul3A_18 = vector.broadcast %broadcast_in_dim3A_17 : vector<1x1024xf32> to vector<1024x1024xf32>
    %mul3A_19 = arith.mulf %mul3A, %mul3A_18 : vector<1024x1024xf32>
    %add3A_20 = arith.addf %add3A_16, %mul3A_19 : vector<1024x1024xf32>
    %get3A_21 = arith.constant 0 : index
    %get3A_22 = arith.constant 0 : index
    %get3A_23 = vector.load %arg6[%get3A_21, %get3A_22] : memref<1024x1024xf32, #tpu.memory_space<vmem>>, vector<1024x1024xf32>
    %add3A_24 = arith.addf %add3A_20, %get3A_23 : vector<1024x1024xf32>
    %reduce_sum3A = arith.constant dense<0.000000e+00> : vector<1024xf32>
    %reduce_sum3A_25 = vector.multi_reduction <add>, %add3A_24, %reduce_sum3A [1] : vector<1024x1024xf32> to vector<1024xf32>
    %broadcast_in_dim3A_26 = vector.shape_cast %reduce_sum3A_25 : vector<1024xf32> to vector<1024x1xf32>
    %div3A = arith.constant 1.024000e+03 : f32
    %div3A_27 = vector.broadcast %div3A : f32 to vector<1024x1xf32>
    %div3A_28 = arith.divf %broadcast_in_dim3A_26, %div3A_27 : vector<1024x1xf32>
    %sub3A_29 = vector.broadcast %div3A_28 : vector<1024x1xf32> to vector<1024x1024xf32>
    %sub3A_30 = arith.subf %add3A_24, %sub3A_29 : vector<1024x1024xf32>
    %mul3A_31 = arith.mulf %sub3A_30, %sub3A_30 : vector<1024x1024xf32>
    %reduce_sum3A_32 = arith.constant dense<0.000000e+00> : vector<1024xf32>
    %reduce_sum3A_33 = vector.multi_reduction <add>, %mul3A_31, %reduce_sum3A_32 [1] : vector<1024x1024xf32> to vector<1024xf32>
    %broadcast_in_dim3A_34 = vector.shape_cast %reduce_sum3A_33 : vector<1024xf32> to vector<1024x1xf32>
    %div3A_35 = arith.constant 1.024000e+03 : f32
    %div3A_36 = vector.broadcast %div3A_35 : f32 to vector<1024x1xf32>
    %div3A_37 = arith.divf %broadcast_in_dim3A_34, %div3A_36 : vector<1024x1xf32>
    %add3A_38 = arith.constant 9.99999996E-13 : f32
    %add3A_39 = vector.broadcast %add3A_38 : f32 to vector<1024x1xf32>
    %add3A_40 = arith.addf %div3A_37, %add3A_39 : vector<1024x1xf32>
    %rsqrt3A = math.rsqrt %add3A_40 : vector<1024x1xf32>
    %mul3A_41 = vector.broadcast %rsqrt3A : vector<1024x1xf32> to vector<1024x1024xf32>
    %mul3A_42 = arith.mulf %sub3A_30, %mul3A_41 : vector<1024x1024xf32>
    %get3A_43 = arith.constant 0 : index
    %get3A_44 = arith.constant 0 : index
    %get3A_45 = vector.load %arg7[%get3A_43, %get3A_44] : memref<1x1024xf32, #tpu.memory_space<vmem>>, vector<1x1024xf32>
    %get3A_46 = vector.shape_cast %get3A_45 : vector<1x1024xf32> to vector<1024xf32>
    %broadcast_in_dim3A_47 = vector.shape_cast %get3A_46 : vector<1024xf32> to vector<1x1024xf32>
    %mul3A_48 = vector.broadcast %broadcast_in_dim3A_47 : vector<1x1024xf32> to vector<1024x1024xf32>
    %mul3A_49 = arith.mulf %mul3A_42, %mul3A_48 : vector<1024x1024xf32>
    %get3A_50 = arith.constant 0 : index
    %get3A_51 = arith.constant 0 : index
    %get3A_52 = vector.load %arg8[%get3A_50, %get3A_51] : memref<1x1024xf32, #tpu.memory_space<vmem>>, vector<1x1024xf32>
    %get3A_53 = vector.shape_cast %get3A_52 : vector<1x1024xf32> to vector<1024xf32>
    %broadcast_in_dim3A_54 = vector.shape_cast %get3A_53 : vector<1024xf32> to vector<1x1024xf32>
    %add3A_55 = vector.broadcast %broadcast_in_dim3A_54 : vector<1x1024xf32> to vector<1024x1024xf32>
    %add3A_56 = arith.addf %mul3A_49, %add3A_55 : vector<1024x1024xf32>
    %swap3A = arith.constant 0 : index
    %swap3A_57 = arith.constant 0 : index
    %swap3A_58 = vector.load %arg9[%swap3A, %swap3A_57] : memref<1024x1024xf32, #tpu.memory_space<vmem>>, vector<1024x1024xf32>
    tpu.vector_store %arg9[%swap3A, %swap3A_57], %add3A_56 {strides = array<i32>} : memref<1024x1024xf32, #tpu.memory_space<vmem>>, vector<1024x1024xf32>,
    return
  }
  func.func @transform_1(%arg0: i32, %arg1: i32) -> (i32, i32) {
    %mul3A = arith.constant 1 : i32
    %mul3A_0 = arith.muli %arg1, %mul3A : i32
    %add3A = arith.addi %mul3A_0, %arg0 : i32
    %c0_i32 = arith.constant 0 : i32
    %c0_i32_1 = arith.constant 0 : i32
    return %add3A, %c0_i32 : i32, i32
  }
  func.func @transform_2(%arg0: i32, %arg1: i32) -> (i32, i32, i32) {
    %mul3A = arith.constant 1 : i32
    %mul3A_0 = arith.muli %arg1, %mul3A : i32
    %add3A = arith.addi %mul3A_0, %arg0 : i32
    %c0_i32 = arith.constant 0 : i32
    %c0_i32_1 = arith.constant 0 : i32
    %c0_i32_2 = arith.constant 0 : i32
    return %add3A, %c0_i32, %c0_i32_1 : i32, i32, i32
  }
  func.func @transform_3(%arg0: i32, %arg1: i32) -> (i32, i32) {
    %c0_i32 = arith.constant 0 : i32
    %c0_i32_0 = arith.constant 0 : i32
    %c0_i32_1 = arith.constant 0 : i32
    return %c0_i32, %c0_i32_0 : i32, i32
  }
  func.func @transform_4(%arg0: i32, %arg1: i32) -> (i32, i32) {
    %add3A = arith.constant 1 : i32
    %add3A_0 = arith.addi %add3A, %arg0 : i32
    %c0_i32 = arith.constant 0 : i32
    %c0_i32_1 = arith.constant 0 : i32
    return %add3A_0, %c0_i32 : i32, i32
  }
  func.func @transform_5(%arg0: i32, %arg1: i32) -> (i32, i32) {
    %c0_i32 = arith.constant 0 : i32
    %c0_i32_0 = arith.constant 0 : i32
    %c0_i32_1 = arith.constant 0 : i32
    return %c0_i32, %c0_i32_0 : i32, i32
  }
  func.func @transform_6(%arg0: i32, %arg1: i32) -> (i32, i32) {
    %c0_i32 = arith.constant 0 : i32
    %c0_i32_0 = arith.constant 0 : i32
    %c0_i32_1 = arith.constant 0 : i32
    return %c0_i32, %c0_i32_0 : i32, i32
  }
  func.func @transform_7(%arg0: i32, %arg1: i32) -> (i32, i32) {
    %mul3A = arith.constant 4 : i32
    %mul3A_0 = arith.muli %arg1, %mul3A : i32
    %add3A = arith.constant 1 : i32
    %add3A_1 = arith.addi %mul3A_0, %add3A : i32
    %add3A_2 = arith.addi %add3A_1, %arg0 : i32
    %c0_i32 = arith.constant 0 : i32
    %c0_i32_3 = arith.constant 0 : i32
    return %add3A_2, %c0_i32 : i32, i32
  }
}

module attributes {stable_mosaic.version = 14 : i64} {
  func.func @_ln_body_chained(%arg0: i32, %arg1: i32, %arg2: memref<16384x1024xf32, #tpu.memory_space<hbm>>, %arg3: memref<1024x1024xf32, #tpu.memory_space<vmem>>, %arg4: memref<1x1x1024xi32, #tpu.memory_space<vmem>>, %arg5: memref<2x1024xf32, #tpu.memory_space<vmem>>, %arg6: memref<1024x1024xf32, #tpu.memory_space<vmem>>, %arg7: memref<1x1024xf32, #tpu.memory_space<vmem>>, %arg8: memref<1x1024xf32, #tpu.memory_space<vmem>>, %arg9: memref<1024x1024xf32, #tpu.memory_space<vmem>>) attributes {dimension_semantics = [#tpu.dimension_semantics<arbitrary>, #tpu.dimension_semantics<arbitrary>], iteration_bounds = array<i64: 1, 4>, scalar_prefetch = 0 : i64, scratch_operands = 0 : i64, tpu.core_type = #tpu.core_type<tc>, window_params = [{}, {transform_indices = @transform_1, window_bounds = array<i64: 1024, 1024>}, {transform_indices = @transform_2, window_bounds = array<i64: 1, 1, 1024>}, {pipeline_mode = #tpu.pipeline_mode<synchronous>, transform_indices = @transform_3, window_bounds = array<i64: 2, 1024>}, {transform_indices = @transform_4, window_bounds = array<i64: 1024, 1024>}, {pipeline_mode = #tpu.pipeline_mode<synchronous>, transform_indices = @transform_5, window_bounds = array<i64: 1, 1024>}, {pipeline_mode = #tpu.pipeline_mode<synchronous>, transform_indices = @transform_6, window_bounds = array<i64: 1, 1024>}, {transform_indices = @transform_7, window_bounds = array<i64: 1024, 1024>}]} {
    %get3A = arith.constant 0 : index
    %get3A_0 = arith.constant 0 : index
    %get3A_1 = vector.load %arg3[%get3A, %get3A_0] : memref<1024x1024xf32, #tpu.memory_space<vmem>>, vector<1024x1024xf32>
    %get3A_2 = arith.constant 0 : index
    %get3A_3 = arith.constant 0 : index
    %get3A_4 = arith.constant 0 : index
    %get3A_5 = vector.load %arg4[%get3A_2, %get3A_3, %get3A_4] : memref<1x1x1024xi32, #tpu.memory_space<vmem>>, vector<1x1x1024xi32>
    %get3A_6 = vector.shape_cast %get3A_5 : vector<1x1x1024xi32> to vector<1024xi32>
    %get3A_7 = arith.constant 0 : index
    %get3A_8 = arith.constant 0 : index
    %get3A_9 = vector.load %arg5[%get3A_7, %get3A_8] : memref<2x1024xf32, #tpu.memory_space<vmem>>, vector<1x1024xf32>
    %get3A_10 = vector.shape_cast %get3A_9 : vector<1x1024xf32> to vector<1024xf32>
    %get3A_11 = arith.constant 1 : index
    %get3A_12 = arith.constant 0 : index
    %get3A_13 = vector.load %arg5[%get3A_11, %get3A_12] : memref<2x1024xf32, #tpu.memory_space<vmem>>, vector<1x1024xf32>
    %get3A_14 = vector.shape_cast %get3A_13 : vector<1x1024xf32> to vector<1024xf32>
    %convert_element_type3A = arith.sitofp %get3A_6 : vector<1024xi32> to vector<1024xf32>
    %broadcast_in_dim3A = vector.shape_cast %convert_element_type3A : vector<1024xf32> to vector<1024x1xf32>
    %broadcast_in_dim3A_15 = vector.shape_cast %get3A_10 : vector<1024xf32> to vector<1x1024xf32>
    %add3A = vector.broadcast %broadcast_in_dim3A_15 : vector<1x1024xf32> to vector<1024x1024xf32>
    %add3A_16 = arith.addf %get3A_1, %add3A : vector<1024x1024xf32>
    %sub3A = arith.subf %get3A_14, %get3A_10 : vector<1024xf32>
    %broadcast_in_dim3A_17 = vector.shape_cast %sub3A : vector<1024xf32> to vector<1x1024xf32>
    %mul3A = vector.broadcast %broadcast_in_dim3A : vector<1024x1xf32> to vector<1024x1024xf32>
    %mul3A_18 = vector.broadcast %broadcast_in_dim3A_17 : vector<1x1024xf32> to vector<1024x1024xf32>
    %mul3A_19 = arith.mulf %mul3A, %mul3A_18 : vector<1024x1024xf32>
    %add3A_20 = arith.addf %add3A_16, %mul3A_19 : vector<1024x1024xf32>
    %get3A_21 = arith.constant 0 : index
    %get3A_22 = arith.constant 0 : index
    %get3A_23 = vector.load %arg6[%get3A_21, %get3A_22] : memref<1024x1024xf32, #tpu.memory_space<vmem>>, vector<1024x1024xf32>
    %add3A_24 = arith.addf %add3A_20, %get3A_23 : vector<1024x1024xf32>
    %reduce_sum3A = arith.constant dense<0.000000e+00> : vector<1024xf32>
    %reduce_sum3A_25 = vector.multi_reduction <add>, %add3A_24, %reduce_sum3A [1] : vector<1024x1024xf32> to vector<1024xf32>
    %broadcast_in_dim3A_26 = vector.shape_cast %reduce_sum3A_25 : vector<1024xf32> to vector<1024x1xf32>
    %div3A = arith.constant 1.024000e+03 : f32
    %div3A_27 = vector.broadcast %div3A : f32 to vector<1024x1xf32>
    %div3A_28 = arith.divf %broadcast_in_dim3A_26, %div3A_27 : vector<1024x1xf32>
    %sub3A_29 = vector.broadcast %div3A_28 : vector<1024x1xf32> to vector<1024x1024xf32>
    %sub3A_30 = arith.subf %add3A_24, %sub3A_29 : vector<1024x1024xf32>
    %mul3A_31 = arith.mulf %sub3A_30, %sub3A_30 : vector<1024x1024xf32>
    %reduce_sum3A_32 = arith.constant dense<0.000000e+00> : vector<1024xf32>
    %reduce_sum3A_33 = vector.multi_reduction <add>, %mul3A_31, %reduce_sum3A_32 [1] : vector<1024x1024xf32> to vector<1024xf32>
    %broadcast_in_dim3A_34 = vector.shape_cast %reduce_sum3A_33 : vector<1024xf32> to vector<1024x1xf32>
    %div3A_35 = arith.constant 1.024000e+03 : f32
    %div3A_36 = vector.broadcast %div3A_35 : f32 to vector<1024x1xf32>
    %div3A_37 = arith.divf %broadcast_in_dim3A_34, %div3A_36 : vector<1024x1xf32>
    %add3A_38 = arith.constant 9.99999996E-13 : f32
    %add3A_39 = vector.broadcast %add3A_38 : f32 to vector<1024x1xf32>
    %add3A_40 = arith.addf %div3A_37, %add3A_39 : vector<1024x1xf32>
    %rsqrt3A = math.rsqrt %add3A_40 : vector<1024x1xf32>
    %mul3A_41 = vector.broadcast %rsqrt3A : vector<1024x1xf32> to vector<1024x1024xf32>
    %mul3A_42 = arith.mulf %sub3A_30, %mul3A_41 : vector<1024x1024xf32>
    %get3A_43 = arith.constant 0 : index
    %get3A_44 = arith.constant 0 : index
    %get3A_45 = vector.load %arg7[%get3A_43, %get3A_44] : memref<1x1024xf32, #tpu.memory_space<vmem>>, vector<1x1024xf32>
    %get3A_46 = vector.shape_cast %get3A_45 : vector<1x1024xf32> to vector<1024xf32>
    %broadcast_in_dim3A_47 = vector.shape_cast %get3A_46 : vector<1024xf32> to vector<1x1024xf32>
    %mul3A_48 = vector.broadcast %broadcast_in_dim3A_47 : vector<1x1024xf32> to vector<1024x1024xf32>
    %mul3A_49 = arith.mulf %mul3A_42, %mul3A_48 : vector<1024x1024xf32>
    %get3A_50 = arith.constant 0 : index
    %get3A_51 = arith.constant 0 : index
    %get3A_52 = vector.load %arg8[%get3A_50, %get3A_51] : memref<1x1024xf32, #tpu.memory_space<vmem>>, vector<1x1024xf32>
    %get3A_53 = vector.shape_cast %get3A_52 : vector<1x1024xf32> to vector<1024xf32>
    %broadcast_in_dim3A_54 = vector.shape_cast %get3A_53 : vector<1024xf32> to vector<1x1024xf32>
    %add3A_55 = vector.broadcast %broadcast_in_dim3A_54 : vector<1x1024xf32> to vector<1024x1024xf32>
    %add3A_56 = arith.addf %mul3A_49, %add3A_55 : vector<1024x1024xf32>
    %swap3A = arith.constant 0 : index
    %swap3A_57 = arith.constant 0 : index
    %swap3A_58 = vector.load %arg9[%swap3A, %swap3A_57] : memref<1024x1024xf32, #tpu.memory_space<vmem>>, vector<1024x1024xf32>
    tpu.vector_store %arg9[%swap3A, %swap3A_57], %add3A_56 {strides = array<i32>} : memref<1024x1024xf32, #tpu.memory_space<vmem>>, vector<1024x1024xf32>,
    return
  }
  func.func @transform_1(%arg0: i32, %arg1: i32) -> (i32, i32) {
    %mul3A = arith.constant 1 : i32
    %mul3A_0 = arith.muli %arg1, %mul3A : i32
    %add3A = arith.addi %mul3A_0, %arg0 : i32
    %c0_i32 = arith.constant 0 : i32
    %c0_i32_1 = arith.constant 0 : i32
    return %add3A, %c0_i32 : i32, i32
  }
  func.func @transform_2(%arg0: i32, %arg1: i32) -> (i32, i32, i32) {
    %mul3A = arith.constant 1 : i32
    %mul3A_0 = arith.muli %arg1, %mul3A : i32
    %add3A = arith.addi %mul3A_0, %arg0 : i32
    %c0_i32 = arith.constant 0 : i32
    %c0_i32_1 = arith.constant 0 : i32
    %c0_i32_2 = arith.constant 0 : i32
    return %add3A, %c0_i32, %c0_i32_1 : i32, i32, i32
  }
  func.func @transform_3(%arg0: i32, %arg1: i32) -> (i32, i32) {
    %c0_i32 = arith.constant 0 : i32
    %c0_i32_0 = arith.constant 0 : i32
    %c0_i32_1 = arith.constant 0 : i32
    return %c0_i32, %c0_i32_0 : i32, i32
  }
  func.func @transform_4(%arg0: i32, %arg1: i32) -> (i32, i32) {
    %add3A = arith.constant 3 : i32
    %add3A_0 = arith.addi %add3A, %arg0 : i32
    %c0_i32 = arith.constant 0 : i32
    %c0_i32_1 = arith.constant 0 : i32
    return %add3A_0, %c0_i32 : i32, i32
  }
  func.func @transform_5(%arg0: i32, %arg1: i32) -> (i32, i32) {
    %c0_i32 = arith.constant 0 : i32
    %c0_i32_0 = arith.constant 0 : i32
    %c0_i32_1 = arith.constant 0 : i32
    return %c0_i32, %c0_i32_0 : i32, i32
  }
  func.func @transform_6(%arg0: i32, %arg1: i32) -> (i32, i32) {
    %c0_i32 = arith.constant 0 : i32
    %c0_i32_0 = arith.constant 0 : i32
    %c0_i32_1 = arith.constant 0 : i32
    return %c0_i32, %c0_i32_0 : i32, i32
  }
  func.func @transform_7(%arg0: i32, %arg1: i32) -> (i32, i32) {
    %mul3A = arith.constant 4 : i32
    %mul3A_0 = arith.muli %arg1, %mul3A : i32
    %add3A = arith.constant 3 : i32
    %add3A_1 = arith.addi %mul3A_0, %add3A : i32
    %add3A_2 = arith.addi %add3A_1, %arg0 : i32
    %c0_i32 = arith.constant 0 : i32
    %c0_i32_3 = arith.constant 0 : i32
    return %add3A_2, %c0_i32 : i32, i32
  }
}

</mosaic_0001>

<sc_bundles>
// kernel: kernel.10.cloned.1.call-start
scs
__scs_entry_jumppad:
0x0: {  	(pc) =	sbr.rel $0x88, $3  }
0x1: {  	(tag) =	ssettag $0x0;
	lr =	simm.s32 $0x1  }
0x2: {  	[smem:$0x3F9A] =	sst lr;
	_ =	strace $0xD0000000  }
0x3: {  	_ = 	snop  }
0x4: {  	_ = 	snop  }
0x5: {  	_ = 	snop  }
0x6: {  	_ = 	snop  }
0x7: {  	_ = 	snop  }
__scs_overlays_trampoline_lowered:
0x8: {  	[smem:$0x3FA9] =	sst s0  }
0x9: {  	[smem:$0x3FAA] =	sst s1  }
0xa: {  	[smem:$0x3FAB] =	sst s2  }
0xb: {  	[smem:$0x3FAC] =	sst s3  }
0xc: {  	[smem:$0x3FAD] =	sst s4  }
0xd: {  	[smem:$0x3FAE] =	sst s5  }
0xe: {  	[smem:$0x3FAF] =	sst s6  }
0xf: {  	[smem:$0x3FB0] =	sst s7  }
0x10: {  	[smem:$0x3FB1] =	sst s8  }
0x11: {  	[smem:$0x3FB2] =	sst s9;
	s0 =	simm.s32 @!p0 $0x0  }
0x12: {  	s1 =	sld [smem:$0x3F98];
	s0 =	simm.s32 @p0 $0x1  }
0x13: {  	[smem:$0x3FB3] =	sst s0;
	s0 =	simm.s32 @!p1 $0x0  }
0x14: {  	s2 =	sld [smem:$0x3F97];
	s0 =	simm.s32 @p1 $0x1  }
0x15: {  	[smem:$0x3FB4] =	sst s0;
	s0 =	simm.s32 @!p2 $0x0  }
0x16: {  	s3 =	sld [smem:$0x3FDB];
	s0 =	simm.s32 @p2 $0x1  }
0x17: {  	s4 =	simm.s32 $0x1BF5;
	[smem:$0x3FB6] =	sst s0  }
0x18: {  	s0 =	sld [smem:$0x3F99];
	_ =	swait.ge [sflag:s4], $0x0  }
0x19: {  	s7 =	sld [smem:$0x3F9A]  }
0x1a: {  	s8 =	sadd.s32 $0xFFFFE003, lr  }
0x1b: {  	s9 =	sadd.s32 $0xFFFFFEF7, lr;
	s5 =	simm.s32 $0xFFFFFFFF;
	p2 =	slt.u32 s8, $0xFFFFF086  }
0x1c: {  	p1 =	slt.u32 s9, $0xF7A;
	s5 =	simm.s32 @!p2 $0x0  }
0x1d: {  	s5 =	simm.s32 @p1 $0x1;
	p0 =	seq.s32 s7, s2  }
0x1e: {  	s7 =	smul.u32 @!p0 $0xF7A, s2;
	p2 =	seq.s32 @!p0 s5, $0x0  }
0x1f: {  	s9 =	smul.u32 $0xF7A, s1;
	s8 =	simm.s32 @!p0 $0x1BF5;
	p2 =	por !p2, p0  }
0x20: {  	[sflag:s8] =	ssyncset.s32 @!p0 $0xFFFFF086;
	s6 =	sadd.s32 @!p0 s3, s7;
	s7 =	simm.s32 @!p0 $0x108  }
0x21: {  	s3 =	sadd.s32 s3, s9;
	s6 =	sadd.s32 @!p0 $0x88, s6;
	s7 =	simm.s32 @p2 $0x1082  }
0x22: {  	[simem:s7], [sflag:s8] =	dma.local @!p0 [hbm:s6], $0xF7A  }
0x23: {  	s9 =	sor.u32 $0xD0000000, s2;
	s6 =	simm.s32 $0x108;
	_ =	swait.ge @!p0 [sflag:s8], $0x0  }
0x24: {  	s3 =	sadd.s32 $0x88, s3;
	s6 =	simm.s32 @!p1 $0x1082;
	[sflag:s4] =	ssyncset.s32 $0xFFFFF086  }
0x25: {  	[simem:s6], [sflag:s4] =	dma.local [hbm:s3], $0xF7A  }
0x26: {  	[smem:$0x3F9A] =	sst s1;
	(tag) =	ssettag s2;
	_ =	strace s9  }
0x27: {  	s1 =	sld [smem:$0x3FAA]  }
0x28: {  	s2 =	sld [smem:$0x3FAB]  }
0x29: {  	s4 =	sld [smem:$0x3FAD]  }
0x2a: {  	p0 =	seq.s32 s5, $0x0;
	s5 =	sld [smem:$0x3FAE]  }
0x2b: {  	s6 =	sld [smem:$0x3FAF]  }
0x2c: {  	s7 =	sld [smem:$0x3FB0]  }
0x2d: {  	s3 =	simm.s32 $0x108;
	s8 =	sld [smem:$0x3FB1]  }
0x2e: {  	s3 =	simm.s32 @!p0 $0x1082;
	s9 =	sld [smem:$0x3FB2]  }
0x2f: {  	lr =	sadd.s32 s0, s3;
	s0 =	sld [smem:$0x3FA9]  }
0x30: {  	s3 =	sld [smem:$0x3FAC]  }
0x31: {  	[smem:$0x3FB5] =	sst s10  }
0x32: {  	s10 =	sld [smem:$0x3FB3];
	_ =	sdelay $0x3  }
0x33: {  	p0 =	seq.s32 s10, $0x1;
	s10 =	sld [smem:$0x3FB5];
	_ =	sdelay $0x3  }
0x34: {  	[smem:$0x3FB5] =	sst s10  }
0x35: {  	s10 =	sld [smem:$0x3FB4];
	_ =	sdelay $0x3  }
0x36: {  	p1 =	seq.s32 s10, $0x1;
	s10 =	sld [smem:$0x3FB5];
	_ =	sdelay $0x3  }
0x37: {  	[smem:$0x3FB5] =	sst s10  }
0x38: {  	s10 =	sld [smem:$0x3FB6]  }
0x39: {  	_ = 	snop;
	(pc) =	sbr.ind lr, $3  }
0x3a: {  	_ = 	snop  }
0x3b: {  	_ = 	snop  }
0x3c: {  	p2 =	seq.s32 s10, $0x1;
	s10 =	sld [smem:$0x3FB5]  }
0x3d: {  	_ =	shalt  }
0x3e: {  	_ =	shalt  }
0x3f: {  	_ =	shalt  }
0x40: {  	_ =	shalt  }
0x41: {  	_ =	shalt  }
0x42: {  	_ =	shalt  }
0x43: {  	_ =	shalt  }
0x44: {  	_ =	shalt  }
0x45: {  	_ =	shalt  }
0x46: {  	_ =	shalt  }
0x47: {  	_ =	shalt  }
0x48: {  	_ =	shalt  }
0x49: {  	_ =	shalt  }
0x4a: {  	_ =	shalt  }
0x4b: {  	_ =	shalt  }
0x4c: {  	_ =	shalt  }
0x4d: {  	_ =	shalt  }
0x4e: {  	_ =	shalt  }
0x4f: {  	_ =	shalt  }
0x50: {  	_ =	shalt  }
0x51: {  	_ =	shalt  }
0x52: {  	_ =	shalt  }
0x53: {  	_ =	shalt  }
0x54: {  	_ =	shalt  }
0x55: {  	_ =	shalt  }
0x56: {  	_ =	shalt  }
0x57: {  	_ =	shalt  }
0x58: {  	_ =	shalt  }
0x59: {  	_ =	shalt  }
0x5a: {  	_ =	shalt  }
0x5b: {  	_ =	shalt  }
0x5c: {  	_ =	shalt  }
0x5d: {  	_ =	shalt  }
0x5e: {  	_ =	shalt  }
0x5f: {  	_ =	shalt  }
0x60: {  	_ =	shalt  }
0x61: {  	_ =	shalt  }
0x62: {  	_ =	shalt  }
0x63: {  	_ =	shalt  }
0x64: {  	_ =	shalt  }
0x65: {  	_ =	shalt  }
0x66: {  	_ =	shalt  }
0x67: {  	_ =	shalt  }
0x68: {  	_ =	shalt  }
0x69: {  	_ =	shalt  }
0x6a: {  	_ =	shalt  }
0x6b: {  	_ =	shalt  }
0x6c: {  	_ =	shalt  }
0x6d: {  	_ =	shalt  }
0x6e: {  	_ =	shalt  }
0x6f: {  	_ =	shalt  }
0x70: {  	_ =	shalt  }
0x71: {  	_ =	shalt  }
0x72: {  	_ =	shalt  }
0x73: {  	_ =	shalt  }
0x74: {  	_ =	shalt  }
0x75: {  	_ =	shalt  }
0x76: {  	_ =	shalt  }
0x77: {  	_ =	shalt  }
0x78: {  	_ =	shalt  }
0x79: {  	_ =	shalt  }
0x7a: {  	_ =	shalt  }
0x7b: {  	_ =	shalt  }
0x7c: {  	_ =	shalt  }
0x7d: {  	_ =	shalt  }
0x7e: {  	_ =	shalt  }
0x7f: {  	_ =	shalt  }
0x80: {  	_ =	shalt  }
0x81: {  	_ =	shalt  }
0x82: {  	_ =	shalt  }
0x83: {  	_ =	shalt  }
0x84: {  	_ =	shalt  }
0x85: {  	_ =	shalt  }
0x86: {  	_ =	shalt  }
0x87: {  	_ =	shalt  }
.Lfunc_end0:
.L_simem_size_0:
called_computation_lowered:
.L_overlay_start_0:
0x88: {  	s2 =	sld [smem:$0x3FD9]  }
0x89: {  	s3 =	sld [smem:$0x3FFE];
	_ =	sdelay $0x1  }
0x8a: {  	s1 =	srdreg.scid  }
0x8b: {  	s0 =	sand.u32 $0x1, s1  }
0x8c: {  	s17 =	sshll.u32 s0, $0xA;
	s2 =	sadd.s32 s3, s2  }
0x8d: {  	s2 =	sadd.s32 s2, s17  }
0x8e: {  	[smem:$0x3FC1] =	sst s2  }
0x8f: {  	_ = 	snop  }
0x90: {  	s2 =	sld [smem:$0x3FC7]  }
0x91: {  	s18 =	sld [smem:$0x3FD0];
	(tm) =	ssettm $0x1  }
0x92: {  	s4 =	sld [smem:$0x3FFB];
	_ =	sdelay $0x3  }
0x93: {  	_ =	strace s4  }
0x94: {  	s4 =	sld [smem:$0x3FFC];
	_ =	sdelay $0x3  }
0x95: {  	_ =	strace s4  }
0x96: {  	s4 =	sld [smem:$0x3FFD];
	_ =	sdelay $0x3  }
0x97: {  	_ =	strace s4  }
0x98: {  	_ =	strace $0x8FFFFFFF  }
0x99: {  	s19 =	sld [smem:$0x3FDB];
	_ =	sdelay $0x1  }
0x9a: {  	s5 =	simm.s32 $_scs_section_size  }
0x9b: {  	s6 =	simm.s32 $_size__tile_overlayer_lowered;
	s7 =	simm.s32 $_tile_overlayer_lowered  }
0x9c: {  	s22 =	simm.s32 $0x1BFF;
	s21 =	sshll.u32 s7, $0x1;
	s4 =	sadd.s32 s5, s19  }
0x9d: {  	s8 =	simm.s32 $0x0;
	s20 =	sshll.u32 s6, $0x1;
	s6 =	sadd.s32 s21, s4  }
0x9e: {  	[timem:s8], [sflag:s22] =	dma.local [hbm:s6], s20  }
0x9f: {  	_ =	swait.ge [sflag:s22], s20  }
0xa0: {  	s5 =	ssub.s32 $0x0, s20;
	[sflag:s22] =	ssyncset.done $0x0  }
0xa1: {  	[sflag:s22] =	ssyncadd.s32 s5;
	_ =	sdelay $0x1  }
0xa2: {  	s23 =	simm.s32 $0x1B8B  }
0xa3: {  	_ =	swait.ge [sflag:s23], $0x1  }
0xa4: {  	[sflag:s23] =	ssyncset.done $0x0  }
0xa5: {  	s25 =	simm.s32 $0x1B8E;
	s24 =	sld [smem:$0x3FFE];
	[sflag:s23] =	ssyncadd.s32 $0xFFFFFFFF  }
0xa6: {  	s26 =	simm.s32 $execute0_lowered;
	[smem:$0x3FD2] =	sst s25  }
0xa7: {  	s6 =	sshll.u32 s26, $0x1;
	_ =	strace $0x80000046;
	[dreg:$0x1] =	wrdreg $0xFFFFFFFF  }
0xa8: {  	s28 =	simm.s32 $_size_execute0_lowered;
	s4 =	sadd.s32 s4, s6;
	[dreg:$0x0] =	wrdreg $0x0  }
0xa9: {  	s6 =	sshll.u32 s28, $0x1;
	[dreg:$0x2] =	wrdreg s4  }
0xaa: {  	[dreg:$0x3] =	wrdreg s6  }
0xab: {  	[dreg:$0x4] =	wrdreg $0xC0  }
0xac: {  	_ =	task [dreg:s8], $0x5FFFF  }
0xad: {  	[dreg:$0x1] =	wrdreg $0xFFFFFFFF  }
0xae: {  	[dreg:$0x0] =	wrdreg $0x60  }
0xaf: {  	[dreg:$0x2] =	wrdreg s2  }
0xb0: {  	[dreg:$0x3] =	wrdreg s24  }
0xb1: {  	[dreg:$0x4] =	wrdreg s18  }
0xb2: {  	[dreg:$0x5] =	wrdreg $0x9  }
0xb3: {  	_ =	task.clear_ibuf [dreg:s8], $0x6FFFF;
	_ =	strace $0x90000046  }
0xb4: {  	s29 =	simm.s32 $0x9;
	_ =	strace $0x80000048  }
0xb5: {  	_ =	swait.ge [sflag:s29], $0x1  }
0xb6: {  	[sflag:s29] =	ssyncadd.s32 $0xFFFFFFFF  }
0xb7: {  	_ =	strace $0x90000048  }
0xb8: {  	_ =	sfence  }
0xb9: {  	s30 =	sld [smem:$0x0];
	_ =	sdelay $0x2  }
0xba: {  	s31 =	sshll.u32 s1, $0xD;
	s1 =	sshrl.u32 s1, $0x2  }
0xbb: {  	s3 =	sand.u32 $0x4000, s31;
	s1 =	sadd.s32 s1, s30  }
0xbc: {  	s0 =	sor.u32 s3, s0;
	s1 =	sshll.u32 s1, $0x11  }
0xbd: {  	s0 =	sor.u32 s1, s0  }
0xbe: {  	s0 =	sadd.s32 $0x8F2B, s0  }
0xbf: {  	[sflag:s0] =	ssyncadd.remote.s32 $0x1  }
0xc0: {  	_ =	sfence.sel $0xFFFF  }
0xc1: {  	[dreg:$0x0] =	wrdreg $0xFFFFFFFF;
	(pc) =	sbr.abs _section_cstart, $3  }
0xc2: {  	[dreg:$0x1] =	wrdreg $0xFFFFFFFF  }
0xc3: {  	_ =	task.clear_ibuf [dreg:s8], $0x2FFFF;
	_ =	strace $0x9FFFFFFF  }
0xc4: {  	(tm) =	ssettm $0x7FFFFFFF  }
0xc5: {  	_ =	shalt  }
tec
execute0_lowered:
.L_overlay_start_1:
0x0: {  	(tag) =	ssettag $0x1  }
0x1: {  	s1 =	rddreg [dreg:$0x0];
	s0 =	srdreg.scid  }
0x2: {  	s3 =	stileid.u32;
	s2 =	rddreg [dreg:$0x1]  }
0x3: {  	s4 =	rddreg [dreg:$0x2];
	s28 =	simm.s32 $0x4;
	s29 =	simm.s32 $0x7  }
0x4: {  	s30 =	simm.s32 $0x8;
	s18 =	simm.s32 $0x400;
	s11 =	simm.s32 $0x1C00  }
0x5: {  	s14 =	simm.s32 $0x2400;
	s15 =	simm.s32 $0x2C00;
	s16 =	simm.s32 $0x3400  }
0x6: {  	s17 =	simm.s32 $0x3C00;
	s19 =	simm.s32 $0x4C00;
	s9 =	simm.s32 $0x6C00  }
0x7: {  	s10 =	simm.s32 $0x7400;
	s0 =	sand.u32 $0x1, s0;
	s3 =	sshll.u32 s3, $0x1  }
0x8: {  	s13 =	simm.s32 $0x7C00;
	s12 =	simm.s32 $0x8400;
	s5 =	sor.u32 s0, s3  }
0x9: {  	s3 =	simm.s32 $0x0;
	s6 =	sshll.u32 s5, $0x7;
	s5 =	sshll.u32 s5, $0xE  }
0xa: {  	[smem:$0x7FF] =	sst s3;
	s2 =	sadd.s32 s6, s2;
	s4 =	sadd.s32 s4, s5  }
0xb: {  	_ =	strace $0x80000047;
	s2 =	sadd.s32 $0x3000, s2;
	[dreg:$0xc] =	wrdreg s4  }
0xc: {  	s7 =	sadd.s32 $0x300, s1;
	s20 =	sadd.s32 $0x800, s4;
	[dreg:$0x4] =	wrdreg s2  }
0xd: {  	s0 =	ssub.s32 $0x2, s0;
	s21 =	sadd.s32 $0x1000, s4;
	[dreg:$0x5] =	wrdreg s20  }
0xe: {  	s24 =	sshrl.u32 s0, $0x1;
	s22 =	sadd.s32 $0x1800, s4;
	[dreg:$0x6] =	wrdreg s21  }
0xf: {  	s0 =	ssub.s32 s0, s24;
	s23 =	sadd.s32 $0x2000, s4;
	[dreg:$0x7] =	wrdreg s22  }
0x10: {  	s5 =	sadd.s32 $0x100, s1;
	s25 =	sadd.s32 $0x2800, s4;
	[dreg:$0x8] =	wrdreg s23  }
0x11: {  	s6 =	sadd.s32 $0x200, s1;
	s26 =	sadd.s32 $0x3000, s4;
	[dreg:$0x9] =	wrdreg s25  }
0x12: {  	v2 =	vlaneseq.u32;
	s31 =	sadd.s32 $0x3800, s4;
	s8 =	smax.u32 s0, $0x1;
	[dreg:$0xa] =	wrdreg s26  }
0x13: {  	vm0 =	vmmov $0xffff;
	v1 =	vshrl.u32 v2, $0x3;
	[dreg:$0xb] =	wrdreg s31;
	s26 =	simm.s32 $0x4400;
	s20 =	simm.s32 $0x5400  }
0x14: {  	v0 =	vand.u32 $0x7, v2;
	v2 =	vor.u32 $0x8, v2;
	v1 =	vmul.u32 $0x8, v1;
	s21 =	simm.s32 $0x6400;
	s23 =	simm.s32 $0x1;
	s25 =	simm.s32 $0x5  }
.LBB2_1:
0x15: {  	s31 =	rddreg [dreg:$0x4];
	s0 =	simm.s32 $0x9  }
0x16: {  	[tilespmem:s3], [sflag:$0x9] =	stream.linear.gather [hbm4b:s31+s3], $0x400, $0x38;
	[tilespmem:$0x10400] =	vst v63  }
0x17: {  	_ =	swait.ge [sflag:s0], $0x400  }
0x18: {  	[sflag:s0] =	ssyncset.done $0x0  }
0x19: {  	[sflag:s0] =	ssyncadd.s32 $0xFFFFFC00  }
0x1a: {  	v3 =	vld [tilespmem:$0x0];
	_ =	sdelay $0x4  }
0x1b: {  	v4 =	vshll.u32 v3, $0x3  }
0x1c: {  	v3 =	vand.u32 $0x7, v3;
	v4 =	vand.u32 $0xFFFFFFC0, v4  }
0x1d: {  	v3 =	vor.u32 v3, v4  }
0x1e: {  	v4 =	vperm.xlane v3, v0;
	_ =	sdelay $0x1  }
0x1f: {  	v4 =	vadd.s32 v1, v4;
	_ =	sdelay $0x4  }
0x20: {  	[tilespmem:s18], [sflag:$0x1] =	stream.indirect_vreg.gather [hbm4b:s1+s3], $0x80, v4, vm0, $0xb8;
	[tilespmem:$0x10400] =	vst v63  }
0x21: {  	s2 =	simm.s32 $0xC00;
	v3 =	vperm.xlane v3, v2  }
0x22: {  	[tilespmem:s2], [sflag:$0x1] =	stream.indirect_vreg.gather [hbm4b:s5+s3], $0x80, v4, vm0, $0xb8;
	[tilespmem:$0x10400] =	vst v63  }
0x23: {  	s0 =	simm.s32 $0x1400;
	v3 =	vadd.s32 v1, v3  }
0x24: {  	[tilespmem:s0], [sflag:$0x1] =	stream.indirect_vreg.gather [hbm4b:s6+s3], $0x80, v4, vm0, $0xb8;
	[tilespmem:$0x10400] =	vst v63  }
0x25: {  	_ = 	snop  }
0x26: {  	[tilespmem:s11], [sflag:$0x1] =	stream.indirect_vreg.gather [hbm4b:s7+s3], $0x80, v4, vm0, $0xb8;
	[tilespmem:$0x10400] =	vst v63  }
0x27: {  	_ = 	snop  }
0x28: {  	[tilespmem:s14], [sflag:$0x1] =	stream.indirect_vreg.gather [hbm4b:s1+s3], $0x80, v3, vm0, $0xb8;
	[tilespmem:$0x10400] =	vst v63  }
0x29: {  	_ = 	snop  }
0x2a: {  	[tilespmem:s15], [sflag:$0x1] =	stream.indirect_vreg.gather [hbm4b:s5+s3], $0x80, v3, vm0, $0xb8;
	[tilespmem:$0x10400] =	vst v63  }
0x2b: {  	_ = 	snop  }
0x2c: {  	[tilespmem:s16], [sflag:$0x1] =	stream.indirect_vreg.gather [hbm4b:s6+s3], $0x80, v3, vm0, $0xb8;
	[tilespmem:$0x10400] =	vst v63  }
0x2d: {  	_ = 	snop  }
0x2e: {  	[tilespmem:s17], [sflag:$0x1] =	stream.indirect_vreg.gather [hbm4b:s7+s3], $0x80, v3, vm0, $0xb8;
	[tilespmem:$0x10400] =	vst v63  }
0x2f: {  	v3 =	vld [tilespmem:$0x80];
	_ =	sdelay $0x4  }
0x30: {  	v57 =	vshll.u32 v3, $0x3  }
0x31: {  	v3 =	vand.u32 $0x7, v3;
	v4 =	vand.u32 $0xFFFFFFC0, v57  }
0x32: {  	v3 =	vor.u32 v3, v4  }
0x33: {  	v4 =	vperm.xlane v3, v0;
	_ =	sdelay $0x1  }
0x34: {  	v4 =	vadd.s32 v1, v4;
	_ =	sdelay $0x4  }
0x35: {  	[tilespmem:s26], [sflag:$0x2] =	stream.indirect_vreg.gather [hbm4b:s1+s3], $0x80, v4, vm0, $0xb8;
	[tilespmem:$0x10400] =	vst v63  }
0x36: {  	v3 =	vperm.xlane v3, v2  }
0x37: {  	[tilespmem:s19], [sflag:$0x2] =	stream.indirect_vreg.gather [hbm4b:s5+s3], $0x80, v4, vm0, $0xb8;
	[tilespmem:$0x10400] =	vst v63  }
0x38: {  	v3 =	vadd.s32 v1, v3  }
0x39: {  	[tilespmem:s20], [sflag:$0x2] =	stream.indirect_vreg.gather [hbm4b:s6+s3], $0x80, v4, vm0, $0xb8;
	[tilespmem:$0x10400] =	vst v63  }
0x3a: {  	s4 =	simm.s32 $0x5C00  }
0x3b: {  	[tilespmem:s4], [sflag:$0x2] =	stream.indirect_vreg.gather [hbm4b:s7+s3], $0x80, v4, vm0, $0xb8;
	[tilespmem:$0x10400] =	vst v63  }
0x3c: {  	_ = 	snop  }
0x3d: {  	[tilespmem:s21], [sflag:$0x2] =	stream.indirect_vreg.gather [hbm4b:s1+s3], $0x80, v3, vm0, $0xb8;
	[tilespmem:$0x10400] =	vst v63  }
0x3e: {  	_ = 	snop  }
0x3f: {  	[tilespmem:s9], [sflag:$0x2] =	stream.indirect_vreg.gather [hbm4b:s5+s3], $0x80, v3, vm0, $0xb8;
	[tilespmem:$0x10400] =	vst v63  }
0x40: {  	_ = 	snop  }
0x41: {  	[tilespmem:s10], [sflag:$0x2] =	stream.indirect_vreg.gather [hbm4b:s6+s3], $0x80, v3, vm0, $0xb8;
	[tilespmem:$0x10400] =	vst v63  }
0x42: {  	_ = 	snop  }
0x43: {  	[tilespmem:s13], [sflag:$0x2] =	stream.indirect_vreg.gather [hbm4b:s7+s3], $0x80, v3, vm0, $0xb8;
	[tilespmem:$0x10400] =	vst v63  }
0x44: {  	v3 =	vld [tilespmem:$0x100];
	_ =	sdelay $0x4  }
0x45: {  	v58 =	vshll.u32 v3, $0x3  }
0x46: {  	v3 =	vand.u32 $0x7, v3;
	v4 =	vand.u32 $0xFFFFFFC0, v58  }
0x47: {  	v3 =	vor.u32 v3, v4  }
0x48: {  	v4 =	vperm.xlane v3, v0;
	_ =	sdelay $0x1  }
0x49: {  	v4 =	vadd.s32 v1, v4;
	_ =	sdelay $0x4  }
0x4a: {  	[tilespmem:s12], [sflag:$0x3] =	stream.indirect_vreg.gather [hbm4b:s1+s3], $0x80, v4, vm0, $0xb8;
	[tilespmem:$0x10400] =	vst v63  }
0x4b: {  	s22 =	simm.s32 $0x8C00;
	v3 =	vperm.xlane v3, v2  }
0x4c: {  	[tilespmem:s22], [sflag:$0x3] =	stream.indirect_vreg.gather [hbm4b:s5+s3], $0x80, v4, vm0, $0xb8;
	[tilespmem:$0x10400] =	vst v63  }
0x4d: {  	s24 =	simm.s32 $0x9400;
	v3 =	vadd.s32 v1, v3  }
0x4e: {  	[tilespmem:s24], [sflag:$0x3] =	stream.indirect_vreg.gather [hbm4b:s6+s3], $0x80, v4, vm0, $0xb8;
	[tilespmem:$0x10400] =	vst v63  }
0x4f: {  	s31 =	simm.s32 $0x9C00  }
0x50: {  	[tilespmem:s31], [sflag:$0x3] =	stream.indirect_vreg.gather [hbm4b:s7+s3], $0x80, v4, vm0, $0xb8;
	[tilespmem:$0x10400] =	vst v63  }
0x51: {  	s24 =	simm.s32 $0xA400  }
0x52: {  	[tilespmem:s24], [sflag:$0x3] =	stream.indirect_vreg.gather [hbm4b:s1+s3], $0x80, v3, vm0, $0xb8;
	[tilespmem:$0x10400] =	vst v63  }
0x53: {  	s31 =	simm.s32 $0xAC00  }
0x54: {  	[tilespmem:s31], [sflag:$0x3] =	stream.indirect_vreg.gather [hbm4b:s5+s3], $0x80, v3, vm0, $0xb8;
	[tilespmem:$0x10400] =	vst v63  }
0x55: {  	s24 =	simm.s32 $0xB400  }
0x56: {  	[tilespmem:s24], [sflag:$0x3] =	stream.indirect_vreg.gather [hbm4b:s6+s3], $0x80, v3, vm0, $0xb8;
	[tilespmem:$0x10400] =	vst v63  }
0x57: {  	s31 =	simm.s32 $0xBC00  }
0x58: {  	[tilespmem:s31], [sflag:$0x3] =	stream.indirect_vreg.gather [hbm4b:s7+s3], $0x80, v3, vm0, $0xb8;
	[tilespmem:$0x10400] =	vst v63  }
0x59: {  	_ =	swait.ge [sflag:s23], $0x4000  }
0x5a: {  	[sflag:s23] =	ssyncset.done $0x0  }
0x5b: {  	s24 =	rddreg [dreg:$0xc];
	[sflag:s23] =	ssyncadd.s32 $0xFFFFC000  }
0x5c: {  	[hbm4b:s24+s3] =	stream.linear.scatter [tilespmem:s18], [sflag:$0x5], $0x4000, $0x38;
	[tilespmem:$0x10400] =	vst v63  }
0x5d: {  	v3 =	vld [tilespmem:$0x180];
	_ =	sdelay $0x4  }
0x5e: {  	v59 =	vshll.u32 v3, $0x3  }
0x5f: {  	v3 =	vand.u32 $0x7, v3;
	v4 =	vand.u32 $0xFFFFFFC0, v59  }
0x60: {  	v3 =	vor.u32 v3, v4  }
0x61: {  	v4 =	vperm.xlane v3, v0;
	_ =	sdelay $0x1  }
0x62: {  	v4 =	vadd.s32 v1, v4;
	_ =	sdelay $0x3  }
0x63: {  	s22 =	simm.s32 $0xC400  }
0x64: {  	[tilespmem:s22], [sflag:$0x4] =	stream.indirect_vreg.gather [hbm4b:s1+s3], $0x80, v4, vm0, $0xb8;
	[tilespmem:$0x10400] =	vst v63  }
0x65: {  	s24 =	simm.s32 $0xCC00;
	v3 =	vperm.xlane v3, v2  }
0x66: {  	[tilespmem:s24], [sflag:$0x4] =	stream.indirect_vreg.gather [hbm4b:s5+s3], $0x80, v4, vm0, $0xb8;
	[tilespmem:$0x10400] =	vst v63  }
0x67: {  	s31 =	simm.s32 $0xD400;
	v3 =	vadd.s32 v1, v3  }
0x68: {  	[tilespmem:s31], [sflag:$0x4] =	stream.indirect_vreg.gather [hbm4b:s6+s3], $0x80, v4, vm0, $0xb8;
	[tilespmem:$0x10400] =	vst v63  }
0x69: {  	s31 =	simm.s32 $0xDC00  }
0x6a: {  	[tilespmem:s31], [sflag:$0x4] =	stream.indirect_vreg.gather [hbm4b:s7+s3], $0x80, v4, vm0, $0xb8;
	[tilespmem:$0x10400] =	vst v63  }
0x6b: {  	s31 =	simm.s32 $0xE400  }
0x6c: {  	[tilespmem:s31], [sflag:$0x4] =	stream.indirect_vreg.gather [hbm4b:s1+s3], $0x80, v3, vm0, $0xb8;
	[tilespmem:$0x10400] =	vst v63  }
0x6d: {  	s31 =	simm.s32 $0xEC00  }
0x6e: {  	[tilespmem:s31], [sflag:$0x4] =	stream.indirect_vreg.gather [hbm4b:s5+s3], $0x80, v3, vm0, $0xb8;
	[tilespmem:$0x10400] =	vst v63  }
0x6f: {  	s31 =	simm.s32 $0xF400  }
0x70: {  	[tilespmem:s31], [sflag:$0x4] =	stream.indirect_vreg.gather [hbm4b:s6+s3], $0x80, v3, vm0, $0xb8;
	[tilespmem:$0x10400] =	vst v63  }
0x71: {  	s24 =	simm.s32 $0x2;
	s31 =	simm.s32 $0xFC00  }
0x72: {  	[tilespmem:s31], [sflag:$0x4] =	stream.indirect_vreg.gather [hbm4b:s7+s3], $0x80, v3, vm0, $0xb8;
	[tilespmem:$0x10400] =	vst v63  }
0x73: {  	_ =	swait.ge [sflag:s24], $0x4000  }
0x74: {  	[sflag:s24] =	ssyncset.done $0x0  }
0x75: {  	s31 =	rddreg [dreg:$0x5];
	[sflag:s24] =	ssyncadd.s32 $0xFFFFC000  }
0x76: {  	[hbm4b:s31+s3] =	stream.linear.scatter [tilespmem:s26], [sflag:$0x6], $0x4000, $0x38;
	[tilespmem:$0x10400] =	vst v63  }
0x77: {  	_ =	swait.ge [sflag:s25], $0x4000  }
0x78: {  	[sflag:s25] =	ssyncset.done $0x0  }
0x79: {  	[sflag:s25] =	ssyncadd.s32 $0xFFFFC000  }
0x7a: {  	v3 =	vld [tilespmem:$0x200];
	_ =	sdelay $0x4  }
0x7b: {  	v60 =	vshll.u32 v3, $0x3  }
0x7c: {  	v3 =	vand.u32 $0x7, v3;
	v4 =	vand.u32 $0xFFFFFFC0, v60  }
0x7d: {  	v3 =	vor.u32 v3, v4  }
0x7e: {  	v4 =	vperm.xlane v3, v0;
	_ =	sdelay $0x1  }
0x7f: {  	v4 =	vadd.s32 v1, v4;
	_ =	sdelay $0x4  }
0x80: {  	[tilespmem:s18], [sflag:$0x1] =	stream.indirect_vreg.gather [hbm4b:s1+s3], $0x80, v4, vm0, $0xb8;
	[tilespmem:$0x10400] =	vst v63  }
0x81: {  	v3 =	vperm.xlane v3, v2  }
0x82: {  	[tilespmem:s2], [sflag:$0x1] =	stream.indirect_vreg.gather [hbm4b:s5+s3], $0x80, v4, vm0, $0xb8;
	[tilespmem:$0x10400] =	vst v63  }
0x83: {  	v3 =	vadd.s32 v1, v3  }
0x84: {  	[tilespmem:s0], [sflag:$0x1] =	stream.indirect_vreg.gather [hbm4b:s6+s3], $0x80, v4, vm0, $0xb8;
	[tilespmem:$0x10400] =	vst v63  }
0x85: {  	_ = 	snop  }
0x86: {  	[tilespmem:s11], [sflag:$0x1] =	stream.indirect_vreg.gather [hbm4b:s7+s3], $0x80, v4, vm0, $0xb8;
	[tilespmem:$0x10400] =	vst v63  }
0x87: {  	_ = 	snop  }
0x88: {  	[tilespmem:s14], [sflag:$0x1] =	stream.indirect_vreg.gather [hbm4b:s1+s3], $0x80, v3, vm0, $0xb8;
	[tilespmem:$0x10400] =	vst v63  }
0x89: {  	_ = 	snop  }
0x8a: {  	[tilespmem:s15], [sflag:$0x1] =	stream.indirect_vreg.gather [hbm4b:s5+s3], $0x80, v3, vm0, $0xb8;
	[tilespmem:$0x10400] =	vst v63  }
0x8b: {  	_ = 	snop  }
0x8c: {  	[tilespmem:s16], [sflag:$0x1] =	stream.indirect_vreg.gather [hbm4b:s6+s3], $0x80, v3, vm0, $0xb8;
	[tilespmem:$0x10400] =	vst v63  }
0x8d: {  	s0 =	simm.s32 $0x3  }
0x8e: {  	[tilespmem:s17], [sflag:$0x1] =	stream.indirect_vreg.gather [hbm4b:s7+s3], $0x80, v3, vm0, $0xb8;
	[tilespmem:$0x10400] =	vst v63  }
0x8f: {  	_ =	swait.ge [sflag:s0], $0x4000  }
0x90: {  	[sflag:s0] =	ssyncset.done $0x0  }
0x91: {  	s2 =	rddreg [dreg:$0x6];
	[sflag:s0] =	ssyncadd.s32 $0xFFFFC000  }
0x92: {  	[hbm4b:s2+s3] =	stream.linear.scatter [tilespmem:s12], [sflag:$0x7], $0x4000, $0x38;
	[tilespmem:$0x10400] =	vst v63  }
0x93: {  	s2 =	simm.s32 $0x6  }
0x94: {  	_ =	swait.ge [sflag:s2], $0x4000  }
0x95: {  	[sflag:s2] =	ssyncset.done $0x0  }
0x96: {  	[sflag:s2] =	ssyncadd.s32 $0xFFFFC000  }
0x97: {  	v3 =	vld [tilespmem:$0x280];
	_ =	sdelay $0x4  }
0x98: {  	v61 =	vshll.u32 v3, $0x3  }
0x99: {  	v3 =	vand.u32 $0x7, v3;
	v4 =	vand.u32 $0xFFFFFFC0, v61  }
0x9a: {  	v3 =	vor.u32 v3, v4  }
0x9b: {  	v4 =	vperm.xlane v3, v0;
	_ =	sdelay $0x1  }
0x9c: {  	v4 =	vadd.s32 v1, v4;
	_ =	sdelay $0x4  }
0x9d: {  	[tilespmem:s26], [sflag:$0x2] =	stream.indirect_vreg.gather [hbm4b:s1+s3], $0x80, v4, vm0, $0xb8;
	[tilespmem:$0x10400] =	vst v63  }
0x9e: {  	v3 =	vperm.xlane v3, v2  }
0x9f: {  	[tilespmem:s19], [sflag:$0x2] =	stream.indirect_vreg.gather [hbm4b:s5+s3], $0x80, v4, vm0, $0xb8;
	[tilespmem:$0x10400] =	vst v63  }
0xa0: {  	v3 =	vadd.s32 v1, v3  }
0xa1: {  	[tilespmem:s20], [sflag:$0x2] =	stream.indirect_vreg.gather [hbm4b:s6+s3], $0x80, v4, vm0, $0xb8;
	[tilespmem:$0x10400] =	vst v63  }
0xa2: {  	_ = 	snop  }
0xa3: {  	[tilespmem:s4], [sflag:$0x2] =	stream.indirect_vreg.gather [hbm4b:s7+s3], $0x80, v4, vm0, $0xb8;
	[tilespmem:$0x10400] =	vst v63  }
0xa4: {  	_ = 	snop  }
0xa5: {  	[tilespmem:s21], [sflag:$0x2] =	stream.indirect_vreg.gather [hbm4b:s1+s3], $0x80, v3, vm0, $0xb8;
	[tilespmem:$0x10400] =	vst v63  }
0xa6: {  	_ = 	snop  }
0xa7: {  	[tilespmem:s9], [sflag:$0x2] =	stream.indirect_vreg.gather [hbm4b:s5+s3], $0x80, v3, vm0, $0xb8;
	[tilespmem:$0x10400] =	vst v63  }
0xa8: {  	_ = 	snop  }
0xa9: {  	[tilespmem:s10], [sflag:$0x2] =	stream.indirect_vreg.gather [hbm4b:s6+s3], $0x80, v3, vm0, $0xb8;
	[tilespmem:$0x10400] =	vst v63  }
0xaa: {  	_ = 	snop  }
0xab: {  	[tilespmem:s13], [sflag:$0x2] =	stream.indirect_vreg.gather [hbm4b:s7+s3], $0x80, v3, vm0, $0xb8;
	[tilespmem:$0x10400] =	vst v63  }
0xac: {  	_ =	swait.ge [sflag:s28], $0x4000  }
0xad: {  	[sflag:s28] =	ssyncset.done $0x0  }
0xae: {  	s4 =	rddreg [dreg:$0x7];
	[sflag:s28] =	ssyncadd.s32 $0xFFFFC000  }
0xaf: {  	[hbm4b:s4+s3] =	stream.linear.scatter [tilespmem:s22], [sflag:$0x8], $0x4000, $0x38;
	[tilespmem:$0x10400] =	vst v63  }
0xb0: {  	_ =	swait.ge [sflag:s29], $0x4000  }
0xb1: {  	[sflag:s29] =	ssyncset.done $0x0  }
0xb2: {  	[sflag:s29] =	ssyncadd.s32 $0xFFFFC000  }
0xb3: {  	v3 =	vld [tilespmem:$0x300];
	_ =	sdelay $0x4  }
0xb4: {  	v62 =	vshll.u32 v3, $0x3  }
0xb5: {  	v3 =	vand.u32 $0x7, v3;
	v4 =	vand.u32 $0xFFFFFFC0, v62  }
0xb6: {  	v3 =	vor.u32 v3, v4  }
0xb7: {  	v4 =	vperm.xlane v3, v0;
	_ =	sdelay $0x1  }
0xb8: {  	v4 =	vadd.s32 v1, v4;
	_ =	sdelay $0x4  }
0xb9: {  	[tilespmem:s12], [sflag:$0x3] =	stream.indirect_vreg.gather [hbm4b:s1+s3], $0x80, v4, vm0, $0xb8;
	[tilespmem:$0x10400] =	vst v63  }
0xba: {  	s31 =	simm.s32 $0x8C00;
	v3 =	vperm.xlane v3, v2  }
0xbb: {  	[tilespmem:s31], [sflag:$0x3] =	stream.indirect_vreg.gather [hbm4b:s5+s3], $0x80, v4, vm0, $0xb8;
	[tilespmem:$0x10400] =	vst v63  }
0xbc: {  	v3 =	vadd.s32 v1, v3;
	s31 =	simm.s32 $0x9400  }
0xbd: {  	[tilespmem:s31], [sflag:$0x3] =	stream.indirect_vreg.gather [hbm4b:s6+s3], $0x80, v4, vm0, $0xb8;
	[tilespmem:$0x10400] =	vst v63  }
0xbe: {  	s31 =	simm.s32 $0x9C00  }
0xbf: {  	[tilespmem:s31], [sflag:$0x3] =	stream.indirect_vreg.gather [hbm4b:s7+s3], $0x80, v4, vm0, $0xb8;
	[tilespmem:$0x10400] =	vst v63  }
0xc0: {  	s31 =	simm.s32 $0xA400  }
0xc1: {  	[tilespmem:s31], [sflag:$0x3] =	stream.indirect_vreg.gather [hbm4b:s1+s3], $0x80, v3, vm0, $0xb8;
	[tilespmem:$0x10400] =	vst v63  }
0xc2: {  	s31 =	simm.s32 $0xAC00  }
0xc3: {  	[tilespmem:s31], [sflag:$0x3] =	stream.indirect_vreg.gather [hbm4b:s5+s3], $0x80, v3, vm0, $0xb8;
	[tilespmem:$0x10400] =	vst v63  }
0xc4: {  	s31 =	simm.s32 $0xB400  }
0xc5: {  	[tilespmem:s31], [sflag:$0x3] =	stream.indirect_vreg.gather [hbm4b:s6+s3], $0x80, v3, vm0, $0xb8;
	[tilespmem:$0x10400] =	vst v63  }
0xc6: {  	s31 =	simm.s32 $0xBC00  }
0xc7: {  	[tilespmem:s31], [sflag:$0x3] =	stream.indirect_vreg.gather [hbm4b:s7+s3], $0x80, v3, vm0, $0xb8;
	[tilespmem:$0x10400] =	vst v63  }
0xc8: {  	_ =	swait.ge [sflag:s23], $0x4000  }
0xc9: {  	[sflag:s23] =	ssyncset.done $0x0  }
0xca: {  	s4 =	rddreg [dreg:$0x8];
	[sflag:s23] =	ssyncadd.s32 $0xFFFFC000  }
0xcb: {  	[hbm4b:s4+s3] =	stream.linear.scatter [tilespmem:s18], [sflag:$0x5], $0x4000, $0x38;
	[tilespmem:$0x10400] =	vst v63  }
0xcc: {  	_ =	swait.ge [sflag:s30], $0x4000  }
0xcd: {  	[sflag:s30] =	ssyncset.done $0x0  }
0xce: {  	[sflag:s30] =	ssyncadd.s32 $0xFFFFC000  }
0xcf: {  	v3 =	vld [tilespmem:$0x380];
	_ =	sdelay $0x4  }
0xd0: {  	v63 =	vshll.u32 v3, $0x3  }
0xd1: {  	v3 =	vand.u32 $0x7, v3;
	v4 =	vand.u32 $0xFFFFFFC0, v63  }
0xd2: {  	v3 =	vor.u32 v3, v4  }
0xd3: {  	v4 =	vperm.xlane v3, v0;
	_ =	sdelay $0x1  }
0xd4: {  	v4 =	vadd.s32 v1, v4;
	_ =	sdelay $0x4  }
0xd5: {  	[tilespmem:s22], [sflag:$0x4] =	stream.indirect_vreg.gather [hbm4b:s1+s3], $0x80, v4, vm0, $0xb8;
	[tilespmem:$0x10400] =	vst v63  }
0xd6: {  	s31 =	simm.s32 $0xCC00;
	v3 =	vperm.xlane v3, v2  }
0xd7: {  	[tilespmem:s31], [sflag:$0x4] =	stream.indirect_vreg.gather [hbm4b:s5+s3], $0x80, v4, vm0, $0xb8;
	[tilespmem:$0x10400] =	vst v63  }
0xd8: {  	v3 =	vadd.s32 v1, v3;
	s31 =	simm.s32 $0xD400  }
0xd9: {  	[tilespmem:s31], [sflag:$0x4] =	stream.indirect_vreg.gather [hbm4b:s6+s3], $0x80, v4, vm0, $0xb8;
	[tilespmem:$0x10400] =	vst v63  }
0xda: {  	s31 =	simm.s32 $0xDC00  }
0xdb: {  	[tilespmem:s31], [sflag:$0x4] =	stream.indirect_vreg.gather [hbm4b:s7+s3], $0x80, v4, vm0, $0xb8;
	[tilespmem:$0x10400] =	vst v63  }
0xdc: {  	s31 =	simm.s32 $0xE400  }
0xdd: {  	[tilespmem:s31], [sflag:$0x4] =	stream.indirect_vreg.gather [hbm4b:s1+s3], $0x80, v3, vm0, $0xb8;
	[tilespmem:$0x10400] =	vst v63  }
0xde: {  	s31 =	simm.s32 $0xEC00  }
0xdf: {  	[tilespmem:s31], [sflag:$0x4] =	stream.indirect_vreg.gather [hbm4b:s5+s3], $0x80, v3, vm0, $0xb8;
	[tilespmem:$0x10400] =	vst v63  }
0xe0: {  	s31 =	simm.s32 $0xF400  }
0xe1: {  	[tilespmem:s31], [sflag:$0x4] =	stream.indirect_vreg.gather [hbm4b:s6+s3], $0x80, v3, vm0, $0xb8;
	[tilespmem:$0x10400] =	vst v63  }
0xe2: {  	s31 =	simm.s32 $0xFC00  }
0xe3: {  	[tilespmem:s31], [sflag:$0x4] =	stream.indirect_vreg.gather [hbm4b:s7+s3], $0x80, v3, vm0, $0xb8;
	[tilespmem:$0x10400] =	vst v63  }
0xe4: {  	_ =	swait.ge [sflag:s24], $0x4000  }
0xe5: {  	[sflag:s24] =	ssyncset.done $0x0  }
0xe6: {  	s4 =	rddreg [dreg:$0x9];
	[sflag:s24] =	ssyncadd.s32 $0xFFFFC000  }
0xe7: {  	[hbm4b:s4+s3] =	stream.linear.scatter [tilespmem:s26], [sflag:$0x6], $0x4000, $0x38;
	[tilespmem:$0x10400] =	vst v63  }
0xe8: {  	_ =	swait.ge [sflag:s0], $0x4000  }
0xe9: {  	[sflag:s0] =	ssyncset.done $0x0  }
0xea: {  	s4 =	rddreg [dreg:$0xa];
	[sflag:s0] =	ssyncadd.s32 $0xFFFFC000  }
0xeb: {  	[hbm4b:s4+s3] =	stream.linear.scatter [tilespmem:s12], [sflag:$0x7], $0x4000, $0x38;
	[tilespmem:$0x10400] =	vst v63  }
0xec: {  	_ =	swait.ge [sflag:s28], $0x4000  }
0xed: {  	[sflag:s28] =	ssyncset.done $0x0  }
0xee: {  	s24 =	rddreg [dreg:$0xb];
	[sflag:s28] =	ssyncadd.s32 $0xFFFFC000  }
0xef: {  	[hbm4b:s24+s3] =	stream.linear.scatter [tilespmem:s22], [sflag:$0x8], $0x4000, $0x38;
	[tilespmem:$0x10400] =	vst v63  }
0xf0: {  	_ =	swait.ge [sflag:s25], $0x4000  }
0xf1: {  	[sflag:s25] =	ssyncset.done $0x0  }
0xf2: {  	[sflag:s25] =	ssyncadd.s32 $0xFFFFC000  }
0xf3: {  	_ =	swait.ge [sflag:s2], $0x4000  }
0xf4: {  	[sflag:s2] =	ssyncset.done $0x0  }
0xf5: {  	[sflag:s2] =	ssyncadd.s32 $0xFFFFC000  }
0xf6: {  	p0 =	sne.s32 s8, $0x1;
	_ =	swait.ge [sflag:s29], $0x4000  }
.Ltmp0:
0xf7: {  	[sflag:s29] =	ssyncset.done $0x0;
	(pc) =	sbr.rel @p0 .LBB2_1-.Ltmp0, $4  }
0xf8: {  	[sflag:s29] =	ssyncadd.s32 $0xFFFFC000  }
0xf9: {  	_ =	swait.ge [sflag:s30], $0x4000  }
0xfa: {  	[sflag:s30] =	ssyncset.done $0x0  }
0xfb: {  	s8 =	sadd.s32 $0xFFFFFFFF, s8;
	[sflag:s30] =	ssyncadd.s32 $0xFFFFC000  }
0xfc: {  	_ =	sfence.sel $0x180000  }
0xfd: {  	[bflag:$0x0] =	sbarrier.arrive $0xFFFF  }
0xfe: {  	_ =	strace $0x90000047  }
0xff: {  	s0 =	stileid.u32;
	[bflag:$0x2] =	sbarrier.arrive $0xFFFF  }
0x100: {  	p0 =	sne.s32 s0, $0x0;
	s0 =	rddreg [dreg:$0x3]  }
0x101: {  	s0 =	sadd.s32 @!p0 $0x100000, s0  }
0x102: {  	[sflag:s0] =	ssyncadd.tile.s32 @!p0 $0x1;
	_ =	shalt  }
.Lfunc_end2:
_tile_overlayer_lowered:
.L_overlay_start_2:
0x103: {  	(tag) =	ssettag $0x2  }
0x104: {  	s0 =	rddreg [dreg:$0x0];
	s2 =	stileid.u32  }
0x105: {  	s1 =	rddreg [dreg:$0x1];
	p0 =	sne.s32 s2, $0x0  }
0x106: {  	s3 =	rddreg [dreg:$0x2];
	[bflag:$0x3] =	sbarrier.arrive $0xFFFF;
	s2 =	simm.s32 @!p0 $0x1C09  }
0x107: {  	[timem:s3], [sflag:s2] =	dma.local @!p0 [hbm:s0], s1  }
0x108: {  	s0 =	simm.s32 @!p0 $0x9  }
0x109: {  	_ =	swait.ge @!p0 [sflag:s0], s1  }
0x10a: {  	s1 =	ssub.s32 @!p0 $0x0, s1;
	[sflag:s0] =	ssyncset.done @!p0 $0x0  }
0x10b: {  	[sflag:s0] =	ssyncadd.s32 @!p0 s1  }
0x10c: {  	[bflag:$0x3] =	sbarrier.arrive $0xFFFF  }
0x10d: {  	_ =	shalt  }

// kernel: kernel.13.cloned.1.call-start
scs
__scs_entry_jumppad:
0x0: {  	(pc) =	sbr.rel $0x88, $3  }
0x1: {  	(tag) =	ssettag $0x0;
	lr =	simm.s32 $0x1  }
0x2: {  	[smem:$0x3F9A] =	sst lr;
	_ =	strace $0xD0000000  }
0x3: {  	_ = 	snop  }
0x4: {  	_ = 	snop  }
0x5: {  	_ = 	snop  }
0x6: {  	_ = 	snop  }
0x7: {  	_ = 	snop  }
__scs_overlays_trampoline_lowered:
0x8: {  	[smem:$0x3FA9] =	sst s0  }
0x9: {  	[smem:$0x3FAA] =	sst s1  }
0xa: {  	[smem:$0x3FAB] =	sst s2  }
0xb: {  	[smem:$0x3FAC] =	sst s3  }
0xc: {  	[smem:$0x3FAD] =	sst s4  }
0xd: {  	[smem:$0x3FAE] =	sst s5  }
0xe: {  	[smem:$0x3FAF] =	sst s6  }
0xf: {  	[smem:$0x3FB0] =	sst s7  }
0x10: {  	[smem:$0x3FB1] =	sst s8  }
0x11: {  	[smem:$0x3FB2] =	sst s9;
	s0 =	simm.s32 @!p0 $0x0  }
0x12: {  	s1 =	sld [smem:$0x3F98];
	s0 =	simm.s32 @p0 $0x1  }
0x13: {  	[smem:$0x3FB3] =	sst s0;
	s0 =	simm.s32 @!p1 $0x0  }
0x14: {  	s2 =	sld [smem:$0x3F97];
	s0 =	simm.s32 @p1 $0x1  }
0x15: {  	[smem:$0x3FB4] =	sst s0;
	s0 =	simm.s32 @!p2 $0x0  }
0x16: {  	s3 =	sld [smem:$0x3FDB];
	s0 =	simm.s32 @p2 $0x1  }
0x17: {  	s4 =	simm.s32 $0x1BF5;
	[smem:$0x3FB6] =	sst s0  }
0x18: {  	s0 =	sld [smem:$0x3F99];
	_ =	swait.ge [sflag:s4], $0x0  }
0x19: {  	s7 =	sld [smem:$0x3F9A]  }
0x1a: {  	s8 =	sadd.s32 $0xFFFFE003, lr  }
0x1b: {  	s9 =	sadd.s32 $0xFFFFFEF7, lr;
	s5 =	simm.s32 $0xFFFFFFFF;
	p2 =	slt.u32 s8, $0xFFFFF086  }
0x1c: {  	p1 =	slt.u32 s9, $0xF7A;
	s5 =	simm.s32 @!p2 $0x0  }
0x1d: {  	s5 =	simm.s32 @p1 $0x1;
	p0 =	seq.s32 s7, s2  }
0x1e: {  	s7 =	smul.u32 @!p0 $0xF7A, s2;
	p2 =	seq.s32 @!p0 s5, $0x0  }
0x1f: {  	s9 =	smul.u32 $0xF7A, s1;
	s8 =	simm.s32 @!p0 $0x1BF5;
	p2 =	por !p2, p0  }
0x20: {  	[sflag:s8] =	ssyncset.s32 @!p0 $0xFFFFF086;
	s6 =	sadd.s32 @!p0 s3, s7;
	s7 =	simm.s32 @!p0 $0x108  }
0x21: {  	s3 =	sadd.s32 s3, s9;
	s6 =	sadd.s32 @!p0 $0x88, s6;
	s7 =	simm.s32 @p2 $0x1082  }
0x22: {  	[simem:s7], [sflag:s8] =	dma.local @!p0 [hbm:s6], $0xF7A  }
0x23: {  	s9 =	sor.u32 $0xD0000000, s2;
	s6 =	simm.s32 $0x108;
	_ =	swait.ge @!p0 [sflag:s8], $0x0  }
0x24: {  	s3 =	sadd.s32 $0x88, s3;
	s6 =	simm.s32 @!p1 $0x1082;
	[sflag:s4] =	ssyncset.s32 $0xFFFFF086  }
0x25: {  	[simem:s6], [sflag:s4] =	dma.local [hbm:s3], $0xF7A  }
0x26: {  	[smem:$0x3F9A] =	sst s1;
	(tag) =	ssettag s2;
	_ =	strace s9  }
0x27: {  	s1 =	sld [smem:$0x3FAA]  }
0x28: {  	s2 =	sld [smem:$0x3FAB]  }
0x29: {  	s4 =	sld [smem:$0x3FAD]  }
0x2a: {  	p0 =	seq.s32 s5, $0x0;
	s5 =	sld [smem:$0x3FAE]  }
0x2b: {  	s6 =	sld [smem:$0x3FAF]  }
0x2c: {  	s7 =	sld [smem:$0x3FB0]  }
0x2d: {  	s3 =	simm.s32 $0x108;
	s8 =	sld [smem:$0x3FB1]  }
0x2e: {  	s3 =	simm.s32 @!p0 $0x1082;
	s9 =	sld [smem:$0x3FB2]  }
0x2f: {  	lr =	sadd.s32 s0, s3;
	s0 =	sld [smem:$0x3FA9]  }
0x30: {  	s3 =	sld [smem:$0x3FAC]  }
0x31: {  	[smem:$0x3FB5] =	sst s10  }
0x32: {  	s10 =	sld [smem:$0x3FB3];
	_ =	sdelay $0x3  }
0x33: {  	p0 =	seq.s32 s10, $0x1;
	s10 =	sld [smem:$0x3FB5];
	_ =	sdelay $0x3  }
0x34: {  	[smem:$0x3FB5] =	sst s10  }
0x35: {  	s10 =	sld [smem:$0x3FB4];
	_ =	sdelay $0x3  }
0x36: {  	p1 =	seq.s32 s10, $0x1;
	s10 =	sld [smem:$0x3FB5];
	_ =	sdelay $0x3  }
0x37: {  	[smem:$0x3FB5] =	sst s10  }
0x38: {  	s10 =	sld [smem:$0x3FB6]  }
0x39: {  	_ = 	snop;
	(pc) =	sbr.ind lr, $3  }
0x3a: {  	_ = 	snop  }
0x3b: {  	_ = 	snop  }
0x3c: {  	p2 =	seq.s32 s10, $0x1;
	s10 =	sld [smem:$0x3FB5]  }
0x3d: {  	_ =	shalt  }
0x3e: {  	_ =	shalt  }
0x3f: {  	_ =	shalt  }
0x40: {  	_ =	shalt  }
0x41: {  	_ =	shalt  }
0x42: {  	_ =	shalt  }
0x43: {  	_ =	shalt  }
0x44: {  	_ =	shalt  }
0x45: {  	_ =	shalt  }
0x46: {  	_ =	shalt  }
0x47: {  	_ =	shalt  }
0x48: {  	_ =	shalt  }
0x49: {  	_ =	shalt  }
0x4a: {  	_ =	shalt  }
0x4b: {  	_ =	shalt  }
0x4c: {  	_ =	shalt  }
0x4d: {  	_ =	shalt  }
0x4e: {  	_ =	shalt  }
0x4f: {  	_ =	shalt  }
0x50: {  	_ =	shalt  }
0x51: {  	_ =	shalt  }
0x52: {  	_ =	shalt  }
0x53: {  	_ =	shalt  }
0x54: {  	_ =	shalt  }
0x55: {  	_ =	shalt  }
0x56: {  	_ =	shalt  }
0x57: {  	_ =	shalt  }
0x58: {  	_ =	shalt  }
0x59: {  	_ =	shalt  }
0x5a: {  	_ =	shalt  }
0x5b: {  	_ =	shalt  }
0x5c: {  	_ =	shalt  }
0x5d: {  	_ =	shalt  }
0x5e: {  	_ =	shalt  }
0x5f: {  	_ =	shalt  }
0x60: {  	_ =	shalt  }
0x61: {  	_ =	shalt  }
0x62: {  	_ =	shalt  }
0x63: {  	_ =	shalt  }
0x64: {  	_ =	shalt  }
0x65: {  	_ =	shalt  }
0x66: {  	_ =	shalt  }
0x67: {  	_ =	shalt  }
0x68: {  	_ =	shalt  }
0x69: {  	_ =	shalt  }
0x6a: {  	_ =	shalt  }
0x6b: {  	_ =	shalt  }
0x6c: {  	_ =	shalt  }
0x6d: {  	_ =	shalt  }
0x6e: {  	_ =	shalt  }
0x6f: {  	_ =	shalt  }
0x70: {  	_ =	shalt  }
0x71: {  	_ =	shalt  }
0x72: {  	_ =	shalt  }
0x73: {  	_ =	shalt  }
0x74: {  	_ =	shalt  }
0x75: {  	_ =	shalt  }
0x76: {  	_ =	shalt  }
0x77: {  	_ =	shalt  }
0x78: {  	_ =	shalt  }
0x79: {  	_ =	shalt  }
0x7a: {  	_ =	shalt  }
0x7b: {  	_ =	shalt  }
0x7c: {  	_ =	shalt  }
0x7d: {  	_ =	shalt  }
0x7e: {  	_ =	shalt  }
0x7f: {  	_ =	shalt  }
0x80: {  	_ =	shalt  }
0x81: {  	_ =	shalt  }
0x82: {  	_ =	shalt  }
0x83: {  	_ =	shalt  }
0x84: {  	_ =	shalt  }
0x85: {  	_ =	shalt  }
0x86: {  	_ =	shalt  }
0x87: {  	_ =	shalt  }
.Lfunc_end0:
.L_simem_size_0:
called_computation.1_lowered:
.L_overlay_start_0:
0x88: {  	s2 =	sld [smem:$0x3FD9]  }
0x89: {  	s3 =	sld [smem:$0x3FFE];
	_ =	sdelay $0x1  }
0x8a: {  	s1 =	srdreg.scid  }
0x8b: {  	s0 =	sand.u32 $0x1, s1  }
0x8c: {  	s17 =	sshll.u32 s0, $0xA;
	s2 =	sadd.s32 s3, s2  }
0x8d: {  	s2 =	sadd.s32 s2, s17  }
0x8e: {  	[smem:$0x3FC1] =	sst s2  }
0x8f: {  	_ = 	snop  }
0x90: {  	s18 =	sld [smem:$0x3FC7];
	(tm) =	ssettm $0x1  }
0x91: {  	s19 =	sld [smem:$0x3FFB];
	_ =	sdelay $0x3  }
0x92: {  	_ =	strace s19  }
0x93: {  	s2 =	sld [smem:$0x3FFC];
	_ =	sdelay $0x3  }
0x94: {  	_ =	strace s2  }
0x95: {  	s2 =	sld [smem:$0x3FFD];
	_ =	sdelay $0x3  }
0x96: {  	_ =	strace s2  }
0x97: {  	_ =	strace $0x8FFFFFFF  }
0x98: {  	s20 =	sld [smem:$0x3FDB];
	_ =	sdelay $0x1  }
0x99: {  	s4 =	simm.s32 $_scs_section_size  }
0x9a: {  	s5 =	simm.s32 $_size__tile_overlayer_lowered;
	s6 =	simm.s32 $_tile_overlayer_lowered  }
0x9b: {  	s7 =	simm.s32 $0x1BFF;
	s21 =	sshll.u32 s6, $0x1;
	s4 =	sadd.s32 s4, s20  }
0x9c: {  	s22 =	simm.s32 $0x0;
	s5 =	sshll.u32 s5, $0x1;
	s6 =	sadd.s32 s21, s4  }
0x9d: {  	[timem:s22], [sflag:s7] =	dma.local [hbm:s6], s5  }
0x9e: {  	_ =	swait.ge [sflag:s7], s5  }
0x9f: {  	s5 =	ssub.s32 $0x0, s5;
	[sflag:s7] =	ssyncset.done $0x0  }
0xa0: {  	[sflag:s7] =	ssyncadd.s32 s5;
	_ =	sdelay $0x1  }
0xa1: {  	s23 =	simm.s32 $0x1B8B  }
0xa2: {  	_ =	swait.ge [sflag:s23], $0x1  }
0xa3: {  	[sflag:s23] =	ssyncset.done $0x0  }
0xa4: {  	[sflag:s23] =	ssyncadd.s32 $0xFFFFFFFF  }
0xa5: {  	s5 =	sld [smem:$0x0]  }
0xa6: {  	s6 =	sand.u32 $0xFFFFFFFE, s1  }
0xa7: {  	p0 =	sne.s32 s1, s6  }
0xa8: {  	s6 =	sshll.u32 @p0 s6, $0xE  }
0xa9: {  	s6 =	sadd.s32 @p0 $0x11B8D, s6;
	s7 =	sshll.u32 @p0 s5, $0x11  }
0xaa: {  	s6 =	sor.u32 @p0 s7, s6  }
0xab: {  	[sflag:s6] =	ssyncadd.remote.s32 @p0 $0x1;
	_ =	sdelay $0x1  }
0xac: {  	s6 =	simm.s32 @p0 $0x1B8D  }
0xad: {  	_ =	swait.eq @p0 [sflag:s6], $0x1  }
0xae: {  	[sflag:s6] =	ssyncadd.s32 @p0 $0xFFFFFFFF  }
0xaf: {  	s7 =	sshll.u32 @!p0 s1, $0xE  }
0xb0: {  	s7 =	sor.u32 @!p0 $0x4000, s7;
	s6 =	simm.s32 @!p0 $0x1B8D  }
0xb1: {  	s5 =	sshll.u32 @!p0 s5, $0x11;
	s7 =	sadd.s32 @!p0 $0x11B8D, s7;
	_ =	swait.eq @!p0 [sflag:s6], $0x1  }
0xb2: {  	s5 =	sor.u32 @!p0 s5, s7;
	[sflag:s6] =	ssyncadd.s32 @!p0 $0xFFFFFFFF  }
0xb3: {  	s25 =	simm.s32 $0x1B8E;
	s24 =	sld [smem:$0x3FFE];
	[sflag:s5] =	ssyncadd.remote.s32 @!p0 $0x1  }
0xb4: {  	s26 =	simm.s32 $execute0_lowered;
	[smem:$0x3FD2] =	sst s25  }
0xb5: {  	s6 =	sshll.u32 s26, $0x1;
	_ =	strace $0x80000049;
	[dreg:$0x1] =	wrdreg $0xFFFFFFFF  }
0xb6: {  	s28 =	simm.s32 $_size_execute0_lowered;
	s4 =	sadd.s32 s4, s6;
	[dreg:$0x0] =	wrdreg $0x0  }
0xb7: {  	s6 =	sshll.u32 s28, $0x1;
	[dreg:$0x2] =	wrdreg s4  }
0xb8: {  	[dreg:$0x3] =	wrdreg s6  }
0xb9: {  	[dreg:$0x4] =	wrdreg $0xC0  }
0xba: {  	_ =	task [dreg:s22], $0x5FFFF  }
0xbb: {  	[dreg:$0x1] =	wrdreg $0xFFFFFFFF  }
0xbc: {  	[dreg:$0x0] =	wrdreg $0x60  }
0xbd: {  	[dreg:$0x2] =	wrdreg s18  }
0xbe: {  	[dreg:$0x3] =	wrdreg s24  }
0xbf: {  	[dreg:$0x4] =	wrdreg $0xA  }
0xc0: {  	_ =	task.clear_ibuf [dreg:s22], $0x5FFFF;
	_ =	strace $0x90000049  }
0xc1: {  	s29 =	simm.s32 $0xA;
	_ =	strace $0x8000004B  }
0xc2: {  	_ =	swait.ge [sflag:s29], $0x1  }
0xc3: {  	[sflag:s29] =	ssyncadd.s32 $0xFFFFFFFF  }
0xc4: {  	_ =	strace $0x9000004B  }
0xc5: {  	_ =	sfence  }
0xc6: {  	s30 =	sld [smem:$0x0];
	_ =	sdelay $0x2  }
0xc7: {  	s31 =	sshll.u32 s1, $0xD;
	s1 =	sshrl.u32 s1, $0x2  }
0xc8: {  	s4 =	sand.u32 $0x4000, s31;
	s1 =	sadd.s32 s1, s30  }
0xc9: {  	s0 =	sor.u32 s4, s0;
	s1 =	sshll.u32 s1, $0x11  }
0xca: {  	s0 =	sor.u32 s1, s0  }
0xcb: {  	s0 =	sadd.s32 $0x8F2B, s0  }
0xcc: {  	[sflag:s0] =	ssyncadd.remote.s32 $0x1  }
0xcd: {  	_ =	sfence.sel $0xFFFF  }
0xce: {  	[dreg:$0x0] =	wrdreg $0xFFFFFFFF;
	(pc) =	sbr.abs _section_cstart, $3  }
0xcf: {  	[dreg:$0x1] =	wrdreg $0xFFFFFFFF  }
0xd0: {  	_ =	task.clear_ibuf [dreg:s22], $0x2FFFF;
	_ =	strace $0x9FFFFFFF  }
0xd1: {  	(tm) =	ssettm $0x7FFFFFFF  }
tec
execute0_lowered:
.L_overlay_start_1:
0x0: {  	(tag) =	ssettag $0x1  }
0x1: {  	s0 =	srdreg.scid;
	s2 =	rddreg [dreg:$0x0]  }
0x2: {  	s1 =	stileid.u32;
	s4 =	rddreg [dreg:$0x1]  }
0x3: {  	s3 =	simm.s32 $0x0;
	s28 =	simm.s32 $0x8;
	s17 =	simm.s32 $0x400  }
0x4: {  	s30 =	simm.s32 $0xC00;
	s31 =	simm.s32 $0x1400;
	s12 =	simm.s32 $0x2C00  }
0x5: {  	s13 =	simm.s32 $0x3400;
	s14 =	simm.s32 $0x3C00;
	s15 =	simm.s32 $0x4C00  }
0x6: {  	s16 =	simm.s32 $0x5400;
	s0 =	sand.u32 $0x1, s0;
	s1 =	sshll.u32 s1, $0x1  }
0x7: {  	s18 =	simm.s32 $0x5C00;
	s9 =	simm.s32 $0x7400;
	s1 =	sor.u32 s0, s1  }
0x8: {  	s11 =	simm.s32 $0x7C00;
	s10 =	simm.s32 $0x8400;
	s5 =	sshll.u32 s1, $0x7  }
0x9: {  	[smem:$0x7FF] =	sst s3;
	s1 =	sshll.u32 s1, $0xE;
	s5 =	sadd.s32 s5, s4  }
0xa: {  	s6 =	sadd.s32 $0x300, s2;
	s1 =	sadd.s32 s1, s4;
	s19 =	sadd.s32 $0x4000, s5  }
0xb: {  	_ =	strace $0x8000004A;
	s20 =	sadd.s32 $0x5000, s1;
	[dreg:$0x3] =	wrdreg s19  }
0xc: {  	s0 =	ssub.s32 $0x2, s0;
	s21 =	sadd.s32 $0x5800, s1;
	[dreg:$0x4] =	wrdreg s20  }
0xd: {  	s25 =	sshrl.u32 s0, $0x1;
	s22 =	sadd.s32 $0x6000, s1;
	[dreg:$0x5] =	wrdreg s21  }
0xe: {  	s0 =	ssub.s32 s0, s25;
	s23 =	sadd.s32 $0x6800, s1;
	[dreg:$0x6] =	wrdreg s22  }
0xf: {  	s4 =	sadd.s32 $0x100, s2;
	s24 =	sadd.s32 $0x7000, s1;
	[dreg:$0x7] =	wrdreg s23  }
0x10: {  	s25 =	simm.s32 $0x4400;
	s26 =	sadd.s32 $0x7800, s1;
	[dreg:$0x8] =	wrdreg s24  }
0x11: {  	s29 =	sadd.s32 $0x8000, s1;
	s1 =	sadd.s32 $0x8800, s1;
	[dreg:$0x9] =	wrdreg s26  }
0x12: {  	v2 =	vlaneseq.u32;
	s5 =	sadd.s32 $0x200, s2;
	s7 =	smax.u32 s0, $0x1;
	[dreg:$0xa] =	wrdreg s29  }
0x13: {  	vm0 =	vmmov $0xffff;
	v1 =	vshrl.u32 v2, $0x3;
	[dreg:$0xb] =	wrdreg s1;
	s24 =	simm.s32 $0x4;
	s26 =	simm.s32 $0x7  }
0x14: {  	v0 =	vand.u32 $0x7, v2;
	v2 =	vor.u32 $0x8, v2;
	v1 =	vmul.u32 $0x8, v1;
	s19 =	simm.s32 $0x6400;
	s21 =	simm.s32 $0x1;
	s23 =	simm.s32 $0x5  }
.LBB2_1:
0x15: {  	s29 =	rddreg [dreg:$0x3];
	s0 =	simm.s32 $0x9  }
0x16: {  	[tilespmem:s3], [sflag:$0x9] =	stream.linear.gather [hbm4b:s29+s3], $0x400, $0x38;
	[tilespmem:$0x10400] =	vst v63  }
0x17: {  	_ =	swait.ge [sflag:s0], $0x400  }
0x18: {  	[sflag:s0] =	ssyncset.done $0x0  }
0x19: {  	[sflag:s0] =	ssyncadd.s32 $0xFFFFFC00  }
0x1a: {  	v3 =	vld [tilespmem:$0x0];
	_ =	sdelay $0x4  }
0x1b: {  	v4 =	vshll.u32 v3, $0x3  }
0x1c: {  	v3 =	vand.u32 $0x7, v3;
	v4 =	vand.u32 $0xFFFFFFC0, v4  }
0x1d: {  	v3 =	vor.u32 v3, v4  }
0x1e: {  	v4 =	vperm.xlane v3, v0;
	_ =	sdelay $0x1  }
0x1f: {  	v4 =	vadd.s32 v1, v4;
	_ =	sdelay $0x4  }
0x20: {  	[tilespmem:s17], [sflag:$0x1] =	stream.indirect_vreg.gather [hbm4b:s2+s3], $0x80, v4, vm0, $0xb8;
	[tilespmem:$0x10400] =	vst v63  }
0x21: {  	v3 =	vperm.xlane v3, v2  }
0x22: {  	[tilespmem:s30], [sflag:$0x1] =	stream.indirect_vreg.gather [hbm4b:s4+s3], $0x80, v4, vm0, $0xb8;
	[tilespmem:$0x10400] =	vst v63  }
0x23: {  	v3 =	vadd.s32 v1, v3  }
0x24: {  	[tilespmem:s31], [sflag:$0x1] =	stream.indirect_vreg.gather [hbm4b:s5+s3], $0x80, v4, vm0, $0xb8;
	[tilespmem:$0x10400] =	vst v63  }
0x25: {  	s1 =	simm.s32 $0x1C00  }
0x26: {  	[tilespmem:s1], [sflag:$0x1] =	stream.indirect_vreg.gather [hbm4b:s6+s3], $0x80, v4, vm0, $0xb8;
	[tilespmem:$0x10400] =	vst v63  }
0x27: {  	s0 =	simm.s32 $0x2400  }
0x28: {  	[tilespmem:s0], [sflag:$0x1] =	stream.indirect_vreg.gather [hbm4b:s2+s3], $0x80, v3, vm0, $0xb8;
	[tilespmem:$0x10400] =	vst v63  }
0x29: {  	_ = 	snop  }
0x2a: {  	[tilespmem:s12], [sflag:$0x1] =	stream.indirect_vreg.gather [hbm4b:s4+s3], $0x80, v3, vm0, $0xb8;
	[tilespmem:$0x10400] =	vst v63  }
0x2b: {  	_ = 	snop  }
0x2c: {  	[tilespmem:s13], [sflag:$0x1] =	stream.indirect_vreg.gather [hbm4b:s5+s3], $0x80, v3, vm0, $0xb8;
	[tilespmem:$0x10400] =	vst v63  }
0x2d: {  	_ = 	snop  }
0x2e: {  	[tilespmem:s14], [sflag:$0x1] =	stream.indirect_vreg.gather [hbm4b:s6+s3], $0x80, v3, vm0, $0xb8;
	[tilespmem:$0x10400] =	vst v63  }
0x2f: {  	v3 =	vld [tilespmem:$0x80];
	_ =	sdelay $0x4  }
0x30: {  	v57 =	vshll.u32 v3, $0x3  }
0x31: {  	v3 =	vand.u32 $0x7, v3;
	v4 =	vand.u32 $0xFFFFFFC0, v57  }
0x32: {  	v3 =	vor.u32 v3, v4  }
0x33: {  	v4 =	vperm.xlane v3, v0;
	_ =	sdelay $0x1  }
0x34: {  	v4 =	vadd.s32 v1, v4;
	_ =	sdelay $0x4  }
0x35: {  	[tilespmem:s25], [sflag:$0x2] =	stream.indirect_vreg.gather [hbm4b:s2+s3], $0x80, v4, vm0, $0xb8;
	[tilespmem:$0x10400] =	vst v63  }
0x36: {  	v3 =	vperm.xlane v3, v2  }
0x37: {  	[tilespmem:s15], [sflag:$0x2] =	stream.indirect_vreg.gather [hbm4b:s4+s3], $0x80, v4, vm0, $0xb8;
	[tilespmem:$0x10400] =	vst v63  }
0x38: {  	v3 =	vadd.s32 v1, v3  }
0x39: {  	[tilespmem:s16], [sflag:$0x2] =	stream.indirect_vreg.gather [hbm4b:s5+s3], $0x80, v4, vm0, $0xb8;
	[tilespmem:$0x10400] =	vst v63  }
0x3a: {  	_ = 	snop  }
0x3b: {  	[tilespmem:s18], [sflag:$0x2] =	stream.indirect_vreg.gather [hbm4b:s6+s3], $0x80, v4, vm0, $0xb8;
	[tilespmem:$0x10400] =	vst v63  }
0x3c: {  	_ = 	snop  }
0x3d: {  	[tilespmem:s19], [sflag:$0x2] =	stream.indirect_vreg.gather [hbm4b:s2+s3], $0x80, v3, vm0, $0xb8;
	[tilespmem:$0x10400] =	vst v63  }
0x3e: {  	s8 =	simm.s32 $0x6C00  }
0x3f: {  	[tilespmem:s8], [sflag:$0x2] =	stream.indirect_vreg.gather [hbm4b:s4+s3], $0x80, v3, vm0, $0xb8;
	[tilespmem:$0x10400] =	vst v63  }
0x40: {  	_ = 	snop  }
0x41: {  	[tilespmem:s9], [sflag:$0x2] =	stream.indirect_vreg.gather [hbm4b:s5+s3], $0x80, v3, vm0, $0xb8;
	[tilespmem:$0x10400] =	vst v63  }
0x42: {  	_ = 	snop  }
0x43: {  	[tilespmem:s11], [sflag:$0x2] =	stream.indirect_vreg.gather [hbm4b:s6+s3], $0x80, v3, vm0, $0xb8;
	[tilespmem:$0x10400] =	vst v63  }
0x44: {  	v3 =	vld [tilespmem:$0x100];
	_ =	sdelay $0x4  }
0x45: {  	v58 =	vshll.u32 v3, $0x3  }
0x46: {  	v3 =	vand.u32 $0x7, v3;
	v4 =	vand.u32 $0xFFFFFFC0, v58  }
0x47: {  	v3 =	vor.u32 v3, v4  }
0x48: {  	v4 =	vperm.xlane v3, v0;
	_ =	sdelay $0x1  }
0x49: {  	v4 =	vadd.s32 v1, v4;
	_ =	sdelay $0x4  }
0x4a: {  	[tilespmem:s10], [sflag:$0x3] =	stream.indirect_vreg.gather [hbm4b:s2+s3], $0x80, v4, vm0, $0xb8;
	[tilespmem:$0x10400] =	vst v63  }
0x4b: {  	s20 =	simm.s32 $0x8C00;
	v3 =	vperm.xlane v3, v2  }
0x4c: {  	[tilespmem:s20], [sflag:$0x3] =	stream.indirect_vreg.gather [hbm4b:s4+s3], $0x80, v4, vm0, $0xb8;
	[tilespmem:$0x10400] =	vst v63  }
0x4d: {  	s22 =	simm.s32 $0x9400;
	v3 =	vadd.s32 v1, v3  }
0x4e: {  	[tilespmem:s22], [sflag:$0x3] =	stream.indirect_vreg.gather [hbm4b:s5+s3], $0x80, v4, vm0, $0xb8;
	[tilespmem:$0x10400] =	vst v63  }
0x4f: {  	s29 =	simm.s32 $0x9C00  }
0x50: {  	[tilespmem:s29], [sflag:$0x3] =	stream.indirect_vreg.gather [hbm4b:s6+s3], $0x80, v4, vm0, $0xb8;
	[tilespmem:$0x10400] =	vst v63  }
0x51: {  	s22 =	simm.s32 $0xA400  }
0x52: {  	[tilespmem:s22], [sflag:$0x3] =	stream.indirect_vreg.gather [hbm4b:s2+s3], $0x80, v3, vm0, $0xb8;
	[tilespmem:$0x10400] =	vst v63  }
0x53: {  	s29 =	simm.s32 $0xAC00  }
0x54: {  	[tilespmem:s29], [sflag:$0x3] =	stream.indirect_vreg.gather [hbm4b:s4+s3], $0x80, v3, vm0, $0xb8;
	[tilespmem:$0x10400] =	vst v63  }
0x55: {  	s22 =	simm.s32 $0xB400  }
0x56: {  	[tilespmem:s22], [sflag:$0x3] =	stream.indirect_vreg.gather [hbm4b:s5+s3], $0x80, v3, vm0, $0xb8;
	[tilespmem:$0x10400] =	vst v63  }
0x57: {  	s29 =	simm.s32 $0xBC00  }
0x58: {  	[tilespmem:s29], [sflag:$0x3] =	stream.indirect_vreg.gather [hbm4b:s6+s3], $0x80, v3, vm0, $0xb8;
	[tilespmem:$0x10400] =	vst v63  }
0x59: {  	_ =	swait.ge [sflag:s21], $0x4000  }
0x5a: {  	[sflag:s21] =	ssyncset.done $0x0  }
0x5b: {  	s22 =	rddreg [dreg:$0x4];
	[sflag:s21] =	ssyncadd.s32 $0xFFFFC000  }
0x5c: {  	[hbm4b:s22+s3] =	stream.linear.scatter [tilespmem:s17], [sflag:$0x5], $0x4000, $0x38;
	[tilespmem:$0x10400] =	vst v63  }
0x5d: {  	v3 =	vld [tilespmem:$0x180];
	_ =	sdelay $0x4  }
0x5e: {  	v59 =	vshll.u32 v3, $0x3  }
0x5f: {  	v3 =	vand.u32 $0x7, v3;
	v4 =	vand.u32 $0xFFFFFFC0, v59  }
0x60: {  	v3 =	vor.u32 v3, v4  }
0x61: {  	v4 =	vperm.xlane v3, v0;
	_ =	sdelay $0x1  }
0x62: {  	v4 =	vadd.s32 v1, v4;
	_ =	sdelay $0x3  }
0x63: {  	s20 =	simm.s32 $0xC400  }
0x64: {  	[tilespmem:s20], [sflag:$0x4] =	stream.indirect_vreg.gather [hbm4b:s2+s3], $0x80, v4, vm0, $0xb8;
	[tilespmem:$0x10400] =	vst v63  }
0x65: {  	s22 =	simm.s32 $0xCC00;
	v3 =	vperm.xlane v3, v2  }
0x66: {  	[tilespmem:s22], [sflag:$0x4] =	stream.indirect_vreg.gather [hbm4b:s4+s3], $0x80, v4, vm0, $0xb8;
	[tilespmem:$0x10400] =	vst v63  }
0x67: {  	s29 =	simm.s32 $0xD400;
	v3 =	vadd.s32 v1, v3  }
0x68: {  	[tilespmem:s29], [sflag:$0x4] =	stream.indirect_vreg.gather [hbm4b:s5+s3], $0x80, v4, vm0, $0xb8;
	[tilespmem:$0x10400] =	vst v63  }
0x69: {  	s29 =	simm.s32 $0xDC00  }
0x6a: {  	[tilespmem:s29], [sflag:$0x4] =	stream.indirect_vreg.gather [hbm4b:s6+s3], $0x80, v4, vm0, $0xb8;
	[tilespmem:$0x10400] =	vst v63  }
0x6b: {  	s29 =	simm.s32 $0xE400  }
0x6c: {  	[tilespmem:s29], [sflag:$0x4] =	stream.indirect_vreg.gather [hbm4b:s2+s3], $0x80, v3, vm0, $0xb8;
	[tilespmem:$0x10400] =	vst v63  }
0x6d: {  	s29 =	simm.s32 $0xEC00  }
0x6e: {  	[tilespmem:s29], [sflag:$0x4] =	stream.indirect_vreg.gather [hbm4b:s4+s3], $0x80, v3, vm0, $0xb8;
	[tilespmem:$0x10400] =	vst v63  }
0x6f: {  	s29 =	simm.s32 $0xF400  }
0x70: {  	[tilespmem:s29], [sflag:$0x4] =	stream.indirect_vreg.gather [hbm4b:s5+s3], $0x80, v3, vm0, $0xb8;
	[tilespmem:$0x10400] =	vst v63  }
0x71: {  	s22 =	simm.s32 $0x2;
	s29 =	simm.s32 $0xFC00  }
0x72: {  	[tilespmem:s29], [sflag:$0x4] =	stream.indirect_vreg.gather [hbm4b:s6+s3], $0x80, v3, vm0, $0xb8;
	[tilespmem:$0x10400] =	vst v63  }
0x73: {  	_ =	swait.ge [sflag:s22], $0x4000  }
0x74: {  	[sflag:s22] =	ssyncset.done $0x0  }
0x75: {  	s29 =	rddreg [dreg:$0x5];
	[sflag:s22] =	ssyncadd.s32 $0xFFFFC000  }
0x76: {  	[hbm4b:s29+s3] =	stream.linear.scatter [tilespmem:s25], [sflag:$0x6], $0x4000, $0x38;
	[tilespmem:$0x10400] =	vst v63  }
0x77: {  	_ =	swait.ge [sflag:s23], $0x4000  }
0x78: {  	[sflag:s23] =	ssyncset.done $0x0  }
0x79: {  	[sflag:s23] =	ssyncadd.s32 $0xFFFFC000  }
0x7a: {  	v3 =	vld [tilespmem:$0x200];
	_ =	sdelay $0x4  }
0x7b: {  	v60 =	vshll.u32 v3, $0x3  }
0x7c: {  	v3 =	vand.u32 $0x7, v3;
	v4 =	vand.u32 $0xFFFFFFC0, v60  }
0x7d: {  	v3 =	vor.u32 v3, v4  }
0x7e: {  	v4 =	vperm.xlane v3, v0;
	_ =	sdelay $0x1  }
0x7f: {  	v4 =	vadd.s32 v1, v4;
	_ =	sdelay $0x4  }
0x80: {  	[tilespmem:s17], [sflag:$0x1] =	stream.indirect_vreg.gather [hbm4b:s2+s3], $0x80, v4, vm0, $0xb8;
	[tilespmem:$0x10400] =	vst v63  }
0x81: {  	v3 =	vperm.xlane v3, v2  }
0x82: {  	[tilespmem:s30], [sflag:$0x1] =	stream.indirect_vreg.gather [hbm4b:s4+s3], $0x80, v4, vm0, $0xb8;
	[tilespmem:$0x10400] =	vst v63  }
0x83: {  	v3 =	vadd.s32 v1, v3  }
0x84: {  	[tilespmem:s31], [sflag:$0x1] =	stream.indirect_vreg.gather [hbm4b:s5+s3], $0x80, v4, vm0, $0xb8;
	[tilespmem:$0x10400] =	vst v63  }
0x85: {  	_ = 	snop  }
0x86: {  	[tilespmem:s1], [sflag:$0x1] =	stream.indirect_vreg.gather [hbm4b:s6+s3], $0x80, v4, vm0, $0xb8;
	[tilespmem:$0x10400] =	vst v63  }
0x87: {  	_ = 	snop  }
0x88: {  	[tilespmem:s0], [sflag:$0x1] =	stream.indirect_vreg.gather [hbm4b:s2+s3], $0x80, v3, vm0, $0xb8;
	[tilespmem:$0x10400] =	vst v63  }
0x89: {  	_ = 	snop  }
0x8a: {  	[tilespmem:s12], [sflag:$0x1] =	stream.indirect_vreg.gather [hbm4b:s4+s3], $0x80, v3, vm0, $0xb8;
	[tilespmem:$0x10400] =	vst v63  }
0x8b: {  	_ = 	snop  }
0x8c: {  	[tilespmem:s13], [sflag:$0x1] =	stream.indirect_vreg.gather [hbm4b:s5+s3], $0x80, v3, vm0, $0xb8;
	[tilespmem:$0x10400] =	vst v63  }
0x8d: {  	s0 =	simm.s32 $0x3  }
0x8e: {  	[tilespmem:s14], [sflag:$0x1] =	stream.indirect_vreg.gather [hbm4b:s6+s3], $0x80, v3, vm0, $0xb8;
	[tilespmem:$0x10400] =	vst v63  }
0x8f: {  	_ =	swait.ge [sflag:s0], $0x4000  }
0x90: {  	[sflag:s0] =	ssyncset.done $0x0  }
0x91: {  	s1 =	rddreg [dreg:$0x6];
	[sflag:s0] =	ssyncadd.s32 $0xFFFFC000  }
0x92: {  	[hbm4b:s1+s3] =	stream.linear.scatter [tilespmem:s10], [sflag:$0x7], $0x4000, $0x38;
	[tilespmem:$0x10400] =	vst v63  }
0x93: {  	s1 =	simm.s32 $0x6  }
0x94: {  	_ =	swait.ge [sflag:s1], $0x4000  }
0x95: {  	[sflag:s1] =	ssyncset.done $0x0  }
0x96: {  	[sflag:s1] =	ssyncadd.s32 $0xFFFFC000  }
0x97: {  	v3 =	vld [tilespmem:$0x280];
	_ =	sdelay $0x4  }
0x98: {  	v61 =	vshll.u32 v3, $0x3  }
0x99: {  	v3 =	vand.u32 $0x7, v3;
	v4 =	vand.u32 $0xFFFFFFC0, v61  }
0x9a: {  	v3 =	vor.u32 v3, v4  }
0x9b: {  	v4 =	vperm.xlane v3, v0;
	_ =	sdelay $0x1  }
0x9c: {  	v4 =	vadd.s32 v1, v4;
	_ =	sdelay $0x4  }
0x9d: {  	[tilespmem:s25], [sflag:$0x2] =	stream.indirect_vreg.gather [hbm4b:s2+s3], $0x80, v4, vm0, $0xb8;
	[tilespmem:$0x10400] =	vst v63  }
0x9e: {  	v3 =	vperm.xlane v3, v2  }
0x9f: {  	[tilespmem:s15], [sflag:$0x2] =	stream.indirect_vreg.gather [hbm4b:s4+s3], $0x80, v4, vm0, $0xb8;
	[tilespmem:$0x10400] =	vst v63  }
0xa0: {  	v3 =	vadd.s32 v1, v3  }
0xa1: {  	[tilespmem:s16], [sflag:$0x2] =	stream.indirect_vreg.gather [hbm4b:s5+s3], $0x80, v4, vm0, $0xb8;
	[tilespmem:$0x10400] =	vst v63  }
0xa2: {  	_ = 	snop  }
0xa3: {  	[tilespmem:s18], [sflag:$0x2] =	stream.indirect_vreg.gather [hbm4b:s6+s3], $0x80, v4, vm0, $0xb8;
	[tilespmem:$0x10400] =	vst v63  }
0xa4: {  	_ = 	snop  }
0xa5: {  	[tilespmem:s19], [sflag:$0x2] =	stream.indirect_vreg.gather [hbm4b:s2+s3], $0x80, v3, vm0, $0xb8;
	[tilespmem:$0x10400] =	vst v63  }
0xa6: {  	_ = 	snop  }
0xa7: {  	[tilespmem:s8], [sflag:$0x2] =	stream.indirect_vreg.gather [hbm4b:s4+s3], $0x80, v3, vm0, $0xb8;
	[tilespmem:$0x10400] =	vst v63  }
0xa8: {  	_ = 	snop  }
0xa9: {  	[tilespmem:s9], [sflag:$0x2] =	stream.indirect_vreg.gather [hbm4b:s5+s3], $0x80, v3, vm0, $0xb8;
	[tilespmem:$0x10400] =	vst v63  }
0xaa: {  	_ = 	snop  }
0xab: {  	[tilespmem:s11], [sflag:$0x2] =	stream.indirect_vreg.gather [hbm4b:s6+s3], $0x80, v3, vm0, $0xb8;
	[tilespmem:$0x10400] =	vst v63  }
0xac: {  	_ =	swait.ge [sflag:s24], $0x4000  }
0xad: {  	[sflag:s24] =	ssyncset.done $0x0  }
0xae: {  	s8 =	rddreg [dreg:$0x7];
	[sflag:s24] =	ssyncadd.s32 $0xFFFFC000  }
0xaf: {  	[hbm4b:s8+s3] =	stream.linear.scatter [tilespmem:s20], [sflag:$0x8], $0x4000, $0x38;
	[tilespmem:$0x10400] =	vst v63  }
0xb0: {  	_ =	swait.ge [sflag:s26], $0x4000  }
0xb1: {  	[sflag:s26] =	ssyncset.done $0x0  }
0xb2: {  	[sflag:s26] =	ssyncadd.s32 $0xFFFFC000  }
0xb3: {  	v3 =	vld [tilespmem:$0x300];
	_ =	sdelay $0x4  }
0xb4: {  	v62 =	vshll.u32 v3, $0x3  }
0xb5: {  	v3 =	vand.u32 $0x7, v3;
	v4 =	vand.u32 $0xFFFFFFC0, v62  }
0xb6: {  	v3 =	vor.u32 v3, v4  }
0xb7: {  	v4 =	vperm.xlane v3, v0;
	_ =	sdelay $0x1  }
0xb8: {  	v4 =	vadd.s32 v1, v4;
	_ =	sdelay $0x4  }
0xb9: {  	[tilespmem:s10], [sflag:$0x3] =	stream.indirect_vreg.gather [hbm4b:s2+s3], $0x80, v4, vm0, $0xb8;
	[tilespmem:$0x10400] =	vst v63  }
0xba: {  	s29 =	simm.s32 $0x8C00;
	v3 =	vperm.xlane v3, v2  }
0xbb: {  	[tilespmem:s29], [sflag:$0x3] =	stream.indirect_vreg.gather [hbm4b:s4+s3], $0x80, v4, vm0, $0xb8;
	[tilespmem:$0x10400] =	vst v63  }
0xbc: {  	v3 =	vadd.s32 v1, v3;
	s29 =	simm.s32 $0x9400  }
0xbd: {  	[tilespmem:s29], [sflag:$0x3] =	stream.indirect_vreg.gather [hbm4b:s5+s3], $0x80, v4, vm0, $0xb8;
	[tilespmem:$0x10400] =	vst v63  }
0xbe: {  	s29 =	simm.s32 $0x9C00  }
0xbf: {  	[tilespmem:s29], [sflag:$0x3] =	stream.indirect_vreg.gather [hbm4b:s6+s3], $0x80, v4, vm0, $0xb8;
	[tilespmem:$0x10400] =	vst v63  }
0xc0: {  	s29 =	simm.s32 $0xA400  }
0xc1: {  	[tilespmem:s29], [sflag:$0x3] =	stream.indirect_vreg.gather [hbm4b:s2+s3], $0x80, v3, vm0, $0xb8;
	[tilespmem:$0x10400] =	vst v63  }
0xc2: {  	s29 =	simm.s32 $0xAC00  }
0xc3: {  	[tilespmem:s29], [sflag:$0x3] =	stream.indirect_vreg.gather [hbm4b:s4+s3], $0x80, v3, vm0, $0xb8;
	[tilespmem:$0x10400] =	vst v63  }
0xc4: {  	s29 =	simm.s32 $0xB400  }
0xc5: {  	[tilespmem:s29], [sflag:$0x3] =	stream.indirect_vreg.gather [hbm4b:s5+s3], $0x80, v3, vm0, $0xb8;
	[tilespmem:$0x10400] =	vst v63  }
0xc6: {  	s29 =	simm.s32 $0xBC00  }
0xc7: {  	[tilespmem:s29], [sflag:$0x3] =	stream.indirect_vreg.gather [hbm4b:s6+s3], $0x80, v3, vm0, $0xb8;
	[tilespmem:$0x10400] =	vst v63  }
0xc8: {  	_ =	swait.ge [sflag:s21], $0x4000  }
0xc9: {  	[sflag:s21] =	ssyncset.done $0x0  }
0xca: {  	s8 =	rddreg [dreg:$0x8];
	[sflag:s21] =	ssyncadd.s32 $0xFFFFC000  }
0xcb: {  	[hbm4b:s8+s3] =	stream.linear.scatter [tilespmem:s17], [sflag:$0x5], $0x4000, $0x38;
	[tilespmem:$0x10400] =	vst v63  }
0xcc: {  	_ =	swait.ge [sflag:s28], $0x4000  }
0xcd: {  	[sflag:s28] =	ssyncset.done $0x0  }
0xce: {  	[sflag:s28] =	ssyncadd.s32 $0xFFFFC000  }
0xcf: {  	v3 =	vld [tilespmem:$0x380];
	_ =	sdelay $0x4  }
0xd0: {  	v63 =	vshll.u32 v3, $0x3  }
0xd1: {  	v3 =	vand.u32 $0x7, v3;
	v4 =	vand.u32 $0xFFFFFFC0, v63  }
0xd2: {  	v3 =	vor.u32 v3, v4  }
0xd3: {  	v4 =	vperm.xlane v3, v0;
	_ =	sdelay $0x1  }
0xd4: {  	v4 =	vadd.s32 v1, v4;
	_ =	sdelay $0x4  }
0xd5: {  	[tilespmem:s20], [sflag:$0x4] =	stream.indirect_vreg.gather [hbm4b:s2+s3], $0x80, v4, vm0, $0xb8;
	[tilespmem:$0x10400] =	vst v63  }
0xd6: {  	s29 =	simm.s32 $0xCC00;
	v3 =	vperm.xlane v3, v2  }
0xd7: {  	[tilespmem:s29], [sflag:$0x4] =	stream.indirect_vreg.gather [hbm4b:s4+s3], $0x80, v4, vm0, $0xb8;
	[tilespmem:$0x10400] =	vst v63  }
0xd8: {  	v3 =	vadd.s32 v1, v3;
	s29 =	simm.s32 $0xD400  }
0xd9: {  	[tilespmem:s29], [sflag:$0x4] =	stream.indirect_vreg.gather [hbm4b:s5+s3], $0x80, v4, vm0, $0xb8;
	[tilespmem:$0x10400] =	vst v63  }
0xda: {  	s29 =	simm.s32 $0xDC00  }
0xdb: {  	[tilespmem:s29], [sflag:$0x4] =	stream.indirect_vreg.gather [hbm4b:s6+s3], $0x80, v4, vm0, $0xb8;
	[tilespmem:$0x10400] =	vst v63  }
0xdc: {  	s29 =	simm.s32 $0xE400  }
0xdd: {  	[tilespmem:s29], [sflag:$0x4] =	stream.indirect_vreg.gather [hbm4b:s2+s3], $0x80, v3, vm0, $0xb8;
	[tilespmem:$0x10400] =	vst v63  }
0xde: {  	s29 =	simm.s32 $0xEC00  }
0xdf: {  	[tilespmem:s29], [sflag:$0x4] =	stream.indirect_vreg.gather [hbm4b:s4+s3], $0x80, v3, vm0, $0xb8;
	[tilespmem:$0x10400] =	vst v63  }
0xe0: {  	s29 =	simm.s32 $0xF400  }
0xe1: {  	[tilespmem:s29], [sflag:$0x4] =	stream.indirect_vreg.gather [hbm4b:s5+s3], $0x80, v3, vm0, $0xb8;
	[tilespmem:$0x10400] =	vst v63  }
0xe2: {  	s29 =	simm.s32 $0xFC00  }
0xe3: {  	[tilespmem:s29], [sflag:$0x4] =	stream.indirect_vreg.gather [hbm4b:s6+s3], $0x80, v3, vm0, $0xb8;
	[tilespmem:$0x10400] =	vst v63  }
0xe4: {  	_ =	swait.ge [sflag:s22], $0x4000  }
0xe5: {  	[sflag:s22] =	ssyncset.done $0x0  }
0xe6: {  	s8 =	rddreg [dreg:$0x9];
	[sflag:s22] =	ssyncadd.s32 $0xFFFFC000  }
0xe7: {  	[hbm4b:s8+s3] =	stream.linear.scatter [tilespmem:s25], [sflag:$0x6], $0x4000, $0x38;
	[tilespmem:$0x10400] =	vst v63  }
0xe8: {  	_ =	swait.ge [sflag:s0], $0x4000  }
0xe9: {  	[sflag:s0] =	ssyncset.done $0x0  }
0xea: {  	s8 =	rddreg [dreg:$0xa];
	[sflag:s0] =	ssyncadd.s32 $0xFFFFC000  }
0xeb: {  	[hbm4b:s8+s3] =	stream.linear.scatter [tilespmem:s10], [sflag:$0x7], $0x4000, $0x38;
	[tilespmem:$0x10400] =	vst v63  }
0xec: {  	_ =	swait.ge [sflag:s24], $0x4000  }
0xed: {  	[sflag:s24] =	ssyncset.done $0x0  }
0xee: {  	s22 =	rddreg [dreg:$0xb];
	[sflag:s24] =	ssyncadd.s32 $0xFFFFC000  }
0xef: {  	[hbm4b:s22+s3] =	stream.linear.scatter [tilespmem:s20], [sflag:$0x8], $0x4000, $0x38;
	[tilespmem:$0x10400] =	vst v63  }
0xf0: {  	_ =	swait.ge [sflag:s23], $0x4000  }
0xf1: {  	[sflag:s23] =	ssyncset.done $0x0  }
0xf2: {  	[sflag:s23] =	ssyncadd.s32 $0xFFFFC000  }
0xf3: {  	_ =	swait.ge [sflag:s1], $0x4000  }
0xf4: {  	[sflag:s1] =	ssyncset.done $0x0  }
0xf5: {  	[sflag:s1] =	ssyncadd.s32 $0xFFFFC000  }
0xf6: {  	p0 =	sne.s32 s7, $0x1;
	_ =	swait.ge [sflag:s26], $0x4000  }
.Ltmp0:
0xf7: {  	[sflag:s26] =	ssyncset.done $0x0;
	(pc) =	sbr.rel @p0 .LBB2_1-.Ltmp0, $4  }
0xf8: {  	[sflag:s26] =	ssyncadd.s32 $0xFFFFC000  }
0xf9: {  	_ =	swait.ge [sflag:s28], $0x4000  }
0xfa: {  	[sflag:s28] =	ssyncset.done $0x0  }
0xfb: {  	s7 =	sadd.s32 $0xFFFFFFFF, s7;
	[sflag:s28] =	ssyncadd.s32 $0xFFFFC000  }
0xfc: {  	_ =	sfence.sel $0x180000  }
0xfd: {  	[bflag:$0x0] =	sbarrier.arrive $0xFFFF  }
0xfe: {  	_ =	strace $0x9000004A  }
0xff: {  	s0 =	stileid.u32;
	[bflag:$0x2] =	sbarrier.arrive $0xFFFF  }
0x100: {  	p0 =	sne.s32 s0, $0x0;
	s0 =	rddreg [dreg:$0x2]  }
0x101: {  	s0 =	sadd.s32 @!p0 $0x100000, s0  }
0x102: {  	[sflag:s0] =	ssyncadd.tile.s32 @!p0 $0x1;
	_ =	shalt  }
.Lfunc_end2:
_tile_overlayer_lowered:
.L_overlay_start_2:
0x103: {  	(tag) =	ssettag $0x2  }
0x104: {  	s0 =	rddreg [dreg:$0x0];
	s2 =	stileid.u32  }
0x105: {  	s1 =	rddreg [dreg:$0x1];
	p0 =	sne.s32 s2, $0x0  }
0x106: {  	s3 =	rddreg [dreg:$0x2];
	[bflag:$0x3] =	sbarrier.arrive $0xFFFF;
	s2 =	simm.s32 @!p0 $0x1C09  }
0x107: {  	[timem:s3], [sflag:s2] =	dma.local @!p0 [hbm:s0], s1  }
0x108: {  	s0 =	simm.s32 @!p0 $0x9  }
0x109: {  	_ =	swait.ge @!p0 [sflag:s0], s1  }
0x10a: {  	s1 =	ssub.s32 @!p0 $0x0, s1;
	[sflag:s0] =	ssyncset.done @!p0 $0x0  }
0x10b: {  	[sflag:s0] =	ssyncadd.s32 @!p0 s1  }
0x10c: {  	[bflag:$0x3] =	sbarrier.arrive $0xFFFF  }
0x10d: {  	_ =	shalt  }

// kernel: kernel.16.cloned.1.call-start
scs
__scs_entry_jumppad:
0x0: {  	(pc) =	sbr.rel $0x88, $3  }
0x1: {  	(tag) =	ssettag $0x0;
	lr =	simm.s32 $0x1  }
0x2: {  	[smem:$0x3F9A] =	sst lr;
	_ =	strace $0xD0000000  }
0x3: {  	_ = 	snop  }
0x4: {  	_ = 	snop  }
0x5: {  	_ = 	snop  }
0x6: {  	_ = 	snop  }
0x7: {  	_ = 	snop  }
__scs_overlays_trampoline_lowered:
0x8: {  	[smem:$0x3FA9] =	sst s0  }
0x9: {  	[smem:$0x3FAA] =	sst s1  }
0xa: {  	[smem:$0x3FAB] =	sst s2  }
0xb: {  	[smem:$0x3FAC] =	sst s3  }
0xc: {  	[smem:$0x3FAD] =	sst s4  }
0xd: {  	[smem:$0x3FAE] =	sst s5  }
0xe: {  	[smem:$0x3FAF] =	sst s6  }
0xf: {  	[smem:$0x3FB0] =	sst s7  }
0x10: {  	[smem:$0x3FB1] =	sst s8  }
0x11: {  	[smem:$0x3FB2] =	sst s9;
	s0 =	simm.s32 @!p0 $0x0  }
0x12: {  	s1 =	sld [smem:$0x3F98];
	s0 =	simm.s32 @p0 $0x1  }
0x13: {  	[smem:$0x3FB3] =	sst s0;
	s0 =	simm.s32 @!p1 $0x0  }
0x14: {  	s2 =	sld [smem:$0x3F97];
	s0 =	simm.s32 @p1 $0x1  }
0x15: {  	[smem:$0x3FB4] =	sst s0;
	s0 =	simm.s32 @!p2 $0x0  }
0x16: {  	s3 =	sld [smem:$0x3FDB];
	s0 =	simm.s32 @p2 $0x1  }
0x17: {  	s4 =	simm.s32 $0x1BF5;
	[smem:$0x3FB6] =	sst s0  }
0x18: {  	s0 =	sld [smem:$0x3F99];
	_ =	swait.ge [sflag:s4], $0x0  }
0x19: {  	s7 =	sld [smem:$0x3F9A]  }
0x1a: {  	s8 =	sadd.s32 $0xFFFFE003, lr  }
0x1b: {  	s9 =	sadd.s32 $0xFFFFFEF7, lr;
	s5 =	simm.s32 $0xFFFFFFFF;
	p2 =	slt.u32 s8, $0xFFFFF086  }
0x1c: {  	p1 =	slt.u32 s9, $0xF7A;
	s5 =	simm.s32 @!p2 $0x0  }
0x1d: {  	s5 =	simm.s32 @p1 $0x1;
	p0 =	seq.s32 s7, s2  }
0x1e: {  	s7 =	smul.u32 @!p0 $0xF7A, s2;
	p2 =	seq.s32 @!p0 s5, $0x0  }
0x1f: {  	s9 =	smul.u32 $0xF7A, s1;
	s8 =	simm.s32 @!p0 $0x1BF5;
	p2 =	por !p2, p0  }
0x20: {  	[sflag:s8] =	ssyncset.s32 @!p0 $0xFFFFF086;
	s6 =	sadd.s32 @!p0 s3, s7;
	s7 =	simm.s32 @!p0 $0x108  }
0x21: {  	s3 =	sadd.s32 s3, s9;
	s6 =	sadd.s32 @!p0 $0x88, s6;
	s7 =	simm.s32 @p2 $0x1082  }
0x22: {  	[simem:s7], [sflag:s8] =	dma.local @!p0 [hbm:s6], $0xF7A  }
0x23: {  	s9 =	sor.u32 $0xD0000000, s2;
	s6 =	simm.s32 $0x108;
	_ =	swait.ge @!p0 [sflag:s8], $0x0  }
0x24: {  	s3 =	sadd.s32 $0x88, s3;
	s6 =	simm.s32 @!p1 $0x1082;
	[sflag:s4] =	ssyncset.s32 $0xFFFFF086  }
0x25: {  	[simem:s6], [sflag:s4] =	dma.local [hbm:s3], $0xF7A  }
0x26: {  	[smem:$0x3F9A] =	sst s1;
	(tag) =	ssettag s2;
	_ =	strace s9  }
0x27: {  	s1 =	sld [smem:$0x3FAA]  }
0x28: {  	s2 =	sld [smem:$0x3FAB]  }
0x29: {  	s4 =	sld [smem:$0x3FAD]  }
0x2a: {  	p0 =	seq.s32 s5, $0x0;
	s5 =	sld [smem:$0x3FAE]  }
0x2b: {  	s6 =	sld [smem:$0x3FAF]  }
0x2c: {  	s7 =	sld [smem:$0x3FB0]  }
0x2d: {  	s3 =	simm.s32 $0x108;
	s8 =	sld [smem:$0x3FB1]  }
0x2e: {  	s3 =	simm.s32 @!p0 $0x1082;
	s9 =	sld [smem:$0x3FB2]  }
0x2f: {  	lr =	sadd.s32 s0, s3;
	s0 =	sld [smem:$0x3FA9]  }
0x30: {  	s3 =	sld [smem:$0x3FAC]  }
0x31: {  	[smem:$0x3FB5] =	sst s10  }
0x32: {  	s10 =	sld [smem:$0x3FB3];
	_ =	sdelay $0x3  }
0x33: {  	p0 =	seq.s32 s10, $0x1;
	s10 =	sld [smem:$0x3FB5];
	_ =	sdelay $0x3  }
0x34: {  	[smem:$0x3FB5] =	sst s10  }
0x35: {  	s10 =	sld [smem:$0x3FB4];
	_ =	sdelay $0x3  }
0x36: {  	p1 =	seq.s32 s10, $0x1;
	s10 =	sld [smem:$0x3FB5];
	_ =	sdelay $0x3  }
0x37: {  	[smem:$0x3FB5] =	sst s10  }
0x38: {  	s10 =	sld [smem:$0x3FB6]  }
0x39: {  	_ = 	snop;
	(pc) =	sbr.ind lr, $3  }
0x3a: {  	_ = 	snop  }
0x3b: {  	_ = 	snop  }
0x3c: {  	p2 =	seq.s32 s10, $0x1;
	s10 =	sld [smem:$0x3FB5]  }
0x3d: {  	_ =	shalt  }
0x3e: {  	_ =	shalt  }
0x3f: {  	_ =	shalt  }
0x40: {  	_ =	shalt  }
0x41: {  	_ =	shalt  }
0x42: {  	_ =	shalt  }
0x43: {  	_ =	shalt  }
0x44: {  	_ =	shalt  }
0x45: {  	_ =	shalt  }
0x46: {  	_ =	shalt  }
0x47: {  	_ =	shalt  }
0x48: {  	_ =	shalt  }
0x49: {  	_ =	shalt  }
0x4a: {  	_ =	shalt  }
0x4b: {  	_ =	shalt  }
0x4c: {  	_ =	shalt  }
0x4d: {  	_ =	shalt  }
0x4e: {  	_ =	shalt  }
0x4f: {  	_ =	shalt  }
0x50: {  	_ =	shalt  }
0x51: {  	_ =	shalt  }
0x52: {  	_ =	shalt  }
0x53: {  	_ =	shalt  }
0x54: {  	_ =	shalt  }
0x55: {  	_ =	shalt  }
0x56: {  	_ =	shalt  }
0x57: {  	_ =	shalt  }
0x58: {  	_ =	shalt  }
0x59: {  	_ =	shalt  }
0x5a: {  	_ =	shalt  }
0x5b: {  	_ =	shalt  }
0x5c: {  	_ =	shalt  }
0x5d: {  	_ =	shalt  }
0x5e: {  	_ =	shalt  }
0x5f: {  	_ =	shalt  }
0x60: {  	_ =	shalt  }
0x61: {  	_ =	shalt  }
0x62: {  	_ =	shalt  }
0x63: {  	_ =	shalt  }
0x64: {  	_ =	shalt  }
0x65: {  	_ =	shalt  }
0x66: {  	_ =	shalt  }
0x67: {  	_ =	shalt  }
0x68: {  	_ =	shalt  }
0x69: {  	_ =	shalt  }
0x6a: {  	_ =	shalt  }
0x6b: {  	_ =	shalt  }
0x6c: {  	_ =	shalt  }
0x6d: {  	_ =	shalt  }
0x6e: {  	_ =	shalt  }
0x6f: {  	_ =	shalt  }
0x70: {  	_ =	shalt  }
0x71: {  	_ =	shalt  }
0x72: {  	_ =	shalt  }
0x73: {  	_ =	shalt  }
0x74: {  	_ =	shalt  }
0x75: {  	_ =	shalt  }
0x76: {  	_ =	shalt  }
0x77: {  	_ =	shalt  }
0x78: {  	_ =	shalt  }
0x79: {  	_ =	shalt  }
0x7a: {  	_ =	shalt  }
0x7b: {  	_ =	shalt  }
0x7c: {  	_ =	shalt  }
0x7d: {  	_ =	shalt  }
0x7e: {  	_ =	shalt  }
0x7f: {  	_ =	shalt  }
0x80: {  	_ =	shalt  }
0x81: {  	_ =	shalt  }
0x82: {  	_ =	shalt  }
0x83: {  	_ =	shalt  }
0x84: {  	_ =	shalt  }
0x85: {  	_ =	shalt  }
0x86: {  	_ =	shalt  }
0x87: {  	_ =	shalt  }
.Lfunc_end0:
.L_simem_size_0:
called_computation.2_lowered:
.L_overlay_start_0:
0x88: {  	s2 =	sld [smem:$0x3FD9]  }
0x89: {  	s3 =	sld [smem:$0x3FFE];
	_ =	sdelay $0x1  }
0x8a: {  	s1 =	srdreg.scid  }
0x8b: {  	s0 =	sand.u32 $0x1, s1  }
0x8c: {  	s17 =	sshll.u32 s0, $0xA;
	s2 =	sadd.s32 s3, s2  }
0x8d: {  	s2 =	sadd.s32 s2, s17  }
0x8e: {  	[smem:$0x3FC1] =	sst s2  }
0x8f: {  	_ = 	snop  }
0x90: {  	s18 =	sld [smem:$0x3FC7];
	(tm) =	ssettm $0x1  }
0x91: {  	s19 =	sld [smem:$0x3FFB];
	_ =	sdelay $0x3  }
0x92: {  	_ =	strace s19  }
0x93: {  	s2 =	sld [smem:$0x3FFC];
	_ =	sdelay $0x3  }
0x94: {  	_ =	strace s2  }
0x95: {  	s2 =	sld [smem:$0x3FFD];
	_ =	sdelay $0x3  }
0x96: {  	_ =	strace s2  }
0x97: {  	_ =	strace $0x8FFFFFFF  }
0x98: {  	s20 =	sld [smem:$0x3FDB];
	_ =	sdelay $0x1  }
0x99: {  	s4 =	simm.s32 $_scs_section_size  }
0x9a: {  	s5 =	simm.s32 $_size__tile_overlayer_lowered;
	s6 =	simm.s32 $_tile_overlayer_lowered  }
0x9b: {  	s7 =	simm.s32 $0x1BFF;
	s21 =	sshll.u32 s6, $0x1;
	s4 =	sadd.s32 s4, s20  }
0x9c: {  	s22 =	simm.s32 $0x0;
	s5 =	sshll.u32 s5, $0x1;
	s6 =	sadd.s32 s21, s4  }
0x9d: {  	[timem:s22], [sflag:s7] =	dma.local [hbm:s6], s5  }
0x9e: {  	_ =	swait.ge [sflag:s7], s5  }
0x9f: {  	s5 =	ssub.s32 $0x0, s5;
	[sflag:s7] =	ssyncset.done $0x0  }
0xa0: {  	[sflag:s7] =	ssyncadd.s32 s5;
	_ =	sdelay $0x1  }
0xa1: {  	s23 =	simm.s32 $0x1B8B  }
0xa2: {  	_ =	swait.ge [sflag:s23], $0x1  }
0xa3: {  	[sflag:s23] =	ssyncset.done $0x0  }
0xa4: {  	[sflag:s23] =	ssyncadd.s32 $0xFFFFFFFF  }
0xa5: {  	s5 =	sld [smem:$0x0]  }
0xa6: {  	s6 =	sand.u32 $0xFFFFFFFE, s1  }
0xa7: {  	p0 =	sne.s32 s1, s6  }
0xa8: {  	s6 =	sshll.u32 @p0 s6, $0xE  }
0xa9: {  	s6 =	sadd.s32 @p0 $0x11B8D, s6;
	s7 =	sshll.u32 @p0 s5, $0x11  }
0xaa: {  	s6 =	sor.u32 @p0 s7, s6  }
0xab: {  	[sflag:s6] =	ssyncadd.remote.s32 @p0 $0x1;
	_ =	sdelay $0x1  }
0xac: {  	s6 =	simm.s32 @p0 $0x1B8D  }
0xad: {  	_ =	swait.eq @p0 [sflag:s6], $0x1  }
0xae: {  	[sflag:s6] =	ssyncadd.s32 @p0 $0xFFFFFFFF  }
0xaf: {  	s7 =	sshll.u32 @!p0 s1, $0xE  }
0xb0: {  	s7 =	sor.u32 @!p0 $0x4000, s7;
	s6 =	simm.s32 @!p0 $0x1B8D  }
0xb1: {  	s5 =	sshll.u32 @!p0 s5, $0x11;
	s7 =	sadd.s32 @!p0 $0x11B8D, s7;
	_ =	swait.eq @!p0 [sflag:s6], $0x1  }
0xb2: {  	s5 =	sor.u32 @!p0 s5, s7;
	[sflag:s6] =	ssyncadd.s32 @!p0 $0xFFFFFFFF  }
0xb3: {  	s25 =	simm.s32 $0x1B8E;
	s24 =	sld [smem:$0x3FFE];
	[sflag:s5] =	ssyncadd.remote.s32 @!p0 $0x1  }
0xb4: {  	s26 =	simm.s32 $execute0_lowered;
	[smem:$0x3FD2] =	sst s25  }
0xb5: {  	s6 =	sshll.u32 s26, $0x1;
	_ =	strace $0x8000004C;
	[dreg:$0x1] =	wrdreg $0xFFFFFFFF  }
0xb6: {  	s28 =	simm.s32 $_size_execute0_lowered;
	s4 =	sadd.s32 s4, s6;
	[dreg:$0x0] =	wrdreg $0x0  }
0xb7: {  	s6 =	sshll.u32 s28, $0x1;
	[dreg:$0x2] =	wrdreg s4  }
0xb8: {  	[dreg:$0x3] =	wrdreg s6  }
0xb9: {  	[dreg:$0x4] =	wrdreg $0xC0  }
0xba: {  	_ =	task [dreg:s22], $0x5FFFF  }
0xbb: {  	[dreg:$0x1] =	wrdreg $0xFFFFFFFF  }
0xbc: {  	[dreg:$0x0] =	wrdreg $0x60  }
0xbd: {  	[dreg:$0x2] =	wrdreg s18  }
0xbe: {  	[dreg:$0x3] =	wrdreg s24  }
0xbf: {  	[dreg:$0x4] =	wrdreg $0xB  }
0xc0: {  	_ =	task.clear_ibuf [dreg:s22], $0x5FFFF;
	_ =	strace $0x9000004C  }
0xc1: {  	s29 =	simm.s32 $0xB;
	_ =	strace $0x8000004E  }
0xc2: {  	_ =	swait.ge [sflag:s29], $0x1  }
0xc3: {  	[sflag:s29] =	ssyncadd.s32 $0xFFFFFFFF  }
0xc4: {  	_ =	strace $0x9000004E  }
0xc5: {  	_ =	sfence  }
0xc6: {  	s30 =	sld [smem:$0x0];
	_ =	sdelay $0x2  }
0xc7: {  	s31 =	sshll.u32 s1, $0xD;
	s1 =	sshrl.u32 s1, $0x2  }
0xc8: {  	s4 =	sand.u32 $0x4000, s31;
	s1 =	sadd.s32 s1, s30  }
0xc9: {  	s0 =	sor.u32 s4, s0;
	s1 =	sshll.u32 s1, $0x11  }
0xca: {  	s0 =	sor.u32 s1, s0  }
0xcb: {  	s0 =	sadd.s32 $0x8F2B, s0  }
0xcc: {  	[sflag:s0] =	ssyncadd.remote.s32 $0x1  }
0xcd: {  	_ =	sfence.sel $0xFFFF  }
0xce: {  	[dreg:$0x0] =	wrdreg $0xFFFFFFFF;
	(pc) =	sbr.abs _section_cstart, $3  }
0xcf: {  	[dreg:$0x1] =	wrdreg $0xFFFFFFFF  }
0xd0: {  	_ =	task.clear_ibuf [dreg:s22], $0x2FFFF;
	_ =	strace $0x9FFFFFFF  }
0xd1: {  	(tm) =	ssettm $0x7FFFFFFF  }
tec
execute0_lowered:
.L_overlay_start_1:
0x0: {  	(tag) =	ssettag $0x1  }
0x1: {  	s0 =	srdreg.scid;
	s2 =	rddreg [dreg:$0x0]  }
0x2: {  	s1 =	stileid.u32;
	s4 =	rddreg [dreg:$0x1]  }
0x3: {  	s3 =	simm.s32 $0x0;
	s28 =	simm.s32 $0x8;
	s17 =	simm.s32 $0x400  }
0x4: {  	s30 =	simm.s32 $0xC00;
	s31 =	simm.s32 $0x1400;
	s12 =	simm.s32 $0x2C00  }
0x5: {  	s13 =	simm.s32 $0x3400;
	s14 =	simm.s32 $0x3C00;
	s15 =	simm.s32 $0x4C00  }
0x6: {  	s16 =	simm.s32 $0x5400;
	s0 =	sand.u32 $0x1, s0;
	s1 =	sshll.u32 s1, $0x1  }
0x7: {  	s18 =	simm.s32 $0x5C00;
	s9 =	simm.s32 $0x7400;
	s1 =	sor.u32 s0, s1  }
0x8: {  	s11 =	simm.s32 $0x7C00;
	s10 =	simm.s32 $0x8400;
	s5 =	sshll.u32 s1, $0x7  }
0x9: {  	[smem:$0x7FF] =	sst s3;
	s1 =	sshll.u32 s1, $0xE;
	s5 =	sadd.s32 s5, s4  }
0xa: {  	s6 =	sadd.s32 $0x300, s2;
	s1 =	sadd.s32 s1, s4;
	s19 =	sadd.s32 $0x85000, s5  }
0xb: {  	_ =	strace $0x8000004D;
	s20 =	sadd.s32 $0x86000, s1;
	[dreg:$0x3] =	wrdreg s19  }
0xc: {  	s0 =	ssub.s32 $0x2, s0;
	s21 =	sadd.s32 $0x86800, s1;
	[dreg:$0x4] =	wrdreg s20  }
0xd: {  	s25 =	sshrl.u32 s0, $0x1;
	s22 =	sadd.s32 $0x87000, s1;
	[dreg:$0x5] =	wrdreg s21  }
0xe: {  	s0 =	ssub.s32 s0, s25;
	s23 =	sadd.s32 $0x87800, s1;
	[dreg:$0x6] =	wrdreg s22  }
0xf: {  	s4 =	sadd.s32 $0x100, s2;
	s24 =	sadd.s32 $0x88000, s1;
	[dreg:$0x7] =	wrdreg s23  }
0x10: {  	s25 =	simm.s32 $0x4400;
	s26 =	sadd.s32 $0x88800, s1;
	[dreg:$0x8] =	wrdreg s24  }
0x11: {  	s29 =	sadd.s32 $0x89000, s1;
	s1 =	sadd.s32 $0x89800, s1;
	[dreg:$0x9] =	wrdreg s26  }
0x12: {  	v2 =	vlaneseq.u32;
	s5 =	sadd.s32 $0x200, s2;
	s7 =	smax.u32 s0, $0x1;
	[dreg:$0xa] =	wrdreg s29  }
0x13: {  	vm0 =	vmmov $0xffff;
	v1 =	vshrl.u32 v2, $0x3;
	[dreg:$0xb] =	wrdreg s1;
	s24 =	simm.s32 $0x4;
	s26 =	simm.s32 $0x7  }
0x14: {  	v0 =	vand.u32 $0x7, v2;
	v2 =	vor.u32 $0x8, v2;
	v1 =	vmul.u32 $0x8, v1;
	s19 =	simm.s32 $0x6400;
	s21 =	simm.s32 $0x1;
	s23 =	simm.s32 $0x5  }
.LBB2_1:
0x15: {  	s29 =	rddreg [dreg:$0x3];
	s0 =	simm.s32 $0x9  }
0x16: {  	[tilespmem:s3], [sflag:$0x9] =	stream.linear.gather [hbm4b:s29+s3], $0x400, $0x38;
	[tilespmem:$0x10400] =	vst v63  }
0x17: {  	_ =	swait.ge [sflag:s0], $0x400  }
0x18: {  	[sflag:s0] =	ssyncset.done $0x0  }
0x19: {  	[sflag:s0] =	ssyncadd.s32 $0xFFFFFC00  }
0x1a: {  	v3 =	vld [tilespmem:$0x0];
	_ =	sdelay $0x4  }
0x1b: {  	v4 =	vshll.u32 v3, $0x3  }
0x1c: {  	v3 =	vand.u32 $0x7, v3;
	v4 =	vand.u32 $0xFFFFFFC0, v4  }
0x1d: {  	v3 =	vor.u32 v3, v4  }
0x1e: {  	v4 =	vperm.xlane v3, v0;
	_ =	sdelay $0x1  }
0x1f: {  	v4 =	vadd.s32 v1, v4;
	_ =	sdelay $0x4  }
0x20: {  	[tilespmem:s17], [sflag:$0x1] =	stream.indirect_vreg.gather [hbm4b:s2+s3], $0x80, v4, vm0, $0xb8;
	[tilespmem:$0x10400] =	vst v63  }
0x21: {  	v3 =	vperm.xlane v3, v2  }
0x22: {  	[tilespmem:s30], [sflag:$0x1] =	stream.indirect_vreg.gather [hbm4b:s4+s3], $0x80, v4, vm0, $0xb8;
	[tilespmem:$0x10400] =	vst v63  }
0x23: {  	v3 =	vadd.s32 v1, v3  }
0x24: {  	[tilespmem:s31], [sflag:$0x1] =	stream.indirect_vreg.gather [hbm4b:s5+s3], $0x80, v4, vm0, $0xb8;
	[tilespmem:$0x10400] =	vst v63  }
0x25: {  	s1 =	simm.s32 $0x1C00  }
0x26: {  	[tilespmem:s1], [sflag:$0x1] =	stream.indirect_vreg.gather [hbm4b:s6+s3], $0x80, v4, vm0, $0xb8;
	[tilespmem:$0x10400] =	vst v63  }
0x27: {  	s0 =	simm.s32 $0x2400  }
0x28: {  	[tilespmem:s0], [sflag:$0x1] =	stream.indirect_vreg.gather [hbm4b:s2+s3], $0x80, v3, vm0, $0xb8;
	[tilespmem:$0x10400] =	vst v63  }
0x29: {  	_ = 	snop  }
0x2a: {  	[tilespmem:s12], [sflag:$0x1] =	stream.indirect_vreg.gather [hbm4b:s4+s3], $0x80, v3, vm0, $0xb8;
	[tilespmem:$0x10400] =	vst v63  }
0x2b: {  	_ = 	snop  }
0x2c: {  	[tilespmem:s13], [sflag:$0x1] =	stream.indirect_vreg.gather [hbm4b:s5+s3], $0x80, v3, vm0, $0xb8;
	[tilespmem:$0x10400] =	vst v63  }
0x2d: {  	_ = 	snop  }
0x2e: {  	[tilespmem:s14], [sflag:$0x1] =	stream.indirect_vreg.gather [hbm4b:s6+s3], $0x80, v3, vm0, $0xb8;
	[tilespmem:$0x10400] =	vst v63  }
0x2f: {  	v3 =	vld [tilespmem:$0x80];
	_ =	sdelay $0x4  }
0x30: {  	v57 =	vshll.u32 v3, $0x3  }
0x31: {  	v3 =	vand.u32 $0x7, v3;
	v4 =	vand.u32 $0xFFFFFFC0, v57  }
0x32: {  	v3 =	vor.u32 v3, v4  }
0x33: {  	v4 =	vperm.xlane v3, v0;
	_ =	sdelay $0x1  }
0x34: {  	v4 =	vadd.s32 v1, v4;
	_ =	sdelay $0x4  }
0x35: {  	[tilespmem:s25], [sflag:$0x2] =	stream.indirect_vreg.gather [hbm4b:s2+s3], $0x80, v4, vm0, $0xb8;
	[tilespmem:$0x10400] =	vst v63  }
0x36: {  	v3 =	vperm.xlane v3, v2  }
0x37: {  	[tilespmem:s15], [sflag:$0x2] =	stream.indirect_vreg.gather [hbm4b:s4+s3], $0x80, v4, vm0, $0xb8;
	[tilespmem:$0x10400] =	vst v63  }
0x38: {  	v3 =	vadd.s32 v1, v3  }
0x39: {  	[tilespmem:s16], [sflag:$0x2] =	stream.indirect_vreg.gather [hbm4b:s5+s3], $0x80, v4, vm0, $0xb8;
	[tilespmem:$0x10400] =	vst v63  }
0x3a: {  	_ = 	snop  }
0x3b: {  	[tilespmem:s18], [sflag:$0x2] =	stream.indirect_vreg.gather [hbm4b:s6+s3], $0x80, v4, vm0, $0xb8;
	[tilespmem:$0x10400] =	vst v63  }
0x3c: {  	_ = 	snop  }
0x3d: {  	[tilespmem:s19], [sflag:$0x2] =	stream.indirect_vreg.gather [hbm4b:s2+s3], $0x80, v3, vm0, $0xb8;
	[tilespmem:$0x10400] =	vst v63  }
0x3e: {  	s8 =	simm.s32 $0x6C00  }
0x3f: {  	[tilespmem:s8], [sflag:$0x2] =	stream.indirect_vreg.gather [hbm4b:s4+s3], $0x80, v3, vm0, $0xb8;
	[tilespmem:$0x10400] =	vst v63  }
0x40: {  	_ = 	snop  }
0x41: {  	[tilespmem:s9], [sflag:$0x2] =	stream.indirect_vreg.gather [hbm4b:s5+s3], $0x80, v3, vm0, $0xb8;
	[tilespmem:$0x10400] =	vst v63  }
0x42: {  	_ = 	snop  }
0x43: {  	[tilespmem:s11], [sflag:$0x2] =	stream.indirect_vreg.gather [hbm4b:s6+s3], $0x80, v3, vm0, $0xb8;
	[tilespmem:$0x10400] =	vst v63  }
0x44: {  	v3 =	vld [tilespmem:$0x100];
	_ =	sdelay $0x4  }
0x45: {  	v58 =	vshll.u32 v3, $0x3  }
0x46: {  	v3 =	vand.u32 $0x7, v3;
	v4 =	vand.u32 $0xFFFFFFC0, v58  }
0x47: {  	v3 =	vor.u32 v3, v4  }
0x48: {  	v4 =	vperm.xlane v3, v0;
	_ =	sdelay $0x1  }
0x49: {  	v4 =	vadd.s32 v1, v4;
	_ =	sdelay $0x4  }
0x4a: {  	[tilespmem:s10], [sflag:$0x3] =	stream.indirect_vreg.gather [hbm4b:s2+s3], $0x80, v4, vm0, $0xb8;
	[tilespmem:$0x10400] =	vst v63  }
0x4b: {  	s20 =	simm.s32 $0x8C00;
	v3 =	vperm.xlane v3, v2  }
0x4c: {  	[tilespmem:s20], [sflag:$0x3] =	stream.indirect_vreg.gather [hbm4b:s4+s3], $0x80, v4, vm0, $0xb8;
	[tilespmem:$0x10400] =	vst v63  }
0x4d: {  	s22 =	simm.s32 $0x9400;
	v3 =	vadd.s32 v1, v3  }
0x4e: {  	[tilespmem:s22], [sflag:$0x3] =	stream.indirect_vreg.gather [hbm4b:s5+s3], $0x80, v4, vm0, $0xb8;
	[tilespmem:$0x10400] =	vst v63  }
0x4f: {  	s29 =	simm.s32 $0x9C00  }
0x50: {  	[tilespmem:s29], [sflag:$0x3] =	stream.indirect_vreg.gather [hbm4b:s6+s3], $0x80, v4, vm0, $0xb8;
	[tilespmem:$0x10400] =	vst v63  }
0x51: {  	s22 =	simm.s32 $0xA400  }
0x52: {  	[tilespmem:s22], [sflag:$0x3] =	stream.indirect_vreg.gather [hbm4b:s2+s3], $0x80, v3, vm0, $0xb8;
	[tilespmem:$0x10400] =	vst v63  }
0x53: {  	s29 =	simm.s32 $0xAC00  }
0x54: {  	[tilespmem:s29], [sflag:$0x3] =	stream.indirect_vreg.gather [hbm4b:s4+s3], $0x80, v3, vm0, $0xb8;
	[tilespmem:$0x10400] =	vst v63  }
0x55: {  	s22 =	simm.s32 $0xB400  }
0x56: {  	[tilespmem:s22], [sflag:$0x3] =	stream.indirect_vreg.gather [hbm4b:s5+s3], $0x80, v3, vm0, $0xb8;
	[tilespmem:$0x10400] =	vst v63  }
0x57: {  	s29 =	simm.s32 $0xBC00  }
0x58: {  	[tilespmem:s29], [sflag:$0x3] =	stream.indirect_vreg.gather [hbm4b:s6+s3], $0x80, v3, vm0, $0xb8;
	[tilespmem:$0x10400] =	vst v63  }
0x59: {  	_ =	swait.ge [sflag:s21], $0x4000  }
0x5a: {  	[sflag:s21] =	ssyncset.done $0x0  }
0x5b: {  	s22 =	rddreg [dreg:$0x4];
	[sflag:s21] =	ssyncadd.s32 $0xFFFFC000  }
0x5c: {  	[hbm4b:s22+s3] =	stream.linear.scatter [tilespmem:s17], [sflag:$0x5], $0x4000, $0x38;
	[tilespmem:$0x10400] =	vst v63  }
0x5d: {  	v3 =	vld [tilespmem:$0x180];
	_ =	sdelay $0x4  }
0x5e: {  	v59 =	vshll.u32 v3, $0x3  }
0x5f: {  	v3 =	vand.u32 $0x7, v3;
	v4 =	vand.u32 $0xFFFFFFC0, v59  }
0x60: {  	v3 =	vor.u32 v3, v4  }
0x61: {  	v4 =	vperm.xlane v3, v0;
	_ =	sdelay $0x1  }
0x62: {  	v4 =	vadd.s32 v1, v4;
	_ =	sdelay $0x3  }
0x63: {  	s20 =	simm.s32 $0xC400  }
0x64: {  	[tilespmem:s20], [sflag:$0x4] =	stream.indirect_vreg.gather [hbm4b:s2+s3], $0x80, v4, vm0, $0xb8;
	[tilespmem:$0x10400] =	vst v63  }
0x65: {  	s22 =	simm.s32 $0xCC00;
	v3 =	vperm.xlane v3, v2  }
0x66: {  	[tilespmem:s22], [sflag:$0x4] =	stream.indirect_vreg.gather [hbm4b:s4+s3], $0x80, v4, vm0, $0xb8;
	[tilespmem:$0x10400] =	vst v63  }
0x67: {  	s29 =	simm.s32 $0xD400;
	v3 =	vadd.s32 v1, v3  }
0x68: {  	[tilespmem:s29], [sflag:$0x4] =	stream.indirect_vreg.gather [hbm4b:s5+s3], $0x80, v4, vm0, $0xb8;
	[tilespmem:$0x10400] =	vst v63  }
0x69: {  	s29 =	simm.s32 $0xDC00  }
0x6a: {  	[tilespmem:s29], [sflag:$0x4] =	stream.indirect_vreg.gather [hbm4b:s6+s3], $0x80, v4, vm0, $0xb8;
	[tilespmem:$0x10400] =	vst v63  }
0x6b: {  	s29 =	simm.s32 $0xE400  }
0x6c: {  	[tilespmem:s29], [sflag:$0x4] =	stream.indirect_vreg.gather [hbm4b:s2+s3], $0x80, v3, vm0, $0xb8;
	[tilespmem:$0x10400] =	vst v63  }
0x6d: {  	s29 =	simm.s32 $0xEC00  }
0x6e: {  	[tilespmem:s29], [sflag:$0x4] =	stream.indirect_vreg.gather [hbm4b:s4+s3], $0x80, v3, vm0, $0xb8;
	[tilespmem:$0x10400] =	vst v63  }
0x6f: {  	s29 =	simm.s32 $0xF400  }
0x70: {  	[tilespmem:s29], [sflag:$0x4] =	stream.indirect_vreg.gather [hbm4b:s5+s3], $0x80, v3, vm0, $0xb8;
	[tilespmem:$0x10400] =	vst v63  }
0x71: {  	s22 =	simm.s32 $0x2;
	s29 =	simm.s32 $0xFC00  }
0x72: {  	[tilespmem:s29], [sflag:$0x4] =	stream.indirect_vreg.gather [hbm4b:s6+s3], $0x80, v3, vm0, $0xb8;
	[tilespmem:$0x10400] =	vst v63  }
0x73: {  	_ =	swait.ge [sflag:s22], $0x4000  }
0x74: {  	[sflag:s22] =	ssyncset.done $0x0  }
0x75: {  	s29 =	rddreg [dreg:$0x5];
	[sflag:s22] =	ssyncadd.s32 $0xFFFFC000  }
0x76: {  	[hbm4b:s29+s3] =	stream.linear.scatter [tilespmem:s25], [sflag:$0x6], $0x4000, $0x38;
	[tilespmem:$0x10400] =	vst v63  }
0x77: {  	_ =	swait.ge [sflag:s23], $0x4000  }
0x78: {  	[sflag:s23] =	ssyncset.done $0x0  }
0x79: {  	[sflag:s23] =	ssyncadd.s32 $0xFFFFC000  }
0x7a: {  	v3 =	vld [tilespmem:$0x200];
	_ =	sdelay $0x4  }
0x7b: {  	v60 =	vshll.u32 v3, $0x3  }
0x7c: {  	v3 =	vand.u32 $0x7, v3;
	v4 =	vand.u32 $0xFFFFFFC0, v60  }
0x7d: {  	v3 =	vor.u32 v3, v4  }
0x7e: {  	v4 =	vperm.xlane v3, v0;
	_ =	sdelay $0x1  }
0x7f: {  	v4 =	vadd.s32 v1, v4;
	_ =	sdelay $0x4  }
0x80: {  	[tilespmem:s17], [sflag:$0x1] =	stream.indirect_vreg.gather [hbm4b:s2+s3], $0x80, v4, vm0, $0xb8;
	[tilespmem:$0x10400] =	vst v63  }
0x81: {  	v3 =	vperm.xlane v3, v2  }
0x82: {  	[tilespmem:s30], [sflag:$0x1] =	stream.indirect_vreg.gather [hbm4b:s4+s3], $0x80, v4, vm0, $0xb8;
	[tilespmem:$0x10400] =	vst v63  }
0x83: {  	v3 =	vadd.s32 v1, v3  }
0x84: {  	[tilespmem:s31], [sflag:$0x1] =	stream.indirect_vreg.gather [hbm4b:s5+s3], $0x80, v4, vm0, $0xb8;
	[tilespmem:$0x10400] =	vst v63  }
0x85: {  	_ = 	snop  }
0x86: {  	[tilespmem:s1], [sflag:$0x1] =	stream.indirect_vreg.gather [hbm4b:s6+s3], $0x80, v4, vm0, $0xb8;
	[tilespmem:$0x10400] =	vst v63  }
0x87: {  	_ = 	snop  }
0x88: {  	[tilespmem:s0], [sflag:$0x1] =	stream.indirect_vreg.gather [hbm4b:s2+s3], $0x80, v3, vm0, $0xb8;
	[tilespmem:$0x10400] =	vst v63  }
0x89: {  	_ = 	snop  }
0x8a: {  	[tilespmem:s12], [sflag:$0x1] =	stream.indirect_vreg.gather [hbm4b:s4+s3], $0x80, v3, vm0, $0xb8;
	[tilespmem:$0x10400] =	vst v63  }
0x8b: {  	_ = 	snop  }
0x8c: {  	[tilespmem:s13], [sflag:$0x1] =	stream.indirect_vreg.gather [hbm4b:s5+s3], $0x80, v3, vm0, $0xb8;
	[tilespmem:$0x10400] =	vst v63  }
0x8d: {  	s0 =	simm.s32 $0x3  }
0x8e: {  	[tilespmem:s14], [sflag:$0x1] =	stream.indirect_vreg.gather [hbm4b:s6+s3], $0x80, v3, vm0, $0xb8;
	[tilespmem:$0x10400] =	vst v63  }
0x8f: {  	_ =	swait.ge [sflag:s0], $0x4000  }
0x90: {  	[sflag:s0] =	ssyncset.done $0x0  }
0x91: {  	s1 =	rddreg [dreg:$0x6];
	[sflag:s0] =	ssyncadd.s32 $0xFFFFC000  }
0x92: {  	[hbm4b:s1+s3] =	stream.linear.scatter [tilespmem:s10], [sflag:$0x7], $0x4000, $0x38;
	[tilespmem:$0x10400] =	vst v63  }
0x93: {  	s1 =	simm.s32 $0x6  }
0x94: {  	_ =	swait.ge [sflag:s1], $0x4000  }
0x95: {  	[sflag:s1] =	ssyncset.done $0x0  }
0x96: {  	[sflag:s1] =	ssyncadd.s32 $0xFFFFC000  }
0x97: {  	v3 =	vld [tilespmem:$0x280];
	_ =	sdelay $0x4  }
0x98: {  	v61 =	vshll.u32 v3, $0x3  }
0x99: {  	v3 =	vand.u32 $0x7, v3;
	v4 =	vand.u32 $0xFFFFFFC0, v61  }
0x9a: {  	v3 =	vor.u32 v3, v4  }
0x9b: {  	v4 =	vperm.xlane v3, v0;
	_ =	sdelay $0x1  }
0x9c: {  	v4 =	vadd.s32 v1, v4;
	_ =	sdelay $0x4  }
0x9d: {  	[tilespmem:s25], [sflag:$0x2] =	stream.indirect_vreg.gather [hbm4b:s2+s3], $0x80, v4, vm0, $0xb8;
	[tilespmem:$0x10400] =	vst v63  }
0x9e: {  	v3 =	vperm.xlane v3, v2  }
0x9f: {  	[tilespmem:s15], [sflag:$0x2] =	stream.indirect_vreg.gather [hbm4b:s4+s3], $0x80, v4, vm0, $0xb8;
	[tilespmem:$0x10400] =	vst v63  }
0xa0: {  	v3 =	vadd.s32 v1, v3  }
0xa1: {  	[tilespmem:s16], [sflag:$0x2] =	stream.indirect_vreg.gather [hbm4b:s5+s3], $0x80, v4, vm0, $0xb8;
	[tilespmem:$0x10400] =	vst v63  }
0xa2: {  	_ = 	snop  }
0xa3: {  	[tilespmem:s18], [sflag:$0x2] =	stream.indirect_vreg.gather [hbm4b:s6+s3], $0x80, v4, vm0, $0xb8;
	[tilespmem:$0x10400] =	vst v63  }
0xa4: {  	_ = 	snop  }
0xa5: {  	[tilespmem:s19], [sflag:$0x2] =	stream.indirect_vreg.gather [hbm4b:s2+s3], $0x80, v3, vm0, $0xb8;
	[tilespmem:$0x10400] =	vst v63  }
0xa6: {  	_ = 	snop  }
0xa7: {  	[tilespmem:s8], [sflag:$0x2] =	stream.indirect_vreg.gather [hbm4b:s4+s3], $0x80, v3, vm0, $0xb8;
	[tilespmem:$0x10400] =	vst v63  }
0xa8: {  	_ = 	snop  }
0xa9: {  	[tilespmem:s9], [sflag:$0x2] =	stream.indirect_vreg.gather [hbm4b:s5+s3], $0x80, v3, vm0, $0xb8;
	[tilespmem:$0x10400] =	vst v63  }
0xaa: {  	_ = 	snop  }
0xab: {  	[tilespmem:s11], [sflag:$0x2] =	stream.indirect_vreg.gather [hbm4b:s6+s3], $0x80, v3, vm0, $0xb8;
	[tilespmem:$0x10400] =	vst v63  }
0xac: {  	_ =	swait.ge [sflag:s24], $0x4000  }
0xad: {  	[sflag:s24] =	ssyncset.done $0x0  }
0xae: {  	s8 =	rddreg [dreg:$0x7];
	[sflag:s24] =	ssyncadd.s32 $0xFFFFC000  }
0xaf: {  	[hbm4b:s8+s3] =	stream.linear.scatter [tilespmem:s20], [sflag:$0x8], $0x4000, $0x38;
	[tilespmem:$0x10400] =	vst v63  }
0xb0: {  	_ =	swait.ge [sflag:s26], $0x4000  }
0xb1: {  	[sflag:s26] =	ssyncset.done $0x0  }
0xb2: {  	[sflag:s26] =	ssyncadd.s32 $0xFFFFC000  }
0xb3: {  	v3 =	vld [tilespmem:$0x300];
	_ =	sdelay $0x4  }
0xb4: {  	v62 =	vshll.u32 v3, $0x3  }
0xb5: {  	v3 =	vand.u32 $0x7, v3;
	v4 =	vand.u32 $0xFFFFFFC0, v62  }
0xb6: {  	v3 =	vor.u32 v3, v4  }
0xb7: {  	v4 =	vperm.xlane v3, v0;
	_ =	sdelay $0x1  }
0xb8: {  	v4 =	vadd.s32 v1, v4;
	_ =	sdelay $0x4  }
0xb9: {  	[tilespmem:s10], [sflag:$0x3] =	stream.indirect_vreg.gather [hbm4b:s2+s3], $0x80, v4, vm0, $0xb8;
	[tilespmem:$0x10400] =	vst v63  }
0xba: {  	s29 =	simm.s32 $0x8C00;
	v3 =	vperm.xlane v3, v2  }
0xbb: {  	[tilespmem:s29], [sflag:$0x3] =	stream.indirect_vreg.gather [hbm4b:s4+s3], $0x80, v4, vm0, $0xb8;
	[tilespmem:$0x10400] =	vst v63  }
0xbc: {  	v3 =	vadd.s32 v1, v3;
	s29 =	simm.s32 $0x9400  }
0xbd: {  	[tilespmem:s29], [sflag:$0x3] =	stream.indirect_vreg.gather [hbm4b:s5+s3], $0x80, v4, vm0, $0xb8;
	[tilespmem:$0x10400] =	vst v63  }
0xbe: {  	s29 =	simm.s32 $0x9C00  }
0xbf: {  	[tilespmem:s29], [sflag:$0x3] =	stream.indirect_vreg.gather [hbm4b:s6+s3], $0x80, v4, vm0, $0xb8;
	[tilespmem:$0x10400] =	vst v63  }
0xc0: {  	s29 =	simm.s32 $0xA400  }
0xc1: {  	[tilespmem:s29], [sflag:$0x3] =	stream.indirect_vreg.gather [hbm4b:s2+s3], $0x80, v3, vm0, $0xb8;
	[tilespmem:$0x10400] =	vst v63  }
0xc2: {  	s29 =	simm.s32 $0xAC00  }
0xc3: {  	[tilespmem:s29], [sflag:$0x3] =	stream.indirect_vreg.gather [hbm4b:s4+s3], $0x80, v3, vm0, $0xb8;
	[tilespmem:$0x10400] =	vst v63  }
0xc4: {  	s29 =	simm.s32 $0xB400  }
0xc5: {  	[tilespmem:s29], [sflag:$0x3] =	stream.indirect_vreg.gather [hbm4b:s5+s3], $0x80, v3, vm0, $0xb8;
	[tilespmem:$0x10400] =	vst v63  }
0xc6: {  	s29 =	simm.s32 $0xBC00  }
0xc7: {  	[tilespmem:s29], [sflag:$0x3] =	stream.indirect_vreg.gather [hbm4b:s6+s3], $0x80, v3, vm0, $0xb8;
	[tilespmem:$0x10400] =	vst v63  }
0xc8: {  	_ =	swait.ge [sflag:s21], $0x4000  }
0xc9: {  	[sflag:s21] =	ssyncset.done $0x0  }
0xca: {  	s8 =	rddreg [dreg:$0x8];
	[sflag:s21] =	ssyncadd.s32 $0xFFFFC000  }
0xcb: {  	[hbm4b:s8+s3] =	stream.linear.scatter [tilespmem:s17], [sflag:$0x5], $0x4000, $0x38;
	[tilespmem:$0x10400] =	vst v63  }
0xcc: {  	_ =	swait.ge [sflag:s28], $0x4000  }
0xcd: {  	[sflag:s28] =	ssyncset.done $0x0  }
0xce: {  	[sflag:s28] =	ssyncadd.s32 $0xFFFFC000  }
0xcf: {  	v3 =	vld [tilespmem:$0x380];
	_ =	sdelay $0x4  }
0xd0: {  	v63 =	vshll.u32 v3, $0x3  }
0xd1: {  	v3 =	vand.u32 $0x7, v3;
	v4 =	vand.u32 $0xFFFFFFC0, v63  }
0xd2: {  	v3 =	vor.u32 v3, v4  }
0xd3: {  	v4 =	vperm.xlane v3, v0;
	_ =	sdelay $0x1  }
0xd4: {  	v4 =	vadd.s32 v1, v4;
	_ =	sdelay $0x4  }
0xd5: {  	[tilespmem:s20], [sflag:$0x4] =	stream.indirect_vreg.gather [hbm4b:s2+s3], $0x80, v4, vm0, $0xb8;
	[tilespmem:$0x10400] =	vst v63  }
0xd6: {  	s29 =	simm.s32 $0xCC00;
	v3 =	vperm.xlane v3, v2  }
0xd7: {  	[tilespmem:s29], [sflag:$0x4] =	stream.indirect_vreg.gather [hbm4b:s4+s3], $0x80, v4, vm0, $0xb8;
	[tilespmem:$0x10400] =	vst v63  }
0xd8: {  	v3 =	vadd.s32 v1, v3;
	s29 =	simm.s32 $0xD400  }
0xd9: {  	[tilespmem:s29], [sflag:$0x4] =	stream.indirect_vreg.gather [hbm4b:s5+s3], $0x80, v4, vm0, $0xb8;
	[tilespmem:$0x10400] =	vst v63  }
0xda: {  	s29 =	simm.s32 $0xDC00  }
0xdb: {  	[tilespmem:s29], [sflag:$0x4] =	stream.indirect_vreg.gather [hbm4b:s6+s3], $0x80, v4, vm0, $0xb8;
	[tilespmem:$0x10400] =	vst v63  }
0xdc: {  	s29 =	simm.s32 $0xE400  }
0xdd: {  	[tilespmem:s29], [sflag:$0x4] =	stream.indirect_vreg.gather [hbm4b:s2+s3], $0x80, v3, vm0, $0xb8;
	[tilespmem:$0x10400] =	vst v63  }
0xde: {  	s29 =	simm.s32 $0xEC00  }
0xdf: {  	[tilespmem:s29], [sflag:$0x4] =	stream.indirect_vreg.gather [hbm4b:s4+s3], $0x80, v3, vm0, $0xb8;
	[tilespmem:$0x10400] =	vst v63  }
0xe0: {  	s29 =	simm.s32 $0xF400  }
0xe1: {  	[tilespmem:s29], [sflag:$0x4] =	stream.indirect_vreg.gather [hbm4b:s5+s3], $0x80, v3, vm0, $0xb8;
	[tilespmem:$0x10400] =	vst v63  }
0xe2: {  	s29 =	simm.s32 $0xFC00  }
0xe3: {  	[tilespmem:s29], [sflag:$0x4] =	stream.indirect_vreg.gather [hbm4b:s6+s3], $0x80, v3, vm0, $0xb8;
	[tilespmem:$0x10400] =	vst v63  }
0xe4: {  	_ =	swait.ge [sflag:s22], $0x4000  }
0xe5: {  	[sflag:s22] =	ssyncset.done $0x0  }
0xe6: {  	s8 =	rddreg [dreg:$0x9];
	[sflag:s22] =	ssyncadd.s32 $0xFFFFC000  }
0xe7: {  	[hbm4b:s8+s3] =	stream.linear.scatter [tilespmem:s25], [sflag:$0x6], $0x4000, $0x38;
	[tilespmem:$0x10400] =	vst v63  }
0xe8: {  	_ =	swait.ge [sflag:s0], $0x4000  }
0xe9: {  	[sflag:s0] =	ssyncset.done $0x0  }
0xea: {  	s8 =	rddreg [dreg:$0xa];
	[sflag:s0] =	ssyncadd.s32 $0xFFFFC000  }
0xeb: {  	[hbm4b:s8+s3] =	stream.linear.scatter [tilespmem:s10], [sflag:$0x7], $0x4000, $0x38;
	[tilespmem:$0x10400] =	vst v63  }
0xec: {  	_ =	swait.ge [sflag:s24], $0x4000  }
0xed: {  	[sflag:s24] =	ssyncset.done $0x0  }
0xee: {  	s22 =	rddreg [dreg:$0xb];
	[sflag:s24] =	ssyncadd.s32 $0xFFFFC000  }
0xef: {  	[hbm4b:s22+s3] =	stream.linear.scatter [tilespmem:s20], [sflag:$0x8], $0x4000, $0x38;
	[tilespmem:$0x10400] =	vst v63  }
0xf0: {  	_ =	swait.ge [sflag:s23], $0x4000  }
0xf1: {  	[sflag:s23] =	ssyncset.done $0x0  }
0xf2: {  	[sflag:s23] =	ssyncadd.s32 $0xFFFFC000  }
0xf3: {  	_ =	swait.ge [sflag:s1], $0x4000  }
0xf4: {  	[sflag:s1] =	ssyncset.done $0x0  }
0xf5: {  	[sflag:s1] =	ssyncadd.s32 $0xFFFFC000  }
0xf6: {  	p0 =	sne.s32 s7, $0x1;
	_ =	swait.ge [sflag:s26], $0x4000  }
.Ltmp0:
0xf7: {  	[sflag:s26] =	ssyncset.done $0x0;
	(pc) =	sbr.rel @p0 .LBB2_1-.Ltmp0, $4  }
0xf8: {  	[sflag:s26] =	ssyncadd.s32 $0xFFFFC000  }
0xf9: {  	_ =	swait.ge [sflag:s28], $0x4000  }
0xfa: {  	[sflag:s28] =	ssyncset.done $0x0  }
0xfb: {  	s7 =	sadd.s32 $0xFFFFFFFF, s7;
	[sflag:s28] =	ssyncadd.s32 $0xFFFFC000  }
0xfc: {  	_ =	sfence.sel $0x180000  }
0xfd: {  	[bflag:$0x0] =	sbarrier.arrive $0xFFFF  }
0xfe: {  	_ =	strace $0x9000004D  }
0xff: {  	s0 =	stileid.u32;
	[bflag:$0x2] =	sbarrier.arrive $0xFFFF  }
0x100: {  	p0 =	sne.s32 s0, $0x0;
	s0 =	rddreg [dreg:$0x2]  }
0x101: {  	s0 =	sadd.s32 @!p0 $0x100000, s0  }
0x102: {  	[sflag:s0] =	ssyncadd.tile.s32 @!p0 $0x1;
	_ =	shalt  }
.Lfunc_end2:
_tile_overlayer_lowered:
.L_overlay_start_2:
0x103: {  	(tag) =	ssettag $0x2  }
0x104: {  	s0 =	rddreg [dreg:$0x0];
	s2 =	stileid.u32  }
0x105: {  	s1 =	rddreg [dreg:$0x1];
	p0 =	sne.s32 s2, $0x0  }
0x106: {  	s3 =	rddreg [dreg:$0x2];
	[bflag:$0x3] =	sbarrier.arrive $0xFFFF;
	s2 =	simm.s32 @!p0 $0x1C09  }
0x107: {  	[timem:s3], [sflag:s2] =	dma.local @!p0 [hbm:s0], s1  }
0x108: {  	s0 =	simm.s32 @!p0 $0x9  }
0x109: {  	_ =	swait.ge @!p0 [sflag:s0], s1  }
0x10a: {  	s1 =	ssub.s32 @!p0 $0x0, s1;
	[sflag:s0] =	ssyncset.done @!p0 $0x0  }
0x10b: {  	[sflag:s0] =	ssyncadd.s32 @!p0 s1  }
0x10c: {  	[bflag:$0x3] =	sbarrier.arrive $0xFFFF  }
0x10d: {  	_ =	shalt  }

// kernel: kernel.19.cloned.1.call-start
scs
__scs_entry_jumppad:
0x0: {  	(pc) =	sbr.rel $0x88, $3  }
0x1: {  	(tag) =	ssettag $0x0;
	lr =	simm.s32 $0x1  }
0x2: {  	[smem:$0x3F9A] =	sst lr;
	_ =	strace $0xD0000000  }
0x3: {  	_ = 	snop  }
0x4: {  	_ = 	snop  }
0x5: {  	_ = 	snop  }
0x6: {  	_ = 	snop  }
0x7: {  	_ = 	snop  }
__scs_overlays_trampoline_lowered:
0x8: {  	[smem:$0x3FA9] =	sst s0  }
0x9: {  	[smem:$0x3FAA] =	sst s1  }
0xa: {  	[smem:$0x3FAB] =	sst s2  }
0xb: {  	[smem:$0x3FAC] =	sst s3  }
0xc: {  	[smem:$0x3FAD] =	sst s4  }
0xd: {  	[smem:$0x3FAE] =	sst s5  }
0xe: {  	[smem:$0x3FAF] =	sst s6  }
0xf: {  	[smem:$0x3FB0] =	sst s7  }
0x10: {  	[smem:$0x3FB1] =	sst s8  }
0x11: {  	[smem:$0x3FB2] =	sst s9;
	s0 =	simm.s32 @!p0 $0x0  }
0x12: {  	s1 =	sld [smem:$0x3F98];
	s0 =	simm.s32 @p0 $0x1  }
0x13: {  	[smem:$0x3FB3] =	sst s0;
	s0 =	simm.s32 @!p1 $0x0  }
0x14: {  	s2 =	sld [smem:$0x3F97];
	s0 =	simm.s32 @p1 $0x1  }
0x15: {  	[smem:$0x3FB4] =	sst s0;
	s0 =	simm.s32 @!p2 $0x0  }
0x16: {  	s3 =	sld [smem:$0x3FDB];
	s0 =	simm.s32 @p2 $0x1  }
0x17: {  	s4 =	simm.s32 $0x1BF5;
	[smem:$0x3FB6] =	sst s0  }
0x18: {  	s0 =	sld [smem:$0x3F99];
	_ =	swait.ge [sflag:s4], $0x0  }
0x19: {  	s7 =	sld [smem:$0x3F9A]  }
0x1a: {  	s8 =	sadd.s32 $0xFFFFE003, lr  }
0x1b: {  	s9 =	sadd.s32 $0xFFFFFEF7, lr;
	s5 =	simm.s32 $0xFFFFFFFF;
	p2 =	slt.u32 s8, $0xFFFFF086  }
0x1c: {  	p1 =	slt.u32 s9, $0xF7A;
	s5 =	simm.s32 @!p2 $0x0  }
0x1d: {  	s5 =	simm.s32 @p1 $0x1;
	p0 =	seq.s32 s7, s2  }
0x1e: {  	s7 =	smul.u32 @!p0 $0xF7A, s2;
	p2 =	seq.s32 @!p0 s5, $0x0  }
0x1f: {  	s9 =	smul.u32 $0xF7A, s1;
	s8 =	simm.s32 @!p0 $0x1BF5;
	p2 =	por !p2, p0  }
0x20: {  	[sflag:s8] =	ssyncset.s32 @!p0 $0xFFFFF086;
	s6 =	sadd.s32 @!p0 s3, s7;
	s7 =	simm.s32 @!p0 $0x108  }
0x21: {  	s3 =	sadd.s32 s3, s9;
	s6 =	sadd.s32 @!p0 $0x88, s6;
	s7 =	simm.s32 @p2 $0x1082  }
0x22: {  	[simem:s7], [sflag:s8] =	dma.local @!p0 [hbm:s6], $0xF7A  }
0x23: {  	s9 =	sor.u32 $0xD0000000, s2;
	s6 =	simm.s32 $0x108;
	_ =	swait.ge @!p0 [sflag:s8], $0x0  }
0x24: {  	s3 =	sadd.s32 $0x88, s3;
	s6 =	simm.s32 @!p1 $0x1082;
	[sflag:s4] =	ssyncset.s32 $0xFFFFF086  }
0x25: {  	[simem:s6], [sflag:s4] =	dma.local [hbm:s3], $0xF7A  }
0x26: {  	[smem:$0x3F9A] =	sst s1;
	(tag) =	ssettag s2;
	_ =	strace s9  }
0x27: {  	s1 =	sld [smem:$0x3FAA]  }
0x28: {  	s2 =	sld [smem:$0x3FAB]  }
0x29: {  	s4 =	sld [smem:$0x3FAD]  }
0x2a: {  	p0 =	seq.s32 s5, $0x0;
	s5 =	sld [smem:$0x3FAE]  }
0x2b: {  	s6 =	sld [smem:$0x3FAF]  }
0x2c: {  	s7 =	sld [smem:$0x3FB0]  }
0x2d: {  	s3 =	simm.s32 $0x108;
	s8 =	sld [smem:$0x3FB1]  }
0x2e: {  	s3 =	simm.s32 @!p0 $0x1082;
	s9 =	sld [smem:$0x3FB2]  }
0x2f: {  	lr =	sadd.s32 s0, s3;
	s0 =	sld [smem:$0x3FA9]  }
0x30: {  	s3 =	sld [smem:$0x3FAC]  }
0x31: {  	[smem:$0x3FB5] =	sst s10  }
0x32: {  	s10 =	sld [smem:$0x3FB3];
	_ =	sdelay $0x3  }
0x33: {  	p0 =	seq.s32 s10, $0x1;
	s10 =	sld [smem:$0x3FB5];
	_ =	sdelay $0x3  }
0x34: {  	[smem:$0x3FB5] =	sst s10  }
0x35: {  	s10 =	sld [smem:$0x3FB4];
	_ =	sdelay $0x3  }
0x36: {  	p1 =	seq.s32 s10, $0x1;
	s10 =	sld [smem:$0x3FB5];
	_ =	sdelay $0x3  }
0x37: {  	[smem:$0x3FB5] =	sst s10  }
0x38: {  	s10 =	sld [smem:$0x3FB6]  }
0x39: {  	_ = 	snop;
	(pc) =	sbr.ind lr, $3  }
0x3a: {  	_ = 	snop  }
0x3b: {  	_ = 	snop  }
0x3c: {  	p2 =	seq.s32 s10, $0x1;
	s10 =	sld [smem:$0x3FB5]  }
0x3d: {  	_ =	shalt  }
0x3e: {  	_ =	shalt  }
0x3f: {  	_ =	shalt  }
0x40: {  	_ =	shalt  }
0x41: {  	_ =	shalt  }
0x42: {  	_ =	shalt  }
0x43: {  	_ =	shalt  }
0x44: {  	_ =	shalt  }
0x45: {  	_ =	shalt  }
0x46: {  	_ =	shalt  }
0x47: {  	_ =	shalt  }
0x48: {  	_ =	shalt  }
0x49: {  	_ =	shalt  }
0x4a: {  	_ =	shalt  }
0x4b: {  	_ =	shalt  }
0x4c: {  	_ =	shalt  }
0x4d: {  	_ =	shalt  }
0x4e: {  	_ =	shalt  }
0x4f: {  	_ =	shalt  }
0x50: {  	_ =	shalt  }
0x51: {  	_ =	shalt  }
0x52: {  	_ =	shalt  }
0x53: {  	_ =	shalt  }
0x54: {  	_ =	shalt  }
0x55: {  	_ =	shalt  }
0x56: {  	_ =	shalt  }
0x57: {  	_ =	shalt  }
0x58: {  	_ =	shalt  }
0x59: {  	_ =	shalt  }
0x5a: {  	_ =	shalt  }
0x5b: {  	_ =	shalt  }
0x5c: {  	_ =	shalt  }
0x5d: {  	_ =	shalt  }
0x5e: {  	_ =	shalt  }
0x5f: {  	_ =	shalt  }
0x60: {  	_ =	shalt  }
0x61: {  	_ =	shalt  }
0x62: {  	_ =	shalt  }
0x63: {  	_ =	shalt  }
0x64: {  	_ =	shalt  }
0x65: {  	_ =	shalt  }
0x66: {  	_ =	shalt  }
0x67: {  	_ =	shalt  }
0x68: {  	_ =	shalt  }
0x69: {  	_ =	shalt  }
0x6a: {  	_ =	shalt  }
0x6b: {  	_ =	shalt  }
0x6c: {  	_ =	shalt  }
0x6d: {  	_ =	shalt  }
0x6e: {  	_ =	shalt  }
0x6f: {  	_ =	shalt  }
0x70: {  	_ =	shalt  }
0x71: {  	_ =	shalt  }
0x72: {  	_ =	shalt  }
0x73: {  	_ =	shalt  }
0x74: {  	_ =	shalt  }
0x75: {  	_ =	shalt  }
0x76: {  	_ =	shalt  }
0x77: {  	_ =	shalt  }
0x78: {  	_ =	shalt  }
0x79: {  	_ =	shalt  }
0x7a: {  	_ =	shalt  }
0x7b: {  	_ =	shalt  }
0x7c: {  	_ =	shalt  }
0x7d: {  	_ =	shalt  }
0x7e: {  	_ =	shalt  }
0x7f: {  	_ =	shalt  }
0x80: {  	_ =	shalt  }
0x81: {  	_ =	shalt  }
0x82: {  	_ =	shalt  }
0x83: {  	_ =	shalt  }
0x84: {  	_ =	shalt  }
0x85: {  	_ =	shalt  }
0x86: {  	_ =	shalt  }
0x87: {  	_ =	shalt  }
.Lfunc_end0:
.L_simem_size_0:
called_computation.3_lowered:
.L_overlay_start_0:
0x88: {  	s2 =	sld [smem:$0x3FD9]  }
0x89: {  	s3 =	sld [smem:$0x3FFE];
	_ =	sdelay $0x1  }
0x8a: {  	s1 =	srdreg.scid  }
0x8b: {  	s0 =	sand.u32 $0x1, s1  }
0x8c: {  	s17 =	sshll.u32 s0, $0xA;
	s2 =	sadd.s32 s3, s2  }
0x8d: {  	s2 =	sadd.s32 s2, s17  }
0x8e: {  	[smem:$0x3FC1] =	sst s2  }
0x8f: {  	_ = 	snop  }
0x90: {  	s18 =	sld [smem:$0x3FC7];
	(tm) =	ssettm $0x1  }
0x91: {  	s19 =	sld [smem:$0x3FFB];
	_ =	sdelay $0x3  }
0x92: {  	_ =	strace s19  }
0x93: {  	s2 =	sld [smem:$0x3FFC];
	_ =	sdelay $0x3  }
0x94: {  	_ =	strace s2  }
0x95: {  	s2 =	sld [smem:$0x3FFD];
	_ =	sdelay $0x3  }
0x96: {  	_ =	strace s2  }
0x97: {  	_ =	strace $0x8FFFFFFF  }
0x98: {  	s20 =	sld [smem:$0x3FDB];
	_ =	sdelay $0x1  }
0x99: {  	s4 =	simm.s32 $_scs_section_size  }
0x9a: {  	s5 =	simm.s32 $_size__tile_overlayer_lowered;
	s6 =	simm.s32 $_tile_overlayer_lowered  }
0x9b: {  	s7 =	simm.s32 $0x1BFF;
	s21 =	sshll.u32 s6, $0x1;
	s4 =	sadd.s32 s4, s20  }
0x9c: {  	s22 =	simm.s32 $0x0;
	s5 =	sshll.u32 s5, $0x1;
	s6 =	sadd.s32 s21, s4  }
0x9d: {  	[timem:s22], [sflag:s7] =	dma.local [hbm:s6], s5  }
0x9e: {  	_ =	swait.ge [sflag:s7], s5  }
0x9f: {  	s5 =	ssub.s32 $0x0, s5;
	[sflag:s7] =	ssyncset.done $0x0  }
0xa0: {  	[sflag:s7] =	ssyncadd.s32 s5;
	_ =	sdelay $0x1  }
0xa1: {  	s23 =	simm.s32 $0x1B8B  }
0xa2: {  	_ =	swait.ge [sflag:s23], $0x1  }
0xa3: {  	[sflag:s23] =	ssyncset.done $0x0  }
0xa4: {  	[sflag:s23] =	ssyncadd.s32 $0xFFFFFFFF  }
0xa5: {  	s5 =	sld [smem:$0x0]  }
0xa6: {  	s6 =	sand.u32 $0xFFFFFFFE, s1  }
0xa7: {  	p0 =	sne.s32 s1, s6  }
0xa8: {  	s6 =	sshll.u32 @p0 s6, $0xE  }
0xa9: {  	s6 =	sadd.s32 @p0 $0x11B8D, s6;
	s7 =	sshll.u32 @p0 s5, $0x11  }
0xaa: {  	s6 =	sor.u32 @p0 s7, s6  }
0xab: {  	[sflag:s6] =	ssyncadd.remote.s32 @p0 $0x1;
	_ =	sdelay $0x1  }
0xac: {  	s6 =	simm.s32 @p0 $0x1B8D  }
0xad: {  	_ =	swait.eq @p0 [sflag:s6], $0x1  }
0xae: {  	[sflag:s6] =	ssyncadd.s32 @p0 $0xFFFFFFFF  }
0xaf: {  	s7 =	sshll.u32 @!p0 s1, $0xE  }
0xb0: {  	s7 =	sor.u32 @!p0 $0x4000, s7;
	s6 =	simm.s32 @!p0 $0x1B8D  }
0xb1: {  	s5 =	sshll.u32 @!p0 s5, $0x11;
	s7 =	sadd.s32 @!p0 $0x11B8D, s7;
	_ =	swait.eq @!p0 [sflag:s6], $0x1  }
0xb2: {  	s5 =	sor.u32 @!p0 s5, s7;
	[sflag:s6] =	ssyncadd.s32 @!p0 $0xFFFFFFFF  }
0xb3: {  	s25 =	simm.s32 $0x1B8E;
	s24 =	sld [smem:$0x3FFE];
	[sflag:s5] =	ssyncadd.remote.s32 @!p0 $0x1  }
0xb4: {  	s26 =	simm.s32 $execute0_lowered;
	[smem:$0x3FD2] =	sst s25  }
0xb5: {  	s6 =	sshll.u32 s26, $0x1;
	_ =	strace $0x8000004F;
	[dreg:$0x1] =	wrdreg $0xFFFFFFFF  }
0xb6: {  	s28 =	simm.s32 $_size_execute0_lowered;
	s4 =	sadd.s32 s4, s6;
	[dreg:$0x0] =	wrdreg $0x0  }
0xb7: {  	s6 =	sshll.u32 s28, $0x1;
	[dreg:$0x2] =	wrdreg s4  }
0xb8: {  	[dreg:$0x3] =	wrdreg s6  }
0xb9: {  	[dreg:$0x4] =	wrdreg $0xC0  }
0xba: {  	_ =	task [dreg:s22], $0x5FFFF  }
0xbb: {  	[dreg:$0x1] =	wrdreg $0xFFFFFFFF  }
0xbc: {  	[dreg:$0x0] =	wrdreg $0x60  }
0xbd: {  	[dreg:$0x2] =	wrdreg s18  }
0xbe: {  	[dreg:$0x3] =	wrdreg s24  }
0xbf: {  	[dreg:$0x4] =	wrdreg $0xC  }
0xc0: {  	_ =	task.clear_ibuf [dreg:s22], $0x5FFFF;
	_ =	strace $0x9000004F  }
0xc1: {  	s29 =	simm.s32 $0xC;
	_ =	strace $0x80000051  }
0xc2: {  	_ =	swait.ge [sflag:s29], $0x1  }
0xc3: {  	[sflag:s29] =	ssyncadd.s32 $0xFFFFFFFF  }
0xc4: {  	_ =	strace $0x90000051  }
0xc5: {  	_ =	sfence  }
0xc6: {  	s30 =	sld [smem:$0x0];
	_ =	sdelay $0x2  }
0xc7: {  	s31 =	sshll.u32 s1, $0xD;
	s1 =	sshrl.u32 s1, $0x2  }
0xc8: {  	s4 =	sand.u32 $0x4000, s31;
	s1 =	sadd.s32 s1, s30  }
0xc9: {  	s0 =	sor.u32 s4, s0;
	s1 =	sshll.u32 s1, $0x11  }
0xca: {  	s0 =	sor.u32 s1, s0  }
0xcb: {  	s0 =	sadd.s32 $0x8F2B, s0  }
0xcc: {  	[sflag:s0] =	ssyncadd.remote.s32 $0x1  }
0xcd: {  	_ =	sfence.sel $0xFFFF  }
0xce: {  	[dreg:$0x0] =	wrdreg $0xFFFFFFFF;
	(pc) =	sbr.abs _section_cstart, $3  }
0xcf: {  	[dreg:$0x1] =	wrdreg $0xFFFFFFFF  }
0xd0: {  	_ =	task.clear_ibuf [dreg:s22], $0x2FFFF;
	_ =	strace $0x9FFFFFFF  }
0xd1: {  	(tm) =	ssettm $0x7FFFFFFF  }
tec
execute0_lowered:
.L_overlay_start_1:
0x0: {  	(tag) =	ssettag $0x1  }
0x1: {  	s0 =	srdreg.scid;
	s2 =	rddreg [dreg:$0x0]  }
0x2: {  	s1 =	stileid.u32;
	s4 =	rddreg [dreg:$0x1]  }
0x3: {  	s3 =	simm.s32 $0x0;
	s28 =	simm.s32 $0x8;
	s17 =	simm.s32 $0x400  }
0x4: {  	s30 =	simm.s32 $0xC00;
	s31 =	simm.s32 $0x1400;
	s12 =	simm.s32 $0x2C00  }
0x5: {  	s13 =	simm.s32 $0x3400;
	s14 =	simm.s32 $0x3C00;
	s15 =	simm.s32 $0x4C00  }
0x6: {  	s16 =	simm.s32 $0x5400;
	s0 =	sand.u32 $0x1, s0;
	s1 =	sshll.u32 s1, $0x1  }
0x7: {  	s18 =	simm.s32 $0x5C00;
	s9 =	simm.s32 $0x7400;
	s1 =	sor.u32 s0, s1  }
0x8: {  	s11 =	simm.s32 $0x7C00;
	s10 =	simm.s32 $0x8400;
	s5 =	sshll.u32 s1, $0x7  }
0x9: {  	[smem:$0x7FF] =	sst s3;
	s1 =	sshll.u32 s1, $0xE;
	s5 =	sadd.s32 s5, s4  }
0xa: {  	s6 =	sadd.s32 $0x300, s2;
	s1 =	sadd.s32 s1, s4;
	s19 =	sadd.s32 $0x106000, s5  }
0xb: {  	_ =	strace $0x80000050;
	s20 =	sadd.s32 $0x107000, s1;
	[dreg:$0x3] =	wrdreg s19  }
0xc: {  	s0 =	ssub.s32 $0x2, s0;
	s21 =	sadd.s32 $0x107800, s1;
	[dreg:$0x4] =	wrdreg s20  }
0xd: {  	s25 =	sshrl.u32 s0, $0x1;
	s22 =	sadd.s32 $0x108000, s1;
	[dreg:$0x5] =	wrdreg s21  }
0xe: {  	s0 =	ssub.s32 s0, s25;
	s23 =	sadd.s32 $0x108800, s1;
	[dreg:$0x6] =	wrdreg s22  }
0xf: {  	s4 =	sadd.s32 $0x100, s2;
	s24 =	sadd.s32 $0x109000, s1;
	[dreg:$0x7] =	wrdreg s23  }
0x10: {  	s25 =	simm.s32 $0x4400;
	s26 =	sadd.s32 $0x109800, s1;
	[dreg:$0x8] =	wrdreg s24  }
0x11: {  	s29 =	sadd.s32 $0x10A000, s1;
	s1 =	sadd.s32 $0x10A800, s1;
	[dreg:$0x9] =	wrdreg s26  }
0x12: {  	v2 =	vlaneseq.u32;
	s5 =	sadd.s32 $0x200, s2;
	s7 =	smax.u32 s0, $0x1;
	[dreg:$0xa] =	wrdreg s29  }
0x13: {  	vm0 =	vmmov $0xffff;
	v1 =	vshrl.u32 v2, $0x3;
	[dreg:$0xb] =	wrdreg s1;
	s24 =	simm.s32 $0x4;
	s26 =	simm.s32 $0x7  }
0x14: {  	v0 =	vand.u32 $0x7, v2;
	v2 =	vor.u32 $0x8, v2;
	v1 =	vmul.u32 $0x8, v1;
	s19 =	simm.s32 $0x6400;
	s21 =	simm.s32 $0x1;
	s23 =	simm.s32 $0x5  }
.LBB2_1:
0x15: {  	s29 =	rddreg [dreg:$0x3];
	s0 =	simm.s32 $0x9  }
0x16: {  	[tilespmem:s3], [sflag:$0x9] =	stream.linear.gather [hbm4b:s29+s3], $0x400, $0x38;
	[tilespmem:$0x10400] =	vst v63  }
0x17: {  	_ =	swait.ge [sflag:s0], $0x400  }
0x18: {  	[sflag:s0] =	ssyncset.done $0x0  }
0x19: {  	[sflag:s0] =	ssyncadd.s32 $0xFFFFFC00  }
0x1a: {  	v3 =	vld [tilespmem:$0x0];
	_ =	sdelay $0x4  }
0x1b: {  	v4 =	vshll.u32 v3, $0x3  }
0x1c: {  	v3 =	vand.u32 $0x7, v3;
	v4 =	vand.u32 $0xFFFFFFC0, v4  }
0x1d: {  	v3 =	vor.u32 v3, v4  }
0x1e: {  	v4 =	vperm.xlane v3, v0;
	_ =	sdelay $0x1  }
0x1f: {  	v4 =	vadd.s32 v1, v4;
	_ =	sdelay $0x4  }
0x20: {  	[tilespmem:s17], [sflag:$0x1] =	stream.indirect_vreg.gather [hbm4b:s2+s3], $0x80, v4, vm0, $0xb8;
	[tilespmem:$0x10400] =	vst v63  }
0x21: {  	v3 =	vperm.xlane v3, v2  }
0x22: {  	[tilespmem:s30], [sflag:$0x1] =	stream.indirect_vreg.gather [hbm4b:s4+s3], $0x80, v4, vm0, $0xb8;
	[tilespmem:$0x10400] =	vst v63  }
0x23: {  	v3 =	vadd.s32 v1, v3  }
0x24: {  	[tilespmem:s31], [sflag:$0x1] =	stream.indirect_vreg.gather [hbm4b:s5+s3], $0x80, v4, vm0, $0xb8;
	[tilespmem:$0x10400] =	vst v63  }
0x25: {  	s1 =	simm.s32 $0x1C00  }
0x26: {  	[tilespmem:s1], [sflag:$0x1] =	stream.indirect_vreg.gather [hbm4b:s6+s3], $0x80, v4, vm0, $0xb8;
	[tilespmem:$0x10400] =	vst v63  }
0x27: {  	s0 =	simm.s32 $0x2400  }
0x28: {  	[tilespmem:s0], [sflag:$0x1] =	stream.indirect_vreg.gather [hbm4b:s2+s3], $0x80, v3, vm0, $0xb8;
	[tilespmem:$0x10400] =	vst v63  }
0x29: {  	_ = 	snop  }
0x2a: {  	[tilespmem:s12], [sflag:$0x1] =	stream.indirect_vreg.gather [hbm4b:s4+s3], $0x80, v3, vm0, $0xb8;
	[tilespmem:$0x10400] =	vst v63  }
0x2b: {  	_ = 	snop  }
0x2c: {  	[tilespmem:s13], [sflag:$0x1] =	stream.indirect_vreg.gather [hbm4b:s5+s3], $0x80, v3, vm0, $0xb8;
	[tilespmem:$0x10400] =	vst v63  }
0x2d: {  	_ = 	snop  }
0x2e: {  	[tilespmem:s14], [sflag:$0x1] =	stream.indirect_vreg.gather [hbm4b:s6+s3], $0x80, v3, vm0, $0xb8;
	[tilespmem:$0x10400] =	vst v63  }
0x2f: {  	v3 =	vld [tilespmem:$0x80];
	_ =	sdelay $0x4  }
0x30: {  	v57 =	vshll.u32 v3, $0x3  }
0x31: {  	v3 =	vand.u32 $0x7, v3;
	v4 =	vand.u32 $0xFFFFFFC0, v57  }
0x32: {  	v3 =	vor.u32 v3, v4  }
0x33: {  	v4 =	vperm.xlane v3, v0;
	_ =	sdelay $0x1  }
0x34: {  	v4 =	vadd.s32 v1, v4;
	_ =	sdelay $0x4  }
0x35: {  	[tilespmem:s25], [sflag:$0x2] =	stream.indirect_vreg.gather [hbm4b:s2+s3], $0x80, v4, vm0, $0xb8;
	[tilespmem:$0x10400] =	vst v63  }
0x36: {  	v3 =	vperm.xlane v3, v2  }
0x37: {  	[tilespmem:s15], [sflag:$0x2] =	stream.indirect_vreg.gather [hbm4b:s4+s3], $0x80, v4, vm0, $0xb8;
	[tilespmem:$0x10400] =	vst v63  }
0x38: {  	v3 =	vadd.s32 v1, v3  }
0x39: {  	[tilespmem:s16], [sflag:$0x2] =	stream.indirect_vreg.gather [hbm4b:s5+s3], $0x80, v4, vm0, $0xb8;
	[tilespmem:$0x10400] =	vst v63  }
0x3a: {  	_ = 	snop  }
0x3b: {  	[tilespmem:s18], [sflag:$0x2] =	stream.indirect_vreg.gather [hbm4b:s6+s3], $0x80, v4, vm0, $0xb8;
	[tilespmem:$0x10400] =	vst v63  }
0x3c: {  	_ = 	snop  }
0x3d: {  	[tilespmem:s19], [sflag:$0x2] =	stream.indirect_vreg.gather [hbm4b:s2+s3], $0x80, v3, vm0, $0xb8;
	[tilespmem:$0x10400] =	vst v63  }
0x3e: {  	s8 =	simm.s32 $0x6C00  }
0x3f: {  	[tilespmem:s8], [sflag:$0x2] =	stream.indirect_vreg.gather [hbm4b:s4+s3], $0x80, v3, vm0, $0xb8;
	[tilespmem:$0x10400] =	vst v63  }
0x40: {  	_ = 	snop  }
0x41: {  	[tilespmem:s9], [sflag:$0x2] =	stream.indirect_vreg.gather [hbm4b:s5+s3], $0x80, v3, vm0, $0xb8;
	[tilespmem:$0x10400] =	vst v63  }
0x42: {  	_ = 	snop  }
0x43: {  	[tilespmem:s11], [sflag:$0x2] =	stream.indirect_vreg.gather [hbm4b:s6+s3], $0x80, v3, vm0, $0xb8;
	[tilespmem:$0x10400] =	vst v63  }
0x44: {  	v3 =	vld [tilespmem:$0x100];
	_ =	sdelay $0x4  }
0x45: {  	v58 =	vshll.u32 v3, $0x3  }
0x46: {  	v3 =	vand.u32 $0x7, v3;
	v4 =	vand.u32 $0xFFFFFFC0, v58  }
0x47: {  	v3 =	vor.u32 v3, v4  }
0x48: {  	v4 =	vperm.xlane v3, v0;
	_ =	sdelay $0x1  }
0x49: {  	v4 =	vadd.s32 v1, v4;
	_ =	sdelay $0x4  }
0x4a: {  	[tilespmem:s10], [sflag:$0x3] =	stream.indirect_vreg.gather [hbm4b:s2+s3], $0x80, v4, vm0, $0xb8;
	[tilespmem:$0x10400] =	vst v63  }
0x4b: {  	s20 =	simm.s32 $0x8C00;
	v3 =	vperm.xlane v3, v2  }
0x4c: {  	[tilespmem:s20], [sflag:$0x3] =	stream.indirect_vreg.gather [hbm4b:s4+s3], $0x80, v4, vm0, $0xb8;
	[tilespmem:$0x10400] =	vst v63  }
0x4d: {  	s22 =	simm.s32 $0x9400;
	v3 =	vadd.s32 v1, v3  }
0x4e: {  	[tilespmem:s22], [sflag:$0x3] =	stream.indirect_vreg.gather [hbm4b:s5+s3], $0x80, v4, vm0, $0xb8;
	[tilespmem:$0x10400] =	vst v63  }
0x4f: {  	s29 =	simm.s32 $0x9C00  }
0x50: {  	[tilespmem:s29], [sflag:$0x3] =	stream.indirect_vreg.gather [hbm4b:s6+s3], $0x80, v4, vm0, $0xb8;
	[tilespmem:$0x10400] =	vst v63  }
0x51: {  	s22 =	simm.s32 $0xA400  }
0x52: {  	[tilespmem:s22], [sflag:$0x3] =	stream.indirect_vreg.gather [hbm4b:s2+s3], $0x80, v3, vm0, $0xb8;
	[tilespmem:$0x10400] =	vst v63  }
0x53: {  	s29 =	simm.s32 $0xAC00  }
0x54: {  	[tilespmem:s29], [sflag:$0x3] =	stream.indirect_vreg.gather [hbm4b:s4+s3], $0x80, v3, vm0, $0xb8;
	[tilespmem:$0x10400] =	vst v63  }
0x55: {  	s22 =	simm.s32 $0xB400  }
0x56: {  	[tilespmem:s22], [sflag:$0x3] =	stream.indirect_vreg.gather [hbm4b:s5+s3], $0x80, v3, vm0, $0xb8;
	[tilespmem:$0x10400] =	vst v63  }
0x57: {  	s29 =	simm.s32 $0xBC00  }
0x58: {  	[tilespmem:s29], [sflag:$0x3] =	stream.indirect_vreg.gather [hbm4b:s6+s3], $0x80, v3, vm0, $0xb8;
	[tilespmem:$0x10400] =	vst v63  }
0x59: {  	_ =	swait.ge [sflag:s21], $0x4000  }
0x5a: {  	[sflag:s21] =	ssyncset.done $0x0  }
0x5b: {  	s22 =	rddreg [dreg:$0x4];
	[sflag:s21] =	ssyncadd.s32 $0xFFFFC000  }
0x5c: {  	[hbm4b:s22+s3] =	stream.linear.scatter [tilespmem:s17], [sflag:$0x5], $0x4000, $0x38;
	[tilespmem:$0x10400] =	vst v63  }
0x5d: {  	v3 =	vld [tilespmem:$0x180];
	_ =	sdelay $0x4  }
0x5e: {  	v59 =	vshll.u32 v3, $0x3  }
0x5f: {  	v3 =	vand.u32 $0x7, v3;
	v4 =	vand.u32 $0xFFFFFFC0, v59  }
0x60: {  	v3 =	vor.u32 v3, v4  }
0x61: {  	v4 =	vperm.xlane v3, v0;
	_ =	sdelay $0x1  }
0x62: {  	v4 =	vadd.s32 v1, v4;
	_ =	sdelay $0x3  }
0x63: {  	s20 =	simm.s32 $0xC400  }
0x64: {  	[tilespmem:s20], [sflag:$0x4] =	stream.indirect_vreg.gather [hbm4b:s2+s3], $0x80, v4, vm0, $0xb8;
	[tilespmem:$0x10400] =	vst v63  }
0x65: {  	s22 =	simm.s32 $0xCC00;
	v3 =	vperm.xlane v3, v2  }
0x66: {  	[tilespmem:s22], [sflag:$0x4] =	stream.indirect_vreg.gather [hbm4b:s4+s3], $0x80, v4, vm0, $0xb8;
	[tilespmem:$0x10400] =	vst v63  }
0x67: {  	s29 =	simm.s32 $0xD400;
	v3 =	vadd.s32 v1, v3  }
0x68: {  	[tilespmem:s29], [sflag:$0x4] =	stream.indirect_vreg.gather [hbm4b:s5+s3], $0x80, v4, vm0, $0xb8;
	[tilespmem:$0x10400] =	vst v63  }
0x69: {  	s29 =	simm.s32 $0xDC00  }
0x6a: {  	[tilespmem:s29], [sflag:$0x4] =	stream.indirect_vreg.gather [hbm4b:s6+s3], $0x80, v4, vm0, $0xb8;
	[tilespmem:$0x10400] =	vst v63  }
0x6b: {  	s29 =	simm.s32 $0xE400  }
0x6c: {  	[tilespmem:s29], [sflag:$0x4] =	stream.indirect_vreg.gather [hbm4b:s2+s3], $0x80, v3, vm0, $0xb8;
	[tilespmem:$0x10400] =	vst v63  }
0x6d: {  	s29 =	simm.s32 $0xEC00  }
0x6e: {  	[tilespmem:s29], [sflag:$0x4] =	stream.indirect_vreg.gather [hbm4b:s4+s3], $0x80, v3, vm0, $0xb8;
	[tilespmem:$0x10400] =	vst v63  }
0x6f: {  	s29 =	simm.s32 $0xF400  }
0x70: {  	[tilespmem:s29], [sflag:$0x4] =	stream.indirect_vreg.gather [hbm4b:s5+s3], $0x80, v3, vm0, $0xb8;
	[tilespmem:$0x10400] =	vst v63  }
0x71: {  	s22 =	simm.s32 $0x2;
	s29 =	simm.s32 $0xFC00  }
0x72: {  	[tilespmem:s29], [sflag:$0x4] =	stream.indirect_vreg.gather [hbm4b:s6+s3], $0x80, v3, vm0, $0xb8;
	[tilespmem:$0x10400] =	vst v63  }
0x73: {  	_ =	swait.ge [sflag:s22], $0x4000  }
0x74: {  	[sflag:s22] =	ssyncset.done $0x0  }
0x75: {  	s29 =	rddreg [dreg:$0x5];
	[sflag:s22] =	ssyncadd.s32 $0xFFFFC000  }
0x76: {  	[hbm4b:s29+s3] =	stream.linear.scatter [tilespmem:s25], [sflag:$0x6], $0x4000, $0x38;
	[tilespmem:$0x10400] =	vst v63  }
0x77: {  	_ =	swait.ge [sflag:s23], $0x4000  }
0x78: {  	[sflag:s23] =	ssyncset.done $0x0  }
0x79: {  	[sflag:s23] =	ssyncadd.s32 $0xFFFFC000  }
0x7a: {  	v3 =	vld [tilespmem:$0x200];
	_ =	sdelay $0x4  }
0x7b: {  	v60 =	vshll.u32 v3, $0x3  }
0x7c: {  	v3 =	vand.u32 $0x7, v3;
	v4 =	vand.u32 $0xFFFFFFC0, v60  }
0x7d: {  	v3 =	vor.u32 v3, v4  }
0x7e: {  	v4 =	vperm.xlane v3, v0;
	_ =	sdelay $0x1  }
0x7f: {  	v4 =	vadd.s32 v1, v4;
	_ =	sdelay $0x4  }
0x80: {  	[tilespmem:s17], [sflag:$0x1] =	stream.indirect_vreg.gather [hbm4b:s2+s3], $0x80, v4, vm0, $0xb8;
	[tilespmem:$0x10400] =	vst v63  }
0x81: {  	v3 =	vperm.xlane v3, v2  }
0x82: {  	[tilespmem:s30], [sflag:$0x1] =	stream.indirect_vreg.gather [hbm4b:s4+s3], $0x80, v4, vm0, $0xb8;
	[tilespmem:$0x10400] =	vst v63  }
0x83: {  	v3 =	vadd.s32 v1, v3  }
0x84: {  	[tilespmem:s31], [sflag:$0x1] =	stream.indirect_vreg.gather [hbm4b:s5+s3], $0x80, v4, vm0, $0xb8;
	[tilespmem:$0x10400] =	vst v63  }
0x85: {  	_ = 	snop  }
0x86: {  	[tilespmem:s1], [sflag:$0x1] =	stream.indirect_vreg.gather [hbm4b:s6+s3], $0x80, v4, vm0, $0xb8;
	[tilespmem:$0x10400] =	vst v63  }
0x87: {  	_ = 	snop  }
0x88: {  	[tilespmem:s0], [sflag:$0x1] =	stream.indirect_vreg.gather [hbm4b:s2+s3], $0x80, v3, vm0, $0xb8;
	[tilespmem:$0x10400] =	vst v63  }
0x89: {  	_ = 	snop  }
0x8a: {  	[tilespmem:s12], [sflag:$0x1] =	stream.indirect_vreg.gather [hbm4b:s4+s3], $0x80, v3, vm0, $0xb8;
	[tilespmem:$0x10400] =	vst v63  }
0x8b: {  	_ = 	snop  }
0x8c: {  	[tilespmem:s13], [sflag:$0x1] =	stream.indirect_vreg.gather [hbm4b:s5+s3], $0x80, v3, vm0, $0xb8;
	[tilespmem:$0x10400] =	vst v63  }
0x8d: {  	s0 =	simm.s32 $0x3  }
0x8e: {  	[tilespmem:s14], [sflag:$0x1] =	stream.indirect_vreg.gather [hbm4b:s6+s3], $0x80, v3, vm0, $0xb8;
	[tilespmem:$0x10400] =	vst v63  }
0x8f: {  	_ =	swait.ge [sflag:s0], $0x4000  }
0x90: {  	[sflag:s0] =	ssyncset.done $0x0  }
0x91: {  	s1 =	rddreg [dreg:$0x6];
	[sflag:s0] =	ssyncadd.s32 $0xFFFFC000  }
0x92: {  	[hbm4b:s1+s3] =	stream.linear.scatter [tilespmem:s10], [sflag:$0x7], $0x4000, $0x38;
	[tilespmem:$0x10400] =	vst v63  }
0x93: {  	s1 =	simm.s32 $0x6  }
0x94: {  	_ =	swait.ge [sflag:s1], $0x4000  }
0x95: {  	[sflag:s1] =	ssyncset.done $0x0  }
0x96: {  	[sflag:s1] =	ssyncadd.s32 $0xFFFFC000  }
0x97: {  	v3 =	vld [tilespmem:$0x280];
	_ =	sdelay $0x4  }
0x98: {  	v61 =	vshll.u32 v3, $0x3  }
0x99: {  	v3 =	vand.u32 $0x7, v3;
	v4 =	vand.u32 $0xFFFFFFC0, v61  }
0x9a: {  	v3 =	vor.u32 v3, v4  }
0x9b: {  	v4 =	vperm.xlane v3, v0;
	_ =	sdelay $0x1  }
0x9c: {  	v4 =	vadd.s32 v1, v4;
	_ =	sdelay $0x4  }
0x9d: {  	[tilespmem:s25], [sflag:$0x2] =	stream.indirect_vreg.gather [hbm4b:s2+s3], $0x80, v4, vm0, $0xb8;
	[tilespmem:$0x10400] =	vst v63  }
0x9e: {  	v3 =	vperm.xlane v3, v2  }
0x9f: {  	[tilespmem:s15], [sflag:$0x2] =	stream.indirect_vreg.gather [hbm4b:s4+s3], $0x80, v4, vm0, $0xb8;
	[tilespmem:$0x10400] =	vst v63  }
0xa0: {  	v3 =	vadd.s32 v1, v3  }
0xa1: {  	[tilespmem:s16], [sflag:$0x2] =	stream.indirect_vreg.gather [hbm4b:s5+s3], $0x80, v4, vm0, $0xb8;
	[tilespmem:$0x10400] =	vst v63  }
0xa2: {  	_ = 	snop  }
0xa3: {  	[tilespmem:s18], [sflag:$0x2] =	stream.indirect_vreg.gather [hbm4b:s6+s3], $0x80, v4, vm0, $0xb8;
	[tilespmem:$0x10400] =	vst v63  }
0xa4: {  	_ = 	snop  }
0xa5: {  	[tilespmem:s19], [sflag:$0x2] =	stream.indirect_vreg.gather [hbm4b:s2+s3], $0x80, v3, vm0, $0xb8;
	[tilespmem:$0x10400] =	vst v63  }
0xa6: {  	_ = 	snop  }
0xa7: {  	[tilespmem:s8], [sflag:$0x2] =	stream.indirect_vreg.gather [hbm4b:s4+s3], $0x80, v3, vm0, $0xb8;
	[tilespmem:$0x10400] =	vst v63  }
0xa8: {  	_ = 	snop  }
0xa9: {  	[tilespmem:s9], [sflag:$0x2] =	stream.indirect_vreg.gather [hbm4b:s5+s3], $0x80, v3, vm0, $0xb8;
	[tilespmem:$0x10400] =	vst v63  }
0xaa: {  	_ = 	snop  }
0xab: {  	[tilespmem:s11], [sflag:$0x2] =	stream.indirect_vreg.gather [hbm4b:s6+s3], $0x80, v3, vm0, $0xb8;
	[tilespmem:$0x10400] =	vst v63  }
0xac: {  	_ =	swait.ge [sflag:s24], $0x4000  }
0xad: {  	[sflag:s24] =	ssyncset.done $0x0  }
0xae: {  	s8 =	rddreg [dreg:$0x7];
	[sflag:s24] =	ssyncadd.s32 $0xFFFFC000  }
0xaf: {  	[hbm4b:s8+s3] =	stream.linear.scatter [tilespmem:s20], [sflag:$0x8], $0x4000, $0x38;
	[tilespmem:$0x10400] =	vst v63  }
0xb0: {  	_ =	swait.ge [sflag:s26], $0x4000  }
0xb1: {  	[sflag:s26] =	ssyncset.done $0x0  }
0xb2: {  	[sflag:s26] =	ssyncadd.s32 $0xFFFFC000  }
0xb3: {  	v3 =	vld [tilespmem:$0x300];
	_ =	sdelay $0x4  }
0xb4: {  	v62 =	vshll.u32 v3, $0x3  }
0xb5: {  	v3 =	vand.u32 $0x7, v3;
	v4 =	vand.u32 $0xFFFFFFC0, v62  }
0xb6: {  	v3 =	vor.u32 v3, v4  }
0xb7: {  	v4 =	vperm.xlane v3, v0;
	_ =	sdelay $0x1  }
0xb8: {  	v4 =	vadd.s32 v1, v4;
	_ =	sdelay $0x4  }
0xb9: {  	[tilespmem:s10], [sflag:$0x3] =	stream.indirect_vreg.gather [hbm4b:s2+s3], $0x80, v4, vm0, $0xb8;
	[tilespmem:$0x10400] =	vst v63  }
0xba: {  	s29 =	simm.s32 $0x8C00;
	v3 =	vperm.xlane v3, v2  }
0xbb: {  	[tilespmem:s29], [sflag:$0x3] =	stream.indirect_vreg.gather [hbm4b:s4+s3], $0x80, v4, vm0, $0xb8;
	[tilespmem:$0x10400] =	vst v63  }
0xbc: {  	v3 =	vadd.s32 v1, v3;
	s29 =	simm.s32 $0x9400  }
0xbd: {  	[tilespmem:s29], [sflag:$0x3] =	stream.indirect_vreg.gather [hbm4b:s5+s3], $0x80, v4, vm0, $0xb8;
	[tilespmem:$0x10400] =	vst v63  }
0xbe: {  	s29 =	simm.s32 $0x9C00  }
0xbf: {  	[tilespmem:s29], [sflag:$0x3] =	stream.indirect_vreg.gather [hbm4b:s6+s3], $0x80, v4, vm0, $0xb8;
	[tilespmem:$0x10400] =	vst v63  }
0xc0: {  	s29 =	simm.s32 $0xA400  }
0xc1: {  	[tilespmem:s29], [sflag:$0x3] =	stream.indirect_vreg.gather [hbm4b:s2+s3], $0x80, v3, vm0, $0xb8;
	[tilespmem:$0x10400] =	vst v63  }
0xc2: {  	s29 =	simm.s32 $0xAC00  }
0xc3: {  	[tilespmem:s29], [sflag:$0x3] =	stream.indirect_vreg.gather [hbm4b:s4+s3], $0x80, v3, vm0, $0xb8;
	[tilespmem:$0x10400] =	vst v63  }
0xc4: {  	s29 =	simm.s32 $0xB400  }
0xc5: {  	[tilespmem:s29], [sflag:$0x3] =	stream.indirect_vreg.gather [hbm4b:s5+s3], $0x80, v3, vm0, $0xb8;
	[tilespmem:$0x10400] =	vst v63  }
0xc6: {  	s29 =	simm.s32 $0xBC00  }
0xc7: {  	[tilespmem:s29], [sflag:$0x3] =	stream.indirect_vreg.gather [hbm4b:s6+s3], $0x80, v3, vm0, $0xb8;
	[tilespmem:$0x10400] =	vst v63  }
0xc8: {  	_ =	swait.ge [sflag:s21], $0x4000  }
0xc9: {  	[sflag:s21] =	ssyncset.done $0x0  }
0xca: {  	s8 =	rddreg [dreg:$0x8];
	[sflag:s21] =	ssyncadd.s32 $0xFFFFC000  }
0xcb: {  	[hbm4b:s8+s3] =	stream.linear.scatter [tilespmem:s17], [sflag:$0x5], $0x4000, $0x38;
	[tilespmem:$0x10400] =	vst v63  }
0xcc: {  	_ =	swait.ge [sflag:s28], $0x4000  }
0xcd: {  	[sflag:s28] =	ssyncset.done $0x0  }
0xce: {  	[sflag:s28] =	ssyncadd.s32 $0xFFFFC000  }
0xcf: {  	v3 =	vld [tilespmem:$0x380];
	_ =	sdelay $0x4  }
0xd0: {  	v63 =	vshll.u32 v3, $0x3  }
0xd1: {  	v3 =	vand.u32 $0x7, v3;
	v4 =	vand.u32 $0xFFFFFFC0, v63  }
0xd2: {  	v3 =	vor.u32 v3, v4  }
0xd3: {  	v4 =	vperm.xlane v3, v0;
	_ =	sdelay $0x1  }
0xd4: {  	v4 =	vadd.s32 v1, v4;
	_ =	sdelay $0x4  }
0xd5: {  	[tilespmem:s20], [sflag:$0x4] =	stream.indirect_vreg.gather [hbm4b:s2+s3], $0x80, v4, vm0, $0xb8;
	[tilespmem:$0x10400] =	vst v63  }
0xd6: {  	s29 =	simm.s32 $0xCC00;
	v3 =	vperm.xlane v3, v2  }
0xd7: {  	[tilespmem:s29], [sflag:$0x4] =	stream.indirect_vreg.gather [hbm4b:s4+s3], $0x80, v4, vm0, $0xb8;
	[tilespmem:$0x10400] =	vst v63  }
0xd8: {  	v3 =	vadd.s32 v1, v3;
	s29 =	simm.s32 $0xD400  }
0xd9: {  	[tilespmem:s29], [sflag:$0x4] =	stream.indirect_vreg.gather [hbm4b:s5+s3], $0x80, v4, vm0, $0xb8;
	[tilespmem:$0x10400] =	vst v63  }
0xda: {  	s29 =	simm.s32 $0xDC00  }
0xdb: {  	[tilespmem:s29], [sflag:$0x4] =	stream.indirect_vreg.gather [hbm4b:s6+s3], $0x80, v4, vm0, $0xb8;
	[tilespmem:$0x10400] =	vst v63  }
0xdc: {  	s29 =	simm.s32 $0xE400  }
0xdd: {  	[tilespmem:s29], [sflag:$0x4] =	stream.indirect_vreg.gather [hbm4b:s2+s3], $0x80, v3, vm0, $0xb8;
	[tilespmem:$0x10400] =	vst v63  }
0xde: {  	s29 =	simm.s32 $0xEC00  }
0xdf: {  	[tilespmem:s29], [sflag:$0x4] =	stream.indirect_vreg.gather [hbm4b:s4+s3], $0x80, v3, vm0, $0xb8;
	[tilespmem:$0x10400] =	vst v63  }
0xe0: {  	s29 =	simm.s32 $0xF400  }
0xe1: {  	[tilespmem:s29], [sflag:$0x4] =	stream.indirect_vreg.gather [hbm4b:s5+s3], $0x80, v3, vm0, $0xb8;
	[tilespmem:$0x10400] =	vst v63  }
0xe2: {  	s29 =	simm.s32 $0xFC00  }
0xe3: {  	[tilespmem:s29], [sflag:$0x4] =	stream.indirect_vreg.gather [hbm4b:s6+s3], $0x80, v3, vm0, $0xb8;
	[tilespmem:$0x10400] =	vst v63  }
0xe4: {  	_ =	swait.ge [sflag:s22], $0x4000  }
0xe5: {  	[sflag:s22] =	ssyncset.done $0x0  }
0xe6: {  	s8 =	rddreg [dreg:$0x9];
	[sflag:s22] =	ssyncadd.s32 $0xFFFFC000  }
0xe7: {  	[hbm4b:s8+s3] =	stream.linear.scatter [tilespmem:s25], [sflag:$0x6], $0x4000, $0x38;
	[tilespmem:$0x10400] =	vst v63  }
0xe8: {  	_ =	swait.ge [sflag:s0], $0x4000  }
0xe9: {  	[sflag:s0] =	ssyncset.done $0x0  }
0xea: {  	s8 =	rddreg [dreg:$0xa];
	[sflag:s0] =	ssyncadd.s32 $0xFFFFC000  }
0xeb: {  	[hbm4b:s8+s3] =	stream.linear.scatter [tilespmem:s10], [sflag:$0x7], $0x4000, $0x38;
	[tilespmem:$0x10400] =	vst v63  }
0xec: {  	_ =	swait.ge [sflag:s24], $0x4000  }
0xed: {  	[sflag:s24] =	ssyncset.done $0x0  }
0xee: {  	s22 =	rddreg [dreg:$0xb];
	[sflag:s24] =	ssyncadd.s32 $0xFFFFC000  }
0xef: {  	[hbm4b:s22+s3] =	stream.linear.scatter [tilespmem:s20], [sflag:$0x8], $0x4000, $0x38;
	[tilespmem:$0x10400] =	vst v63  }
0xf0: {  	_ =	swait.ge [sflag:s23], $0x4000  }
0xf1: {  	[sflag:s23] =	ssyncset.done $0x0  }
0xf2: {  	[sflag:s23] =	ssyncadd.s32 $0xFFFFC000  }
0xf3: {  	_ =	swait.ge [sflag:s1], $0x4000  }
0xf4: {  	[sflag:s1] =	ssyncset.done $0x0  }
0xf5: {  	[sflag:s1] =	ssyncadd.s32 $0xFFFFC000  }
0xf6: {  	p0 =	sne.s32 s7, $0x1;
	_ =	swait.ge [sflag:s26], $0x4000  }
.Ltmp0:
0xf7: {  	[sflag:s26] =	ssyncset.done $0x0;
	(pc) =	sbr.rel @p0 .LBB2_1-.Ltmp0, $4  }
0xf8: {  	[sflag:s26] =	ssyncadd.s32 $0xFFFFC000  }
0xf9: {  	_ =	swait.ge [sflag:s28], $0x4000  }
0xfa: {  	[sflag:s28] =	ssyncset.done $0x0  }
0xfb: {  	s7 =	sadd.s32 $0xFFFFFFFF, s7;
	[sflag:s28] =	ssyncadd.s32 $0xFFFFC000  }
0xfc: {  	_ =	sfence.sel $0x180000  }
0xfd: {  	[bflag:$0x0] =	sbarrier.arrive $0xFFFF  }
0xfe: {  	_ =	strace $0x90000050  }
0xff: {  	s0 =	stileid.u32;
	[bflag:$0x2] =	sbarrier.arrive $0xFFFF  }
0x100: {  	p0 =	sne.s32 s0, $0x0;
	s0 =	rddreg [dreg:$0x2]  }
0x101: {  	s0 =	sadd.s32 @!p0 $0x100000, s0  }
0x102: {  	[sflag:s0] =	ssyncadd.tile.s32 @!p0 $0x1;
	_ =	shalt  }
.Lfunc_end2:
_tile_overlayer_lowered:
.L_overlay_start_2:
0x103: {  	(tag) =	ssettag $0x2  }
0x104: {  	s0 =	rddreg [dreg:$0x0];
	s2 =	stileid.u32  }
0x105: {  	s1 =	rddreg [dreg:$0x1];
	p0 =	sne.s32 s2, $0x0  }
0x106: {  	s3 =	rddreg [dreg:$0x2];
	[bflag:$0x3] =	sbarrier.arrive $0xFFFF;
	s2 =	simm.s32 @!p0 $0x1C09  }
0x107: {  	[timem:s3], [sflag:s2] =	dma.local @!p0 [hbm:s0], s1  }
0x108: {  	s0 =	simm.s32 @!p0 $0x9  }
0x109: {  	_ =	swait.ge @!p0 [sflag:s0], s1  }
0x10a: {  	s1 =	ssub.s32 @!p0 $0x0, s1;
	[sflag:s0] =	ssyncset.done @!p0 $0x0  }
0x10b: {  	[sflag:s0] =	ssyncadd.s32 @!p0 s1  }
0x10c: {  	[bflag:$0x3] =	sbarrier.arrive $0xFFFF  }
0x10d: {  	_ =	shalt  }

</sc_bundles>
